<compile_context>
chip_gen: v7x
topology: tpu7x:2x2x1
jax: 0.10.2.dev20260603
libtpu: 0.0.44.dev20260713+nightly
codegen_flags: <defaults>
</compile_context>

<pallas_src>
import functools

import numpy as np

import jax
import jax.numpy as jnp
from jax import lax
from jax.experimental import pallas as pl
from jax.experimental.pallas import tpu as pltpu
from jax.experimental.pallas import tpu_sc as plsc

B = 16384
NUM_NUM = 13
F = 26
VOCAB = 100000
EMB = 32
HID = 128
OUT = 64
EPS = 1e-5

NC = 2
NS = 16
NW = NC * NS
FS = 28
TOT = B * FS
PER_W = TOT // NW
IDX_ROWS = PER_W // 128
CHUNK_ROWS = 8
NCHUNK = IDX_ROWS // CHUNK_ROWS
CHUNK = CHUNK_ROWS * 128


def _sc_gather(tables_flat, idxT):
    mesh = plsc.VectorSubcoreMesh(core_axis_name="c", subcore_axis_name="s")
    BW = B // NW

    @functools.partial(
        pl.kernel,
        mesh=mesh,
        compiler_params=pltpu.CompilerParams(use_tc_tiling_on_sc=False,
                                             needs_layout_passes=False),
        out_type=jax.ShapeDtypeStruct((TOT, EMB), jnp.float32),
        scratch_types=[
            pltpu.VMEM((FS, BW), jnp.int32),
            pltpu.VMEM((PER_W,), jnp.int32),
            pltpu.VMEM((CHUNK, EMB), jnp.float32),
            pltpu.SemaphoreType.DMA,
        ],
    )
    def k(tab_hbm, idxT_hbm, out_hbm, idxm, idxp, rows_v, sem):
        wid = lax.axis_index("s") * NC + lax.axis_index("c")
        pltpu.sync_copy(idxT_hbm.at[:, pl.ds(wid * BW, BW)], idxm)

        def octet_body(o, carry):
            for ti in range(FS * 8 // 16):
                t = lax.iota(jnp.int32, 16) + (16 * ti)
                q = t >> 5
                r = (t & 31) >> 2
                j = t & 3
                vals = plsc.load_gather(idxm, [4 * q + j, (o << 3) + r])
                idxp[pl.ds(o * (FS * 8) + 16 * ti, 16)] = vals
            return carry

        lax.fori_loop(0, BW // 8, octet_body, 0)

        def chunk_body(c, carry):
            copies = []
            for j in range(CHUNK_ROWS):
                copies.append(
                    pltpu.async_copy(
                        tab_hbm.at[idxp.at[pl.ds((c * CHUNK_ROWS + j) * 128,
                                                 128)]],
                        rows_v.at[pl.ds(j * 128, 128)],
                        sem,
                    )
                )
            for cp in copies:
                cp.wait()
            out_base = wid * PER_W + c * CHUNK
            pltpu.sync_copy(rows_v, out_hbm.at[pl.ds(out_base, CHUNK)])
            return carry

        lax.fori_loop(0, NCHUNK, chunk_body, 0)

    return k(tables_flat, idxT)


SB = 196
VROWS = SB * 128


RL_KS = 49
RL_STEPS = SB // RL_KS


def _relayout_body(in_ref, e_ref, out_ref):
    a = in_ref[0]
    e_sel = e_ref[...]
    for s in range(RL_KS):
        base = 512 * s
        if s % 4 == 0:
            out_ref[pl.ds(128 * s, 128), :] = jnp.concatenate(
                [a[:, base:base + 128].T,
                 a[:, base + 128:base + 256].T,
                 a[:, base + 256:base + 384].T,
                 a[:, base + 384:base + 512].T], axis=1)
        else:
            ab = a[:, base:base + 512].astype(jnp.bfloat16)
            mx = jax.lax.dot_general(
                ab[:, 0:128], e_sel[0],
                (((0,), (0,)), ((), ())), preferred_element_type=jnp.float32)
            for j in range(1, 4):
                mx = mx + jax.lax.dot_general(
                    ab[:, 128 * j:128 * (j + 1)], e_sel[j],
                    (((0,), (0,)), ((), ())),
                    preferred_element_type=jnp.float32)
            out_ref[pl.ds(128 * s, 128), :] = mx


def _relayout(tables_t):
    e_host = np.zeros((4, 32, 128), np.float32)
    for j in range(4):
        e_host[j, np.arange(32), 32 * j + np.arange(32)] = 1.0
    e_np = jnp.asarray(e_host, dtype=jnp.bfloat16)
    return pl.pallas_call(
        _relayout_body,
        grid=(F, RL_STEPS),
        compiler_params=pltpu.CompilerParams(
            fuse_transposed_lhs_in_matmul=True),
        in_specs=[
            pl.BlockSpec((1, EMB, 512 * RL_KS), lambda f, s: (f, 0, s)),
            pl.BlockSpec((4, EMB, 128), lambda f, s: (0, 0, 0)),
        ],
        out_specs=pl.BlockSpec((128 * RL_KS, 128),
                               lambda f, s: (f * RL_STEPS + s, 0)),
        out_shape=jax.ShapeDtypeStruct((F * VROWS, 128), jnp.float32),
    )(tables_t, e_np)


BT = 1024
T = B // BT


def _mlp1_body(xn_ref, xc_ref, w1n_ref, w1c_ref, b1_ref, h_ref, stats_ref):
    i = pl.program_id(0)
    h = jnp.dot(xn_ref[...], w1n_ref[...], preferred_element_type=jnp.float32)
    for q in range(FS // 4):
        xq = xc_ref[:, q].reshape(BT, 128)
        h = h + jnp.dot(xq, w1c_ref[q], preferred_element_type=jnp.float32)
    h = jnp.maximum(h + b1_ref[...], 0.0)
    h_ref[...] = h

    @pl.when(i == 0)
    def _():
        stats_ref[...] = jnp.zeros_like(stats_ref)

    stats_ref[0:1, :] += jnp.sum(h, axis=0, keepdims=True)
    stats_ref[1:2, :] += jnp.sum(h * h, axis=0, keepdims=True)


def _mlp1(xn, xc, W1n, W1c, b1):
    return pl.pallas_call(
        _mlp1_body,
        grid=(T,),
        in_specs=[
            pl.BlockSpec((BT, NUM_NUM), lambda i: (i, 0)),
            pl.BlockSpec((BT // 8, FS // 4, 8, 128), lambda i: (i, 0, 0, 0)),
            pl.BlockSpec((NUM_NUM, HID), lambda i: (0, 0)),
            pl.BlockSpec((FS // 4, 128, HID), lambda i: (0, 0, 0)),
            pl.BlockSpec((1, HID), lambda i: (0, 0)),
        ],
        out_specs=[
            pl.BlockSpec((BT, HID), lambda i: (i, 0)),
            pl.BlockSpec((2, HID), lambda i: (0, 0)),
        ],
        out_shape=[
            jax.ShapeDtypeStruct((B, HID), jnp.float32),
            jax.ShapeDtypeStruct((2, HID), jnp.float32),
        ],
    )(xn, xc, W1n, W1c, b1)


def _mlp2_body(h_ref, stats_ref, g_ref, be_ref, w2_ref, b2_ref, out_ref):
    stats = stats_ref[...]
    mean = stats[0:1, :] * (1.0 / B)
    var = stats[1:2, :] * (1.0 / B) - mean * mean
    inv = lax.rsqrt(var + EPS)
    scale = g_ref[...] * inv
    shift = be_ref[...] - mean * scale
    hn = h_ref[...] * scale + shift
    out_ref[...] = (
        lax.dot_general(w2_ref[...], hn, (((0,), (1,)), ((), ())),
                        preferred_element_type=jnp.float32)
        + b2_ref[...]
    )


def _mlp2(h, stats, gamma, beta, W2, b2):
    return pl.pallas_call(
        _mlp2_body,
        grid=(T,),
        in_specs=[
            pl.BlockSpec((BT, HID), lambda i: (i, 0)),
            pl.BlockSpec((2, HID), lambda i: (0, 0)),
            pl.BlockSpec((1, HID), lambda i: (0, 0)),
            pl.BlockSpec((1, HID), lambda i: (0, 0)),
            pl.BlockSpec((HID, OUT), lambda i: (0, 0)),
            pl.BlockSpec((OUT, 1), lambda i: (0, 0)),
        ],
        out_specs=pl.BlockSpec((OUT, BT), lambda i: (0, i)),
        out_shape=jax.ShapeDtypeStruct((OUT, B), jnp.float32),
    )(h, stats, gamma, beta, W2, b2)


def kernel(numerical_x, categorical_x, tables, W1, b1, gamma, beta, W2, b2):
    tables_flat = _relayout(tables.transpose(0, 2, 1)).reshape(F * VROWS * 4, EMB)
    cat = categorical_x.T
    idxT = (4 * ((cat >> 9) * 128 + (cat & 127)) + ((cat >> 7) & 3)
            + (jnp.arange(F, dtype=jnp.int32) * (4 * VROWS))[:, None])
    dummy = jnp.broadcast_to(idxT[0:1, :] & 0x7FFC, (FS - F, B))
    idxT_full = jnp.concatenate([idxT, dummy], axis=0)
    xcat = _sc_gather(tables_flat, idxT_full).reshape(B // 8, FS // 4, 8, 128)

    W1n = W1[:NUM_NUM]
    W1c = jnp.concatenate(
        [W1[NUM_NUM:], jnp.zeros(((FS - F) * EMB, HID), jnp.float32)],
        axis=0).reshape(FS // 4, 128, HID)
    h, stats = _mlp1(numerical_x, xcat, W1n, W1c, b1.reshape(1, HID))
    out_t = _mlp2(h, stats, gamma.reshape(1, HID), beta.reshape(1, HID), W2,
                  b2.reshape(OUT, 1))
    return out_t.T

# --- scband reference (transcript-rebuilt; emitter-appended) ---
"""Pipeline reference for scband-user-tower-34617436406231 (READ-ONLY COPY).

The authoritative reference and input builder live on the scoring server;
editing this copy changes nothing except your own understanding.
"""

import jax, jax.numpy as jnp
import numpy as np

B = 16384
NUM_NUM = 13
NUM_FIELDS = 26
VOCAB = 100000
EMB = 32
HID = 128
OUT = 64
EPS = 1e-5


def setup_inputs(seed: int = 0) -> dict:
    key = jax.random.key(seed)
    ks = jax.random.split(key, 8)
    numerical_x = jax.random.normal(ks[0], (B, NUM_NUM), dtype=jnp.float32)
    categorical_x = jax.random.randint(ks[1], (B, NUM_FIELDS), 0, VOCAB, dtype=jnp.int32)
    tables = jax.random.normal(ks[2], (NUM_FIELDS, VOCAB, EMB), dtype=jnp.float32) * 0.01
    mlp_in = NUM_NUM + NUM_FIELDS * EMB
    W1 = jax.random.normal(ks[3], (mlp_in, HID), dtype=jnp.float32) * (1.0 / np.sqrt(mlp_in))
    b1 = jnp.zeros((HID,), dtype=jnp.float32)
    gamma = jnp.ones((HID,), dtype=jnp.float32)
    beta = jnp.zeros((HID,), dtype=jnp.float32)
    W2 = jax.random.normal(ks[4], (HID, OUT), dtype=jnp.float32) * (1.0 / np.sqrt(HID))
    b2 = jnp.zeros((OUT,), dtype=jnp.float32)
    return {
        "numerical_x": numerical_x,
        "categorical_x": categorical_x,
        "tables": tables,
        "W1": W1,
        "b1": b1,
        "gamma": gamma,
        "beta": beta,
        "W2": W2,
        "b2": b2,
    }


def reference(numerical_x, categorical_x, tables, W1, b1, gamma, beta, W2, b2):
    # per-field embedding lookup (gather): tables[f][categorical_x[:, f]]
    field_ids = jnp.arange(NUM_FIELDS, dtype=jnp.int32)[None, :]  # [1, F]
    embeds = tables[field_ids, categorical_x]  # [B, F, EMB]
    x_cat = embeds.reshape(embeds.shape[0], NUM_FIELDS * EMB)
    x = jnp.concatenate([numerical_x, x_cat], axis=1)
    # Linear -> ReLU
    h = x @ W1 + b1
    h = jnp.maximum(h, 0.0)
    # BatchNorm1d (training-mode math: batch statistics); Dropout omitted (deterministic)
    mean = jnp.mean(h, axis=0)
    var = jnp.var(h, axis=0)
    h = (h - mean) / jnp.sqrt(var + EPS) * gamma + beta
    out = h @ W2 + b2
    return out

if __name__ == "__main__":
    import jax
    _d = setup_inputs()
    print(jax.jit(kernel)(*tuple(_d.values())))

</pallas_src>

<mosaic_0001>
#map = affine_map<(d0, d1) -> (0, 0)>
module attributes {stable_mosaic.version = 14 : i64} {
  func.func @k(%arg0: i32, %arg1: i32, %arg2: memref<2609152x32xf32, #tpu.memory_space<hbm>>, %arg3: memref<28x16384xi32, #tpu.memory_space<hbm>>, %arg4: memref<458752x32xf32, #tpu.memory_space<hbm>>, %arg5: memref<28x512xi32, #tpu.memory_space<vmem>>, %arg6: memref<14336xi32, #tpu.memory_space<vmem>>, %arg7: memref<1024x32xf32, #tpu.memory_space<vmem>>, %arg8: memref<!tpu.dma_semaphore, #tpu.memory_space<semaphore_mem>>) attributes {dimension_semantics = [#tpu.dimension_semantics<core_parallel>, #tpu.dimension_semantics<subcore_parallel>], iteration_bounds = array<i64: 2, 16>, scalar_prefetch = 0 : i64, scratch_operands = 4 : i64, tpu.core_type = #tpu.core_type<sc_vector_subcore>, window_params = [{transform_indices = #map}, {transform_indices = #map}, {transform_indices = #map}]} {
    %mul3A = arith.constant 2 : i32
    %mul3A_0 = arith.muli %arg1, %mul3A : i32
    %add3A = arith.addi %mul3A_0, %arg0 : i32
    %mul3A_1 = arith.constant 512 : i32
    %mul3A_2 = arith.muli %add3A, %mul3A_1 : i32
    "tpu.region"() ({
      %run_scoped3A = tpu.sem_alloc : memref<!tpu.dma_semaphore, #tpu.memory_space<semaphore_mem>>
      %dma_start3A = arith.constant 0 : i32
      %dma_start3A_14 = tpu.memref_slice %arg3[%dma_start3A, %mul3A_2] : memref<28x16384xi32, #tpu.memory_space<hbm>> -> memref<28x512xi32, #tpu.memory_space<hbm>>
      %dma_start3A_15 = arith.constant 0 : i32
      %dma_start3A_16 = tpu.memref_slice %arg3[%dma_start3A_15, %mul3A_2] : memref<28x16384xi32, #tpu.memory_space<hbm>> -> memref<28x512xi32, #tpu.memory_space<hbm>>
      tpu.enqueue_dma source(%dma_start3A_16 : memref<28x512xi32, #tpu.memory_space<hbm>>) target(%arg5 : memref<28x512xi32, #tpu.memory_space<vmem>>) target_semaphore(%run_scoped3A : memref<!tpu.dma_semaphore, #tpu.memory_space<semaphore_mem>>)
      %dma_wait3A = arith.constant 0 : i32
      %dma_wait3A_17 = tpu.memref_slice %arg3[%dma_wait3A, %mul3A_2] : memref<28x16384xi32, #tpu.memory_space<hbm>> -> memref<28x512xi32, #tpu.memory_space<hbm>>
      %dma_wait3A_18 = arith.constant 0 : i32
      %dma_wait3A_19 = tpu.memref_slice %arg3[%dma_wait3A_18, %mul3A_2] : memref<28x16384xi32, #tpu.memory_space<hbm>> -> memref<28x512xi32, #tpu.memory_space<hbm>>
      tpu.wait_dma2 semaphore(%run_scoped3A : memref<!tpu.dma_semaphore, #tpu.memory_space<semaphore_mem>>) src(%dma_wait3A_19 : memref<28x512xi32, #tpu.memory_space<hbm>>) dst(%arg5 : memref<28x512xi32, #tpu.memory_space<vmem>>)
      tpu.yield
    }) : () -> ()
    %scan3A = arith.constant 0 : i32
    %scan3A_3 = arith.constant 0 : i32
    %scan3A_4 = arith.constant 64 : i32
    %scan3A_5 = arith.addi %scan3A_3, %scan3A_4 : i32
    %scan3A_6 = arith.constant 1 : i32
    scf.for %scan3A_14 = %scan3A_3 to %scan3A_5 step %scan3A_6  : i32 {
      %iota3A = tpu.iota {dimensions = array<i32: 0>} : vector<16xi32>
      %add3A_15 = arith.constant 0 : i32
      %add3A_16 = vector.broadcast %add3A_15 : i32 to vector<16xi32>
      %add3A_17 = arith.addi %iota3A, %add3A_16 : vector<16xi32>
      %shift_right_arithmetic3A = arith.constant 5 : i32
      %shift_right_arithmetic3A_18 = vector.broadcast %shift_right_arithmetic3A : i32 to vector<16xi32>
      %shift_right_arithmetic3A_19 = arith.shrsi %add3A_17, %shift_right_arithmetic3A_18 : vector<16xi32>
      %and3A = arith.constant 31 : i32
      %and3A_20 = vector.broadcast %and3A : i32 to vector<16xi32>
      %and3A_21 = arith.andi %add3A_17, %and3A_20 : vector<16xi32>
      %shift_right_arithmetic3A_22 = arith.constant 2 : i32
      %shift_right_arithmetic3A_23 = vector.broadcast %shift_right_arithmetic3A_22 : i32 to vector<16xi32>
      %shift_right_arithmetic3A_24 = arith.shrsi %and3A_21, %shift_right_arithmetic3A_23 : vector<16xi32>
      %and3A_25 = arith.constant 3 : i32
      %and3A_26 = vector.broadcast %and3A_25 : i32 to vector<16xi32>
      %and3A_27 = arith.andi %add3A_17, %and3A_26 : vector<16xi32>
      %mul3A_28 = arith.constant 4 : i32
      %mul3A_29 = vector.broadcast %mul3A_28 : i32 to vector<16xi32>
      %mul3A_30 = arith.muli %mul3A_29, %shift_right_arithmetic3A_19 : vector<16xi32>
      %add3A_31 = arith.addi %mul3A_30, %and3A_27 : vector<16xi32>
      %shift_left3A = arith.constant 3 : i32
      %shift_left3A_32 = arith.shli %scan3A_14, %shift_left3A : i32
      %add3A_33 = vector.broadcast %shift_left3A_32 : i32 to vector<16xi32>
      %add3A_34 = arith.addi %add3A_33, %shift_right_arithmetic3A_24 : vector<16xi32>
      %gather3A = tpu.vector_load_idx %arg5[%add3A_31, %add3A_34] : memref<28x512xi32, #tpu.memory_space<vmem>>[vector<16xi32>, vector<16xi32>], vector<16xi32>,
      %mul3A_35 = arith.constant 224 : i32
      %mul3A_36 = arith.muli %scan3A_14, %mul3A_35 : i32
      %add3A_37 = arith.constant 0 : i32
      %add3A_38 = arith.addi %mul3A_36, %add3A_37 : i32
      %swap3A = arith.index_cast %add3A_38 : i32 to index
      %swap3A_39 = tpu.vector_load %arg6[%swap3A] {strides = array<i32>} : memref<14336xi32, #tpu.memory_space<vmem>>, vector<16xi32>,
      tpu.vector_store %arg6[%swap3A], %gather3A {strides = array<i32>} : memref<14336xi32, #tpu.memory_space<vmem>>, vector<16xi32>,
      %iota3A_40 = tpu.iota {dimensions = array<i32: 0>} : vector<16xi32>
      %add3A_41 = arith.constant 16 : i32
      %add3A_42 = vector.broadcast %add3A_41 : i32 to vector<16xi32>
      %add3A_43 = arith.addi %iota3A_40, %add3A_42 : vector<16xi32>
      %shift_right_arithmetic3A_44 = arith.constant 5 : i32
      %shift_right_arithmetic3A_45 = vector.broadcast %shift_right_arithmetic3A_44 : i32 to vector<16xi32>
      %shift_right_arithmetic3A_46 = arith.shrsi %add3A_43, %shift_right_arithmetic3A_45 : vector<16xi32>
      %and3A_47 = arith.constant 31 : i32
      %and3A_48 = vector.broadcast %and3A_47 : i32 to vector<16xi32>
      %and3A_49 = arith.andi %add3A_43, %and3A_48 : vector<16xi32>
      %shift_right_arithmetic3A_50 = arith.constant 2 : i32
      %shift_right_arithmetic3A_51 = vector.broadcast %shift_right_arithmetic3A_50 : i32 to vector<16xi32>
      %shift_right_arithmetic3A_52 = arith.shrsi %and3A_49, %shift_right_arithmetic3A_51 : vector<16xi32>
      %and3A_53 = arith.constant 3 : i32
      %and3A_54 = vector.broadcast %and3A_53 : i32 to vector<16xi32>
      %and3A_55 = arith.andi %add3A_43, %and3A_54 : vector<16xi32>
      %mul3A_56 = arith.constant 4 : i32
      %mul3A_57 = vector.broadcast %mul3A_56 : i32 to vector<16xi32>
      %mul3A_58 = arith.muli %mul3A_57, %shift_right_arithmetic3A_46 : vector<16xi32>
      %add3A_59 = arith.addi %mul3A_58, %and3A_55 : vector<16xi32>
      %shift_left3A_60 = arith.constant 3 : i32
      %shift_left3A_61 = arith.shli %scan3A_14, %shift_left3A_60 : i32
      %add3A_62 = vector.broadcast %shift_left3A_61 : i32 to vector<16xi32>
      %add3A_63 = arith.addi %add3A_62, %shift_right_arithmetic3A_52 : vector<16xi32>
      %gather3A_64 = tpu.vector_load_idx %arg5[%add3A_59, %add3A_63] : memref<28x512xi32, #tpu.memory_space<vmem>>[vector<16xi32>, vector<16xi32>], vector<16xi32>,
      %mul3A_65 = arith.constant 224 : i32
      %mul3A_66 = arith.muli %scan3A_14, %mul3A_65 : i32
      %add3A_67 = arith.constant 16 : i32
      %add3A_68 = arith.addi %mul3A_66, %add3A_67 : i32
      %swap3A_69 = arith.index_cast %add3A_68 : i32 to index
      %swap3A_70 = tpu.vector_load %arg6[%swap3A_69] {strides = array<i32>} : memref<14336xi32, #tpu.memory_space<vmem>>, vector<16xi32>,
      tpu.vector_store %arg6[%swap3A_69], %gather3A_64 {strides = array<i32>} : memref<14336xi32, #tpu.memory_space<vmem>>, vector<16xi32>,
      %iota3A_71 = tpu.iota {dimensions = array<i32: 0>} : vector<16xi32>
      %add3A_72 = arith.constant 32 : i32
      %add3A_73 = vector.broadcast %add3A_72 : i32 to vector<16xi32>
      %add3A_74 = arith.addi %iota3A_71, %add3A_73 : vector<16xi32>
      %shift_right_arithmetic3A_75 = arith.constant 5 : i32
      %shift_right_arithmetic3A_76 = vector.broadcast %shift_right_arithmetic3A_75 : i32 to vector<16xi32>
      %shift_right_arithmetic3A_77 = arith.shrsi %add3A_74, %shift_right_arithmetic3A_76 : vector<16xi32>
      %and3A_78 = arith.constant 31 : i32
      %and3A_79 = vector.broadcast %and3A_78 : i32 to vector<16xi32>
      %and3A_80 = arith.andi %add3A_74, %and3A_79 : vector<16xi32>
      %shift_right_arithmetic3A_81 = arith.constant 2 : i32
      %shift_right_arithmetic3A_82 = vector.broadcast %shift_right_arithmetic3A_81 : i32 to vector<16xi32>
      %shift_right_arithmetic3A_83 = arith.shrsi %and3A_80, %shift_right_arithmetic3A_82 : vector<16xi32>
      %and3A_84 = arith.constant 3 : i32
      %and3A_85 = vector.broadcast %and3A_84 : i32 to vector<16xi32>
      %and3A_86 = arith.andi %add3A_74, %and3A_85 : vector<16xi32>
      %mul3A_87 = arith.constant 4 : i32
      %mul3A_88 = vector.broadcast %mul3A_87 : i32 to vector<16xi32>
      %mul3A_89 = arith.muli %mul3A_88, %shift_right_arithmetic3A_77 : vector<16xi32>
      %add3A_90 = arith.addi %mul3A_89, %and3A_86 : vector<16xi32>
      %shift_left3A_91 = arith.constant 3 : i32
      %shift_left3A_92 = arith.shli %scan3A_14, %shift_left3A_91 : i32
      %add3A_93 = vector.broadcast %shift_left3A_92 : i32 to vector<16xi32>
      %add3A_94 = arith.addi %add3A_93, %shift_right_arithmetic3A_83 : vector<16xi32>
      %gather3A_95 = tpu.vector_load_idx %arg5[%add3A_90, %add3A_94] : memref<28x512xi32, #tpu.memory_space<vmem>>[vector<16xi32>, vector<16xi32>], vector<16xi32>,
      %mul3A_96 = arith.constant 224 : i32
      %mul3A_97 = arith.muli %scan3A_14, %mul3A_96 : i32
      %add3A_98 = arith.constant 32 : i32
      %add3A_99 = arith.addi %mul3A_97, %add3A_98 : i32
      %swap3A_100 = arith.index_cast %add3A_99 : i32 to index
      %swap3A_101 = tpu.vector_load %arg6[%swap3A_100] {strides = array<i32>} : memref<14336xi32, #tpu.memory_space<vmem>>, vector<16xi32>,
      tpu.vector_store %arg6[%swap3A_100], %gather3A_95 {strides = array<i32>} : memref<14336xi32, #tpu.memory_space<vmem>>, vector<16xi32>,
      %iota3A_102 = tpu.iota {dimensions = array<i32: 0>} : vector<16xi32>
      %add3A_103 = arith.constant 48 : i32
      %add3A_104 = vector.broadcast %add3A_103 : i32 to vector<16xi32>
      %add3A_105 = arith.addi %iota3A_102, %add3A_104 : vector<16xi32>
      %shift_right_arithmetic3A_106 = arith.constant 5 : i32
      %shift_right_arithmetic3A_107 = vector.broadcast %shift_right_arithmetic3A_106 : i32 to vector<16xi32>
      %shift_right_arithmetic3A_108 = arith.shrsi %add3A_105, %shift_right_arithmetic3A_107 : vector<16xi32>
      %and3A_109 = arith.constant 31 : i32
      %and3A_110 = vector.broadcast %and3A_109 : i32 to vector<16xi32>
      %and3A_111 = arith.andi %add3A_105, %and3A_110 : vector<16xi32>
      %shift_right_arithmetic3A_112 = arith.constant 2 : i32
      %shift_right_arithmetic3A_113 = vector.broadcast %shift_right_arithmetic3A_112 : i32 to vector<16xi32>
      %shift_right_arithmetic3A_114 = arith.shrsi %and3A_111, %shift_right_arithmetic3A_113 : vector<16xi32>
      %and3A_115 = arith.constant 3 : i32
      %and3A_116 = vector.broadcast %and3A_115 : i32 to vector<16xi32>
      %and3A_117 = arith.andi %add3A_105, %and3A_116 : vector<16xi32>
      %mul3A_118 = arith.constant 4 : i32
      %mul3A_119 = vector.broadcast %mul3A_118 : i32 to vector<16xi32>
      %mul3A_120 = arith.muli %mul3A_119, %shift_right_arithmetic3A_108 : vector<16xi32>
      %add3A_121 = arith.addi %mul3A_120, %and3A_117 : vector<16xi32>
      %shift_left3A_122 = arith.constant 3 : i32
      %shift_left3A_123 = arith.shli %scan3A_14, %shift_left3A_122 : i32
      %add3A_124 = vector.broadcast %shift_left3A_123 : i32 to vector<16xi32>
      %add3A_125 = arith.addi %add3A_124, %shift_right_arithmetic3A_114 : vector<16xi32>
      %gather3A_126 = tpu.vector_load_idx %arg5[%add3A_121, %add3A_125] : memref<28x512xi32, #tpu.memory_space<vmem>>[vector<16xi32>, vector<16xi32>], vector<16xi32>,
      %mul3A_127 = arith.constant 224 : i32
      %mul3A_128 = arith.muli %scan3A_14, %mul3A_127 : i32
      %add3A_129 = arith.constant 48 : i32
      %add3A_130 = arith.addi %mul3A_128, %add3A_129 : i32
      %swap3A_131 = arith.index_cast %add3A_130 : i32 to index
      %swap3A_132 = tpu.vector_load %arg6[%swap3A_131] {strides = array<i32>} : memref<14336xi32, #tpu.memory_space<vmem>>, vector<16xi32>,
      tpu.vector_store %arg6[%swap3A_131], %gather3A_126 {strides = array<i32>} : memref<14336xi32, #tpu.memory_space<vmem>>, vector<16xi32>,
      %iota3A_133 = tpu.iota {dimensions = array<i32: 0>} : vector<16xi32>
      %add3A_134 = arith.constant 64 : i32
      %add3A_135 = vector.broadcast %add3A_134 : i32 to vector<16xi32>
      %add3A_136 = arith.addi %iota3A_133, %add3A_135 : vector<16xi32>
      %shift_right_arithmetic3A_137 = arith.constant 5 : i32
      %shift_right_arithmetic3A_138 = vector.broadcast %shift_right_arithmetic3A_137 : i32 to vector<16xi32>
      %shift_right_arithmetic3A_139 = arith.shrsi %add3A_136, %shift_right_arithmetic3A_138 : vector<16xi32>
      %and3A_140 = arith.constant 31 : i32
      %and3A_141 = vector.broadcast %and3A_140 : i32 to vector<16xi32>
      %and3A_142 = arith.andi %add3A_136, %and3A_141 : vector<16xi32>
      %shift_right_arithmetic3A_143 = arith.constant 2 : i32
      %shift_right_arithmetic3A_144 = vector.broadcast %shift_right_arithmetic3A_143 : i32 to vector<16xi32>
      %shift_right_arithmetic3A_145 = arith.shrsi %and3A_142, %shift_right_arithmetic3A_144 : vector<16xi32>
      %and3A_146 = arith.constant 3 : i32
      %and3A_147 = vector.broadcast %and3A_146 : i32 to vector<16xi32>
      %and3A_148 = arith.andi %add3A_136, %and3A_147 : vector<16xi32>
      %mul3A_149 = arith.constant 4 : i32
      %mul3A_150 = vector.broadcast %mul3A_149 : i32 to vector<16xi32>
      %mul3A_151 = arith.muli %mul3A_150, %shift_right_arithmetic3A_139 : vector<16xi32>
      %add3A_152 = arith.addi %mul3A_151, %and3A_148 : vector<16xi32>
      %shift_left3A_153 = arith.constant 3 : i32
      %shift_left3A_154 = arith.shli %scan3A_14, %shift_left3A_153 : i32
      %add3A_155 = vector.broadcast %shift_left3A_154 : i32 to vector<16xi32>
      %add3A_156 = arith.addi %add3A_155, %shift_right_arithmetic3A_145 : vector<16xi32>
      %gather3A_157 = tpu.vector_load_idx %arg5[%add3A_152, %add3A_156] : memref<28x512xi32, #tpu.memory_space<vmem>>[vector<16xi32>, vector<16xi32>], vector<16xi32>,
      %mul3A_158 = arith.constant 224 : i32
      %mul3A_159 = arith.muli %scan3A_14, %mul3A_158 : i32
      %add3A_160 = arith.constant 64 : i32
      %add3A_161 = arith.addi %mul3A_159, %add3A_160 : i32
      %swap3A_162 = arith.index_cast %add3A_161 : i32 to index
      %swap3A_163 = tpu.vector_load %arg6[%swap3A_162] {strides = array<i32>} : memref<14336xi32, #tpu.memory_space<vmem>>, vector<16xi32>,
      tpu.vector_store %arg6[%swap3A_162], %gather3A_157 {strides = array<i32>} : memref<14336xi32, #tpu.memory_space<vmem>>, vector<16xi32>,
      %iota3A_164 = tpu.iota {dimensions = array<i32: 0>} : vector<16xi32>
      %add3A_165 = arith.constant 80 : i32
      %add3A_166 = vector.broadcast %add3A_165 : i32 to vector<16xi32>
      %add3A_167 = arith.addi %iota3A_164, %add3A_166 : vector<16xi32>
      %shift_right_arithmetic3A_168 = arith.constant 5 : i32
      %shift_right_arithmetic3A_169 = vector.broadcast %shift_right_arithmetic3A_168 : i32 to vector<16xi32>
      %shift_right_arithmetic3A_170 = arith.shrsi %add3A_167, %shift_right_arithmetic3A_169 : vector<16xi32>
      %and3A_171 = arith.constant 31 : i32
      %and3A_172 = vector.broadcast %and3A_171 : i32 to vector<16xi32>
      %and3A_173 = arith.andi %add3A_167, %and3A_172 : vector<16xi32>
      %shift_right_arithmetic3A_174 = arith.constant 2 : i32
      %shift_right_arithmetic3A_175 = vector.broadcast %shift_right_arithmetic3A_174 : i32 to vector<16xi32>
      %shift_right_arithmetic3A_176 = arith.shrsi %and3A_173, %shift_right_arithmetic3A_175 : vector<16xi32>
      %and3A_177 = arith.constant 3 : i32
      %and3A_178 = vector.broadcast %and3A_177 : i32 to vector<16xi32>
      %and3A_179 = arith.andi %add3A_167, %and3A_178 : vector<16xi32>
      %mul3A_180 = arith.constant 4 : i32
      %mul3A_181 = vector.broadcast %mul3A_180 : i32 to vector<16xi32>
      %mul3A_182 = arith.muli %mul3A_181, %shift_right_arithmetic3A_170 : vector<16xi32>
      %add3A_183 = arith.addi %mul3A_182, %and3A_179 : vector<16xi32>
      %shift_left3A_184 = arith.constant 3 : i32
      %shift_left3A_185 = arith.shli %scan3A_14, %shift_left3A_184 : i32
      %add3A_186 = vector.broadcast %shift_left3A_185 : i32 to vector<16xi32>
      %add3A_187 = arith.addi %add3A_186, %shift_right_arithmetic3A_176 : vector<16xi32>
      %gather3A_188 = tpu.vector_load_idx %arg5[%add3A_183, %add3A_187] : memref<28x512xi32, #tpu.memory_space<vmem>>[vector<16xi32>, vector<16xi32>], vector<16xi32>,
      %mul3A_189 = arith.constant 224 : i32
      %mul3A_190 = arith.muli %scan3A_14, %mul3A_189 : i32
      %add3A_191 = arith.constant 80 : i32
      %add3A_192 = arith.addi %mul3A_190, %add3A_191 : i32
      %swap3A_193 = arith.index_cast %add3A_192 : i32 to index
      %swap3A_194 = tpu.vector_load %arg6[%swap3A_193] {strides = array<i32>} : memref<14336xi32, #tpu.memory_space<vmem>>, vector<16xi32>,
      tpu.vector_store %arg6[%swap3A_193], %gather3A_188 {strides = array<i32>} : memref<14336xi32, #tpu.memory_space<vmem>>, vector<16xi32>,
      %iota3A_195 = tpu.iota {dimensions = array<i32: 0>} : vector<16xi32>
      %add3A_196 = arith.constant 96 : i32
      %add3A_197 = vector.broadcast %add3A_196 : i32 to vector<16xi32>
      %add3A_198 = arith.addi %iota3A_195, %add3A_197 : vector<16xi32>
      %shift_right_arithmetic3A_199 = arith.constant 5 : i32
      %shift_right_arithmetic3A_200 = vector.broadcast %shift_right_arithmetic3A_199 : i32 to vector<16xi32>
      %shift_right_arithmetic3A_201 = arith.shrsi %add3A_198, %shift_right_arithmetic3A_200 : vector<16xi32>
      %and3A_202 = arith.constant 31 : i32
      %and3A_203 = vector.broadcast %and3A_202 : i32 to vector<16xi32>
      %and3A_204 = arith.andi %add3A_198, %and3A_203 : vector<16xi32>
      %shift_right_arithmetic3A_205 = arith.constant 2 : i32
      %shift_right_arithmetic3A_206 = vector.broadcast %shift_right_arithmetic3A_205 : i32 to vector<16xi32>
      %shift_right_arithmetic3A_207 = arith.shrsi %and3A_204, %shift_right_arithmetic3A_206 : vector<16xi32>
      %and3A_208 = arith.constant 3 : i32
      %and3A_209 = vector.broadcast %and3A_208 : i32 to vector<16xi32>
      %and3A_210 = arith.andi %add3A_198, %and3A_209 : vector<16xi32>
      %mul3A_211 = arith.constant 4 : i32
      %mul3A_212 = vector.broadcast %mul3A_211 : i32 to vector<16xi32>
      %mul3A_213 = arith.muli %mul3A_212, %shift_right_arithmetic3A_201 : vector<16xi32>
      %add3A_214 = arith.addi %mul3A_213, %and3A_210 : vector<16xi32>
      %shift_left3A_215 = arith.constant 3 : i32
      %shift_left3A_216 = arith.shli %scan3A_14, %shift_left3A_215 : i32
      %add3A_217 = vector.broadcast %shift_left3A_216 : i32 to vector<16xi32>
      %add3A_218 = arith.addi %add3A_217, %shift_right_arithmetic3A_207 : vector<16xi32>
      %gather3A_219 = tpu.vector_load_idx %arg5[%add3A_214, %add3A_218] : memref<28x512xi32, #tpu.memory_space<vmem>>[vector<16xi32>, vector<16xi32>], vector<16xi32>,
      %mul3A_220 = arith.constant 224 : i32
      %mul3A_221 = arith.muli %scan3A_14, %mul3A_220 : i32
      %add3A_222 = arith.constant 96 : i32
      %add3A_223 = arith.addi %mul3A_221, %add3A_222 : i32
      %swap3A_224 = arith.index_cast %add3A_223 : i32 to index
      %swap3A_225 = tpu.vector_load %arg6[%swap3A_224] {strides = array<i32>} : memref<14336xi32, #tpu.memory_space<vmem>>, vector<16xi32>,
      tpu.vector_store %arg6[%swap3A_224], %gather3A_219 {strides = array<i32>} : memref<14336xi32, #tpu.memory_space<vmem>>, vector<16xi32>,
      %iota3A_226 = tpu.iota {dimensions = array<i32: 0>} : vector<16xi32>
      %add3A_227 = arith.constant 112 : i32
      %add3A_228 = vector.broadcast %add3A_227 : i32 to vector<16xi32>
      %add3A_229 = arith.addi %iota3A_226, %add3A_228 : vector<16xi32>
      %shift_right_arithmetic3A_230 = arith.constant 5 : i32
      %shift_right_arithmetic3A_231 = vector.broadcast %shift_right_arithmetic3A_230 : i32 to vector<16xi32>
      %shift_right_arithmetic3A_232 = arith.shrsi %add3A_229, %shift_right_arithmetic3A_231 : vector<16xi32>
      %and3A_233 = arith.constant 31 : i32
      %and3A_234 = vector.broadcast %and3A_233 : i32 to vector<16xi32>
      %and3A_235 = arith.andi %add3A_229, %and3A_234 : vector<16xi32>
      %shift_right_arithmetic3A_236 = arith.constant 2 : i32
      %shift_right_arithmetic3A_237 = vector.broadcast %shift_right_arithmetic3A_236 : i32 to vector<16xi32>
      %shift_right_arithmetic3A_238 = arith.shrsi %and3A_235, %shift_right_arithmetic3A_237 : vector<16xi32>
      %and3A_239 = arith.constant 3 : i32
      %and3A_240 = vector.broadcast %and3A_239 : i32 to vector<16xi32>
      %and3A_241 = arith.andi %add3A_229, %and3A_240 : vector<16xi32>
      %mul3A_242 = arith.constant 4 : i32
      %mul3A_243 = vector.broadcast %mul3A_242 : i32 to vector<16xi32>
      %mul3A_244 = arith.muli %mul3A_243, %shift_right_arithmetic3A_232 : vector<16xi32>
      %add3A_245 = arith.addi %mul3A_244, %and3A_241 : vector<16xi32>
      %shift_left3A_246 = arith.constant 3 : i32
      %shift_left3A_247 = arith.shli %scan3A_14, %shift_left3A_246 : i32
      %add3A_248 = vector.broadcast %shift_left3A_247 : i32 to vector<16xi32>
      %add3A_249 = arith.addi %add3A_248, %shift_right_arithmetic3A_238 : vector<16xi32>
      %gather3A_250 = tpu.vector_load_idx %arg5[%add3A_245, %add3A_249] : memref<28x512xi32, #tpu.memory_space<vmem>>[vector<16xi32>, vector<16xi32>], vector<16xi32>,
      %mul3A_251 = arith.constant 224 : i32
      %mul3A_252 = arith.muli %scan3A_14, %mul3A_251 : i32
      %add3A_253 = arith.constant 112 : i32
      %add3A_254 = arith.addi %mul3A_252, %add3A_253 : i32
      %swap3A_255 = arith.index_cast %add3A_254 : i32 to index
      %swap3A_256 = tpu.vector_load %arg6[%swap3A_255] {strides = array<i32>} : memref<14336xi32, #tpu.memory_space<vmem>>, vector<16xi32>,
      tpu.vector_store %arg6[%swap3A_255], %gather3A_250 {strides = array<i32>} : memref<14336xi32, #tpu.memory_space<vmem>>, vector<16xi32>,
      %iota3A_257 = tpu.iota {dimensions = array<i32: 0>} : vector<16xi32>
      %add3A_258 = arith.constant 128 : i32
      %add3A_259 = vector.broadcast %add3A_258 : i32 to vector<16xi32>
      %add3A_260 = arith.addi %iota3A_257, %add3A_259 : vector<16xi32>
      %shift_right_arithmetic3A_261 = arith.constant 5 : i32
      %shift_right_arithmetic3A_262 = vector.broadcast %shift_right_arithmetic3A_261 : i32 to vector<16xi32>
      %shift_right_arithmetic3A_263 = arith.shrsi %add3A_260, %shift_right_arithmetic3A_262 : vector<16xi32>
      %and3A_264 = arith.constant 31 : i32
      %and3A_265 = vector.broadcast %and3A_264 : i32 to vector<16xi32>
      %and3A_266 = arith.andi %add3A_260, %and3A_265 : vector<16xi32>
      %shift_right_arithmetic3A_267 = arith.constant 2 : i32
      %shift_right_arithmetic3A_268 = vector.broadcast %shift_right_arithmetic3A_267 : i32 to vector<16xi32>
      %shift_right_arithmetic3A_269 = arith.shrsi %and3A_266, %shift_right_arithmetic3A_268 : vector<16xi32>
      %and3A_270 = arith.constant 3 : i32
      %and3A_271 = vector.broadcast %and3A_270 : i32 to vector<16xi32>
      %and3A_272 = arith.andi %add3A_260, %and3A_271 : vector<16xi32>
      %mul3A_273 = arith.constant 4 : i32
      %mul3A_274 = vector.broadcast %mul3A_273 : i32 to vector<16xi32>
      %mul3A_275 = arith.muli %mul3A_274, %shift_right_arithmetic3A_263 : vector<16xi32>
      %add3A_276 = arith.addi %mul3A_275, %and3A_272 : vector<16xi32>
      %shift_left3A_277 = arith.constant 3 : i32
      %shift_left3A_278 = arith.shli %scan3A_14, %shift_left3A_277 : i32
      %add3A_279 = vector.broadcast %shift_left3A_278 : i32 to vector<16xi32>
      %add3A_280 = arith.addi %add3A_279, %shift_right_arithmetic3A_269 : vector<16xi32>
      %gather3A_281 = tpu.vector_load_idx %arg5[%add3A_276, %add3A_280] : memref<28x512xi32, #tpu.memory_space<vmem>>[vector<16xi32>, vector<16xi32>], vector<16xi32>,
      %mul3A_282 = arith.constant 224 : i32
      %mul3A_283 = arith.muli %scan3A_14, %mul3A_282 : i32
      %add3A_284 = arith.constant 128 : i32
      %add3A_285 = arith.addi %mul3A_283, %add3A_284 : i32
      %swap3A_286 = arith.index_cast %add3A_285 : i32 to index
      %swap3A_287 = tpu.vector_load %arg6[%swap3A_286] {strides = array<i32>} : memref<14336xi32, #tpu.memory_space<vmem>>, vector<16xi32>,
      tpu.vector_store %arg6[%swap3A_286], %gather3A_281 {strides = array<i32>} : memref<14336xi32, #tpu.memory_space<vmem>>, vector<16xi32>,
      %iota3A_288 = tpu.iota {dimensions = array<i32: 0>} : vector<16xi32>
      %add3A_289 = arith.constant 144 : i32
      %add3A_290 = vector.broadcast %add3A_289 : i32 to vector<16xi32>
      %add3A_291 = arith.addi %iota3A_288, %add3A_290 : vector<16xi32>
      %shift_right_arithmetic3A_292 = arith.constant 5 : i32
      %shift_right_arithmetic3A_293 = vector.broadcast %shift_right_arithmetic3A_292 : i32 to vector<16xi32>
      %shift_right_arithmetic3A_294 = arith.shrsi %add3A_291, %shift_right_arithmetic3A_293 : vector<16xi32>
      %and3A_295 = arith.constant 31 : i32
      %and3A_296 = vector.broadcast %and3A_295 : i32 to vector<16xi32>
      %and3A_297 = arith.andi %add3A_291, %and3A_296 : vector<16xi32>
      %shift_right_arithmetic3A_298 = arith.constant 2 : i32
      %shift_right_arithmetic3A_299 = vector.broadcast %shift_right_arithmetic3A_298 : i32 to vector<16xi32>
      %shift_right_arithmetic3A_300 = arith.shrsi %and3A_297, %shift_right_arithmetic3A_299 : vector<16xi32>
      %and3A_301 = arith.constant 3 : i32
      %and3A_302 = vector.broadcast %and3A_301 : i32 to vector<16xi32>
      %and3A_303 = arith.andi %add3A_291, %and3A_302 : vector<16xi32>
      %mul3A_304 = arith.constant 4 : i32
      %mul3A_305 = vector.broadcast %mul3A_304 : i32 to vector<16xi32>
      %mul3A_306 = arith.muli %mul3A_305, %shift_right_arithmetic3A_294 : vector<16xi32>
      %add3A_307 = arith.addi %mul3A_306, %and3A_303 : vector<16xi32>
      %shift_left3A_308 = arith.constant 3 : i32
      %shift_left3A_309 = arith.shli %scan3A_14, %shift_left3A_308 : i32
      %add3A_310 = vector.broadcast %shift_left3A_309 : i32 to vector<16xi32>
      %add3A_311 = arith.addi %add3A_310, %shift_right_arithmetic3A_300 : vector<16xi32>
      %gather3A_312 = tpu.vector_load_idx %arg5[%add3A_307, %add3A_311] : memref<28x512xi32, #tpu.memory_space<vmem>>[vector<16xi32>, vector<16xi32>], vector<16xi32>,
      %mul3A_313 = arith.constant 224 : i32
      %mul3A_314 = arith.muli %scan3A_14, %mul3A_313 : i32
      %add3A_315 = arith.constant 144 : i32
      %add3A_316 = arith.addi %mul3A_314, %add3A_315 : i32
      %swap3A_317 = arith.index_cast %add3A_316 : i32 to index
      %swap3A_318 = tpu.vector_load %arg6[%swap3A_317] {strides = array<i32>} : memref<14336xi32, #tpu.memory_space<vmem>>, vector<16xi32>,
      tpu.vector_store %arg6[%swap3A_317], %gather3A_312 {strides = array<i32>} : memref<14336xi32, #tpu.memory_space<vmem>>, vector<16xi32>,
      %iota3A_319 = tpu.iota {dimensions = array<i32: 0>} : vector<16xi32>
      %add3A_320 = arith.constant 160 : i32
      %add3A_321 = vector.broadcast %add3A_320 : i32 to vector<16xi32>
      %add3A_322 = arith.addi %iota3A_319, %add3A_321 : vector<16xi32>
      %shift_right_arithmetic3A_323 = arith.constant 5 : i32
      %shift_right_arithmetic3A_324 = vector.broadcast %shift_right_arithmetic3A_323 : i32 to vector<16xi32>
      %shift_right_arithmetic3A_325 = arith.shrsi %add3A_322, %shift_right_arithmetic3A_324 : vector<16xi32>
      %and3A_326 = arith.constant 31 : i32
      %and3A_327 = vector.broadcast %and3A_326 : i32 to vector<16xi32>
      %and3A_328 = arith.andi %add3A_322, %and3A_327 : vector<16xi32>
      %shift_right_arithmetic3A_329 = arith.constant 2 : i32
      %shift_right_arithmetic3A_330 = vector.broadcast %shift_right_arithmetic3A_329 : i32 to vector<16xi32>
      %shift_right_arithmetic3A_331 = arith.shrsi %and3A_328, %shift_right_arithmetic3A_330 : vector<16xi32>
      %and3A_332 = arith.constant 3 : i32
      %and3A_333 = vector.broadcast %and3A_332 : i32 to vector<16xi32>
      %and3A_334 = arith.andi %add3A_322, %and3A_333 : vector<16xi32>
      %mul3A_335 = arith.constant 4 : i32
      %mul3A_336 = vector.broadcast %mul3A_335 : i32 to vector<16xi32>
      %mul3A_337 = arith.muli %mul3A_336, %shift_right_arithmetic3A_325 : vector<16xi32>
      %add3A_338 = arith.addi %mul3A_337, %and3A_334 : vector<16xi32>
      %shift_left3A_339 = arith.constant 3 : i32
      %shift_left3A_340 = arith.shli %scan3A_14, %shift_left3A_339 : i32
      %add3A_341 = vector.broadcast %shift_left3A_340 : i32 to vector<16xi32>
      %add3A_342 = arith.addi %add3A_341, %shift_right_arithmetic3A_331 : vector<16xi32>
      %gather3A_343 = tpu.vector_load_idx %arg5[%add3A_338, %add3A_342] : memref<28x512xi32, #tpu.memory_space<vmem>>[vector<16xi32>, vector<16xi32>], vector<16xi32>,
      %mul3A_344 = arith.constant 224 : i32
      %mul3A_345 = arith.muli %scan3A_14, %mul3A_344 : i32
      %add3A_346 = arith.constant 160 : i32
      %add3A_347 = arith.addi %mul3A_345, %add3A_346 : i32
      %swap3A_348 = arith.index_cast %add3A_347 : i32 to index
      %swap3A_349 = tpu.vector_load %arg6[%swap3A_348] {strides = array<i32>} : memref<14336xi32, #tpu.memory_space<vmem>>, vector<16xi32>,
      tpu.vector_store %arg6[%swap3A_348], %gather3A_343 {strides = array<i32>} : memref<14336xi32, #tpu.memory_space<vmem>>, vector<16xi32>,
      %iota3A_350 = tpu.iota {dimensions = array<i32: 0>} : vector<16xi32>
      %add3A_351 = arith.constant 176 : i32
      %add3A_352 = vector.broadcast %add3A_351 : i32 to vector<16xi32>
      %add3A_353 = arith.addi %iota3A_350, %add3A_352 : vector<16xi32>
      %shift_right_arithmetic3A_354 = arith.constant 5 : i32
      %shift_right_arithmetic3A_355 = vector.broadcast %shift_right_arithmetic3A_354 : i32 to vector<16xi32>
      %shift_right_arithmetic3A_356 = arith.shrsi %add3A_353, %shift_right_arithmetic3A_355 : vector<16xi32>
      %and3A_357 = arith.constant 31 : i32
      %and3A_358 = vector.broadcast %and3A_357 : i32 to vector<16xi32>
      %and3A_359 = arith.andi %add3A_353, %and3A_358 : vector<16xi32>
      %shift_right_arithmetic3A_360 = arith.constant 2 : i32
      %shift_right_arithmetic3A_361 = vector.broadcast %shift_right_arithmetic3A_360 : i32 to vector<16xi32>
      %shift_right_arithmetic3A_362 = arith.shrsi %and3A_359, %shift_right_arithmetic3A_361 : vector<16xi32>
      %and3A_363 = arith.constant 3 : i32
      %and3A_364 = vector.broadcast %and3A_363 : i32 to vector<16xi32>
      %and3A_365 = arith.andi %add3A_353, %and3A_364 : vector<16xi32>
      %mul3A_366 = arith.constant 4 : i32
      %mul3A_367 = vector.broadcast %mul3A_366 : i32 to vector<16xi32>
      %mul3A_368 = arith.muli %mul3A_367, %shift_right_arithmetic3A_356 : vector<16xi32>
      %add3A_369 = arith.addi %mul3A_368, %and3A_365 : vector<16xi32>
      %shift_left3A_370 = arith.constant 3 : i32
      %shift_left3A_371 = arith.shli %scan3A_14, %shift_left3A_370 : i32
      %add3A_372 = vector.broadcast %shift_left3A_371 : i32 to vector<16xi32>
      %add3A_373 = arith.addi %add3A_372, %shift_right_arithmetic3A_362 : vector<16xi32>
      %gather3A_374 = tpu.vector_load_idx %arg5[%add3A_369, %add3A_373] : memref<28x512xi32, #tpu.memory_space<vmem>>[vector<16xi32>, vector<16xi32>], vector<16xi32>,
      %mul3A_375 = arith.constant 224 : i32
      %mul3A_376 = arith.muli %scan3A_14, %mul3A_375 : i32
      %add3A_377 = arith.constant 176 : i32
      %add3A_378 = arith.addi %mul3A_376, %add3A_377 : i32
      %swap3A_379 = arith.index_cast %add3A_378 : i32 to index
      %swap3A_380 = tpu.vector_load %arg6[%swap3A_379] {strides = array<i32>} : memref<14336xi32, #tpu.memory_space<vmem>>, vector<16xi32>,
      tpu.vector_store %arg6[%swap3A_379], %gather3A_374 {strides = array<i32>} : memref<14336xi32, #tpu.memory_space<vmem>>, vector<16xi32>,
      %iota3A_381 = tpu.iota {dimensions = array<i32: 0>} : vector<16xi32>
      %add3A_382 = arith.constant 192 : i32
      %add3A_383 = vector.broadcast %add3A_382 : i32 to vector<16xi32>
      %add3A_384 = arith.addi %iota3A_381, %add3A_383 : vector<16xi32>
      %shift_right_arithmetic3A_385 = arith.constant 5 : i32
      %shift_right_arithmetic3A_386 = vector.broadcast %shift_right_arithmetic3A_385 : i32 to vector<16xi32>
      %shift_right_arithmetic3A_387 = arith.shrsi %add3A_384, %shift_right_arithmetic3A_386 : vector<16xi32>
      %and3A_388 = arith.constant 31 : i32
      %and3A_389 = vector.broadcast %and3A_388 : i32 to vector<16xi32>
      %and3A_390 = arith.andi %add3A_384, %and3A_389 : vector<16xi32>
      %shift_right_arithmetic3A_391 = arith.constant 2 : i32
      %shift_right_arithmetic3A_392 = vector.broadcast %shift_right_arithmetic3A_391 : i32 to vector<16xi32>
      %shift_right_arithmetic3A_393 = arith.shrsi %and3A_390, %shift_right_arithmetic3A_392 : vector<16xi32>
      %and3A_394 = arith.constant 3 : i32
      %and3A_395 = vector.broadcast %and3A_394 : i32 to vector<16xi32>
      %and3A_396 = arith.andi %add3A_384, %and3A_395 : vector<16xi32>
      %mul3A_397 = arith.constant 4 : i32
      %mul3A_398 = vector.broadcast %mul3A_397 : i32 to vector<16xi32>
      %mul3A_399 = arith.muli %mul3A_398, %shift_right_arithmetic3A_387 : vector<16xi32>
      %add3A_400 = arith.addi %mul3A_399, %and3A_396 : vector<16xi32>
      %shift_left3A_401 = arith.constant 3 : i32
      %shift_left3A_402 = arith.shli %scan3A_14, %shift_left3A_401 : i32
      %add3A_403 = vector.broadcast %shift_left3A_402 : i32 to vector<16xi32>
      %add3A_404 = arith.addi %add3A_403, %shift_right_arithmetic3A_393 : vector<16xi32>
      %gather3A_405 = tpu.vector_load_idx %arg5[%add3A_400, %add3A_404] : memref<28x512xi32, #tpu.memory_space<vmem>>[vector<16xi32>, vector<16xi32>], vector<16xi32>,
      %mul3A_406 = arith.constant 224 : i32
      %mul3A_407 = arith.muli %scan3A_14, %mul3A_406 : i32
      %add3A_408 = arith.constant 192 : i32
      %add3A_409 = arith.addi %mul3A_407, %add3A_408 : i32
      %swap3A_410 = arith.index_cast %add3A_409 : i32 to index
      %swap3A_411 = tpu.vector_load %arg6[%swap3A_410] {strides = array<i32>} : memref<14336xi32, #tpu.memory_space<vmem>>, vector<16xi32>,
      tpu.vector_store %arg6[%swap3A_410], %gather3A_405 {strides = array<i32>} : memref<14336xi32, #tpu.memory_space<vmem>>, vector<16xi32>,
      %iota3A_412 = tpu.iota {dimensions = array<i32: 0>} : vector<16xi32>
      %add3A_413 = arith.constant 208 : i32
      %add3A_414 = vector.broadcast %add3A_413 : i32 to vector<16xi32>
      %add3A_415 = arith.addi %iota3A_412, %add3A_414 : vector<16xi32>
      %shift_right_arithmetic3A_416 = arith.constant 5 : i32
      %shift_right_arithmetic3A_417 = vector.broadcast %shift_right_arithmetic3A_416 : i32 to vector<16xi32>
      %shift_right_arithmetic3A_418 = arith.shrsi %add3A_415, %shift_right_arithmetic3A_417 : vector<16xi32>
      %and3A_419 = arith.constant 31 : i32
      %and3A_420 = vector.broadcast %and3A_419 : i32 to vector<16xi32>
      %and3A_421 = arith.andi %add3A_415, %and3A_420 : vector<16xi32>
      %shift_right_arithmetic3A_422 = arith.constant 2 : i32
      %shift_right_arithmetic3A_423 = vector.broadcast %shift_right_arithmetic3A_422 : i32 to vector<16xi32>
      %shift_right_arithmetic3A_424 = arith.shrsi %and3A_421, %shift_right_arithmetic3A_423 : vector<16xi32>
      %and3A_425 = arith.constant 3 : i32
      %and3A_426 = vector.broadcast %and3A_425 : i32 to vector<16xi32>
      %and3A_427 = arith.andi %add3A_415, %and3A_426 : vector<16xi32>
      %mul3A_428 = arith.constant 4 : i32
      %mul3A_429 = vector.broadcast %mul3A_428 : i32 to vector<16xi32>
      %mul3A_430 = arith.muli %mul3A_429, %shift_right_arithmetic3A_418 : vector<16xi32>
      %add3A_431 = arith.addi %mul3A_430, %and3A_427 : vector<16xi32>
      %shift_left3A_432 = arith.constant 3 : i32
      %shift_left3A_433 = arith.shli %scan3A_14, %shift_left3A_432 : i32
      %add3A_434 = vector.broadcast %shift_left3A_433 : i32 to vector<16xi32>
      %add3A_435 = arith.addi %add3A_434, %shift_right_arithmetic3A_424 : vector<16xi32>
      %gather3A_436 = tpu.vector_load_idx %arg5[%add3A_431, %add3A_435] : memref<28x512xi32, #tpu.memory_space<vmem>>[vector<16xi32>, vector<16xi32>], vector<16xi32>,
      %mul3A_437 = arith.constant 224 : i32
      %mul3A_438 = arith.muli %scan3A_14, %mul3A_437 : i32
      %add3A_439 = arith.constant 208 : i32
      %add3A_440 = arith.addi %mul3A_438, %add3A_439 : i32
      %swap3A_441 = arith.index_cast %add3A_440 : i32 to index
      %swap3A_442 = tpu.vector_load %arg6[%swap3A_441] {strides = array<i32>} : memref<14336xi32, #tpu.memory_space<vmem>>, vector<16xi32>,
      tpu.vector_store %arg6[%swap3A_441], %gather3A_436 {strides = array<i32>} : memref<14336xi32, #tpu.memory_space<vmem>>, vector<16xi32>,
    }
    %scan3A_7 = arith.constant 64 : i32
    %scan3A_8 = arith.constant 0 : i32
    %scan3A_9 = arith.constant 0 : i32
    %scan3A_10 = arith.constant 14 : i32
    %scan3A_11 = arith.addi %scan3A_9, %scan3A_10 : i32
    %scan3A_12 = arith.constant 1 : i32
    scf.for %scan3A_14 = %scan3A_9 to %scan3A_11 step %scan3A_12  : i32 {
      %mul3A_15 = arith.constant 8 : i32
      %mul3A_16 = arith.muli %scan3A_14, %mul3A_15 : i32
      %add3A_17 = arith.constant 0 : i32
      %add3A_18 = arith.addi %mul3A_16, %add3A_17 : i32
      %mul3A_19 = arith.constant 128 : i32
      %mul3A_20 = arith.muli %add3A_18, %mul3A_19 : i32
      %dma_start3A = arith.constant 0 : i32
      %dma_start3A_21 = arith.constant 0 : i32
      %dma_start3A_22 = tpu.memref_slice %arg7[%dma_start3A, %dma_start3A_21] : memref<1024x32xf32, #tpu.memory_space<vmem>> -> memref<128x32xf32, #tpu.memory_space<vmem>>
      %dma_start3A_23 = tpu.memref_slice %arg6[%mul3A_20] : memref<14336xi32, #tpu.memory_space<vmem>> -> memref<128xi32, #tpu.memory_space<vmem>>
      %dma_start3A_24 = arith.constant 0 : i32
      %dma_start3A_25 = arith.constant 0 : i32
      %dma_start3A_26 = tpu.memref_slice %arg2[%dma_start3A_24, %dma_start3A_25] : memref<2609152x32xf32, #tpu.memory_space<hbm>> -> memref<2609152x32xf32, #tpu.memory_space<hbm>>
      tpu.enqueue_indirect_dma source(%dma_start3A_26 : memref<2609152x32xf32, #tpu.memory_space<hbm>>) target(%dma_start3A_22 : memref<128x32xf32, #tpu.memory_space<vmem>>) offsets(%dma_start3A_23 : memref<128xi32, #tpu.memory_space<vmem>>) semaphore(%arg8 : memref<!tpu.dma_semaphore, #tpu.memory_space<semaphore_mem>>)
      %mul3A_27 = arith.constant 8 : i32
      %mul3A_28 = arith.muli %scan3A_14, %mul3A_27 : i32
      %add3A_29 = arith.constant 1 : i32
      %add3A_30 = arith.addi %mul3A_28, %add3A_29 : i32
      %mul3A_31 = arith.constant 128 : i32
      %mul3A_32 = arith.muli %add3A_30, %mul3A_31 : i32
      %dma_start3A_33 = arith.constant 128 : i32
      %dma_start3A_34 = arith.constant 0 : i32
      %dma_start3A_35 = tpu.memref_slice %arg7[%dma_start3A_33, %dma_start3A_34] : memref<1024x32xf32, #tpu.memory_space<vmem>> -> memref<128x32xf32, #tpu.memory_space<vmem>>
      %dma_start3A_36 = tpu.memref_slice %arg6[%mul3A_32] : memref<14336xi32, #tpu.memory_space<vmem>> -> memref<128xi32, #tpu.memory_space<vmem>>
      %dma_start3A_37 = arith.constant 0 : i32
      %dma_start3A_38 = arith.constant 0 : i32
      %dma_start3A_39 = tpu.memref_slice %arg2[%dma_start3A_37, %dma_start3A_38] : memref<2609152x32xf32, #tpu.memory_space<hbm>> -> memref<2609152x32xf32, #tpu.memory_space<hbm>>
      tpu.enqueue_indirect_dma source(%dma_start3A_39 : memref<2609152x32xf32, #tpu.memory_space<hbm>>) target(%dma_start3A_35 : memref<128x32xf32, #tpu.memory_space<vmem>>) offsets(%dma_start3A_36 : memref<128xi32, #tpu.memory_space<vmem>>) semaphore(%arg8 : memref<!tpu.dma_semaphore, #tpu.memory_space<semaphore_mem>>)
      %mul3A_40 = arith.constant 8 : i32
      %mul3A_41 = arith.muli %scan3A_14, %mul3A_40 : i32
      %add3A_42 = arith.constant 2 : i32
      %add3A_43 = arith.addi %mul3A_41, %add3A_42 : i32
      %mul3A_44 = arith.constant 128 : i32
      %mul3A_45 = arith.muli %add3A_43, %mul3A_44 : i32
      %dma_start3A_46 = arith.constant 256 : i32
      %dma_start3A_47 = arith.constant 0 : i32
      %dma_start3A_48 = tpu.memref_slice %arg7[%dma_start3A_46, %dma_start3A_47] : memref<1024x32xf32, #tpu.memory_space<vmem>> -> memref<128x32xf32, #tpu.memory_space<vmem>>
      %dma_start3A_49 = tpu.memref_slice %arg6[%mul3A_45] : memref<14336xi32, #tpu.memory_space<vmem>> -> memref<128xi32, #tpu.memory_space<vmem>>
      %dma_start3A_50 = arith.constant 0 : i32
      %dma_start3A_51 = arith.constant 0 : i32
      %dma_start3A_52 = tpu.memref_slice %arg2[%dma_start3A_50, %dma_start3A_51] : memref<2609152x32xf32, #tpu.memory_space<hbm>> -> memref<2609152x32xf32, #tpu.memory_space<hbm>>
      tpu.enqueue_indirect_dma source(%dma_start3A_52 : memref<2609152x32xf32, #tpu.memory_space<hbm>>) target(%dma_start3A_48 : memref<128x32xf32, #tpu.memory_space<vmem>>) offsets(%dma_start3A_49 : memref<128xi32, #tpu.memory_space<vmem>>) semaphore(%arg8 : memref<!tpu.dma_semaphore, #tpu.memory_space<semaphore_mem>>)
      %mul3A_53 = arith.constant 8 : i32
      %mul3A_54 = arith.muli %scan3A_14, %mul3A_53 : i32
      %add3A_55 = arith.constant 3 : i32
      %add3A_56 = arith.addi %mul3A_54, %add3A_55 : i32
      %mul3A_57 = arith.constant 128 : i32
      %mul3A_58 = arith.muli %add3A_56, %mul3A_57 : i32
      %dma_start3A_59 = arith.constant 384 : i32
      %dma_start3A_60 = arith.constant 0 : i32
      %dma_start3A_61 = tpu.memref_slice %arg7[%dma_start3A_59, %dma_start3A_60] : memref<1024x32xf32, #tpu.memory_space<vmem>> -> memref<128x32xf32, #tpu.memory_space<vmem>>
      %dma_start3A_62 = tpu.memref_slice %arg6[%mul3A_58] : memref<14336xi32, #tpu.memory_space<vmem>> -> memref<128xi32, #tpu.memory_space<vmem>>
      %dma_start3A_63 = arith.constant 0 : i32
      %dma_start3A_64 = arith.constant 0 : i32
      %dma_start3A_65 = tpu.memref_slice %arg2[%dma_start3A_63, %dma_start3A_64] : memref<2609152x32xf32, #tpu.memory_space<hbm>> -> memref<2609152x32xf32, #tpu.memory_space<hbm>>
      tpu.enqueue_indirect_dma source(%dma_start3A_65 : memref<2609152x32xf32, #tpu.memory_space<hbm>>) target(%dma_start3A_61 : memref<128x32xf32, #tpu.memory_space<vmem>>) offsets(%dma_start3A_62 : memref<128xi32, #tpu.memory_space<vmem>>) semaphore(%arg8 : memref<!tpu.dma_semaphore, #tpu.memory_space<semaphore_mem>>)
      %mul3A_66 = arith.constant 8 : i32
      %mul3A_67 = arith.muli %scan3A_14, %mul3A_66 : i32
      %add3A_68 = arith.constant 4 : i32
      %add3A_69 = arith.addi %mul3A_67, %add3A_68 : i32
      %mul3A_70 = arith.constant 128 : i32
      %mul3A_71 = arith.muli %add3A_69, %mul3A_70 : i32
      %dma_start3A_72 = arith.constant 512 : i32
      %dma_start3A_73 = arith.constant 0 : i32
      %dma_start3A_74 = tpu.memref_slice %arg7[%dma_start3A_72, %dma_start3A_73] : memref<1024x32xf32, #tpu.memory_space<vmem>> -> memref<128x32xf32, #tpu.memory_space<vmem>>
      %dma_start3A_75 = tpu.memref_slice %arg6[%mul3A_71] : memref<14336xi32, #tpu.memory_space<vmem>> -> memref<128xi32, #tpu.memory_space<vmem>>
      %dma_start3A_76 = arith.constant 0 : i32
      %dma_start3A_77 = arith.constant 0 : i32
      %dma_start3A_78 = tpu.memref_slice %arg2[%dma_start3A_76, %dma_start3A_77] : memref<2609152x32xf32, #tpu.memory_space<hbm>> -> memref<2609152x32xf32, #tpu.memory_space<hbm>>
      tpu.enqueue_indirect_dma source(%dma_start3A_78 : memref<2609152x32xf32, #tpu.memory_space<hbm>>) target(%dma_start3A_74 : memref<128x32xf32, #tpu.memory_space<vmem>>) offsets(%dma_start3A_75 : memref<128xi32, #tpu.memory_space<vmem>>) semaphore(%arg8 : memref<!tpu.dma_semaphore, #tpu.memory_space<semaphore_mem>>)
      %mul3A_79 = arith.constant 8 : i32
      %mul3A_80 = arith.muli %scan3A_14, %mul3A_79 : i32
      %add3A_81 = arith.constant 5 : i32
      %add3A_82 = arith.addi %mul3A_80, %add3A_81 : i32
      %mul3A_83 = arith.constant 128 : i32
      %mul3A_84 = arith.muli %add3A_82, %mul3A_83 : i32
      %dma_start3A_85 = arith.constant 640 : i32
      %dma_start3A_86 = arith.constant 0 : i32
      %dma_start3A_87 = tpu.memref_slice %arg7[%dma_start3A_85, %dma_start3A_86] : memref<1024x32xf32, #tpu.memory_space<vmem>> -> memref<128x32xf32, #tpu.memory_space<vmem>>
      %dma_start3A_88 = tpu.memref_slice %arg6[%mul3A_84] : memref<14336xi32, #tpu.memory_space<vmem>> -> memref<128xi32, #tpu.memory_space<vmem>>
      %dma_start3A_89 = arith.constant 0 : i32
      %dma_start3A_90 = arith.constant 0 : i32
      %dma_start3A_91 = tpu.memref_slice %arg2[%dma_start3A_89, %dma_start3A_90] : memref<2609152x32xf32, #tpu.memory_space<hbm>> -> memref<2609152x32xf32, #tpu.memory_space<hbm>>
      tpu.enqueue_indirect_dma source(%dma_start3A_91 : memref<2609152x32xf32, #tpu.memory_space<hbm>>) target(%dma_start3A_87 : memref<128x32xf32, #tpu.memory_space<vmem>>) offsets(%dma_start3A_88 : memref<128xi32, #tpu.memory_space<vmem>>) semaphore(%arg8 : memref<!tpu.dma_semaphore, #tpu.memory_space<semaphore_mem>>)
      %mul3A_92 = arith.constant 8 : i32
      %mul3A_93 = arith.muli %scan3A_14, %mul3A_92 : i32
      %add3A_94 = arith.constant 6 : i32
      %add3A_95 = arith.addi %mul3A_93, %add3A_94 : i32
      %mul3A_96 = arith.constant 128 : i32
      %mul3A_97 = arith.muli %add3A_95, %mul3A_96 : i32
      %dma_start3A_98 = arith.constant 768 : i32
      %dma_start3A_99 = arith.constant 0 : i32
      %dma_start3A_100 = tpu.memref_slice %arg7[%dma_start3A_98, %dma_start3A_99] : memref<1024x32xf32, #tpu.memory_space<vmem>> -> memref<128x32xf32, #tpu.memory_space<vmem>>
      %dma_start3A_101 = tpu.memref_slice %arg6[%mul3A_97] : memref<14336xi32, #tpu.memory_space<vmem>> -> memref<128xi32, #tpu.memory_space<vmem>>
      %dma_start3A_102 = arith.constant 0 : i32
      %dma_start3A_103 = arith.constant 0 : i32
      %dma_start3A_104 = tpu.memref_slice %arg2[%dma_start3A_102, %dma_start3A_103] : memref<2609152x32xf32, #tpu.memory_space<hbm>> -> memref<2609152x32xf32, #tpu.memory_space<hbm>>
      tpu.enqueue_indirect_dma source(%dma_start3A_104 : memref<2609152x32xf32, #tpu.memory_space<hbm>>) target(%dma_start3A_100 : memref<128x32xf32, #tpu.memory_space<vmem>>) offsets(%dma_start3A_101 : memref<128xi32, #tpu.memory_space<vmem>>) semaphore(%arg8 : memref<!tpu.dma_semaphore, #tpu.memory_space<semaphore_mem>>)
      %mul3A_105 = arith.constant 8 : i32
      %mul3A_106 = arith.muli %scan3A_14, %mul3A_105 : i32
      %add3A_107 = arith.constant 7 : i32
      %add3A_108 = arith.addi %mul3A_106, %add3A_107 : i32
      %mul3A_109 = arith.constant 128 : i32
      %mul3A_110 = arith.muli %add3A_108, %mul3A_109 : i32
      %dma_start3A_111 = arith.constant 896 : i32
      %dma_start3A_112 = arith.constant 0 : i32
      %dma_start3A_113 = tpu.memref_slice %arg7[%dma_start3A_111, %dma_start3A_112] : memref<1024x32xf32, #tpu.memory_space<vmem>> -> memref<128x32xf32, #tpu.memory_space<vmem>>
      %dma_start3A_114 = tpu.memref_slice %arg6[%mul3A_110] : memref<14336xi32, #tpu.memory_space<vmem>> -> memref<128xi32, #tpu.memory_space<vmem>>
      %dma_start3A_115 = arith.constant 0 : i32
      %dma_start3A_116 = arith.constant 0 : i32
      %dma_start3A_117 = tpu.memref_slice %arg2[%dma_start3A_115, %dma_start3A_116] : memref<2609152x32xf32, #tpu.memory_space<hbm>> -> memref<2609152x32xf32, #tpu.memory_space<hbm>>
      tpu.enqueue_indirect_dma source(%dma_start3A_117 : memref<2609152x32xf32, #tpu.memory_space<hbm>>) target(%dma_start3A_113 : memref<128x32xf32, #tpu.memory_space<vmem>>) offsets(%dma_start3A_114 : memref<128xi32, #tpu.memory_space<vmem>>) semaphore(%arg8 : memref<!tpu.dma_semaphore, #tpu.memory_space<semaphore_mem>>)
      %dma_wait3A = arith.constant 0 : i32
      %dma_wait3A_118 = arith.constant 0 : i32
      %dma_wait3A_119 = tpu.memref_slice %arg7[%dma_wait3A, %dma_wait3A_118] : memref<1024x32xf32, #tpu.memory_space<vmem>> -> memref<128x32xf32, #tpu.memory_space<vmem>>
      %dma_wait3A_120 = tpu.memref_slice %arg6[%mul3A_20] : memref<14336xi32, #tpu.memory_space<vmem>> -> memref<128xi32, #tpu.memory_space<vmem>>
      %dma_wait3A_121 = arith.constant 0 : i32
      %dma_wait3A_122 = arith.constant 0 : i32
      %dma_wait3A_123 = tpu.memref_slice %arg2[%dma_wait3A_121, %dma_wait3A_122] : memref<2609152x32xf32, #tpu.memory_space<hbm>> -> memref<2609152x32xf32, #tpu.memory_space<hbm>>
      tpu.wait_indirect_dma semaphore(%arg8 : memref<!tpu.dma_semaphore, #tpu.memory_space<semaphore_mem>>) src(%dma_wait3A_123 : memref<2609152x32xf32, #tpu.memory_space<hbm>>) dst(%dma_wait3A_119 : memref<128x32xf32, #tpu.memory_space<vmem>>)
      %dma_wait3A_124 = arith.constant 128 : i32
      %dma_wait3A_125 = arith.constant 0 : i32
      %dma_wait3A_126 = tpu.memref_slice %arg7[%dma_wait3A_124, %dma_wait3A_125] : memref<1024x32xf32, #tpu.memory_space<vmem>> -> memref<128x32xf32, #tpu.memory_space<vmem>>
      %dma_wait3A_127 = tpu.memref_slice %arg6[%mul3A_32] : memref<14336xi32, #tpu.memory_space<vmem>> -> memref<128xi32, #tpu.memory_space<vmem>>
      %dma_wait3A_128 = arith.constant 0 : i32
      %dma_wait3A_129 = arith.constant 0 : i32
      %dma_wait3A_130 = tpu.memref_slice %arg2[%dma_wait3A_128, %dma_wait3A_129] : memref<2609152x32xf32, #tpu.memory_space<hbm>> -> memref<2609152x32xf32, #tpu.memory_space<hbm>>
      tpu.wait_indirect_dma semaphore(%arg8 : memref<!tpu.dma_semaphore, #tpu.memory_space<semaphore_mem>>) src(%dma_wait3A_130 : memref<2609152x32xf32, #tpu.memory_space<hbm>>) dst(%dma_wait3A_126 : memref<128x32xf32, #tpu.memory_space<vmem>>)
      %dma_wait3A_131 = arith.constant 256 : i32
      %dma_wait3A_132 = arith.constant 0 : i32
      %dma_wait3A_133 = tpu.memref_slice %arg7[%dma_wait3A_131, %dma_wait3A_132] : memref<1024x32xf32, #tpu.memory_space<vmem>> -> memref<128x32xf32, #tpu.memory_space<vmem>>
      %dma_wait3A_134 = tpu.memref_slice %arg6[%mul3A_45] : memref<14336xi32, #tpu.memory_space<vmem>> -> memref<128xi32, #tpu.memory_space<vmem>>
      %dma_wait3A_135 = arith.constant 0 : i32
      %dma_wait3A_136 = arith.constant 0 : i32
      %dma_wait3A_137 = tpu.memref_slice %arg2[%dma_wait3A_135, %dma_wait3A_136] : memref<2609152x32xf32, #tpu.memory_space<hbm>> -> memref<2609152x32xf32, #tpu.memory_space<hbm>>
      tpu.wait_indirect_dma semaphore(%arg8 : memref<!tpu.dma_semaphore, #tpu.memory_space<semaphore_mem>>) src(%dma_wait3A_137 : memref<2609152x32xf32, #tpu.memory_space<hbm>>) dst(%dma_wait3A_133 : memref<128x32xf32, #tpu.memory_space<vmem>>)
      %dma_wait3A_138 = arith.constant 384 : i32
      %dma_wait3A_139 = arith.constant 0 : i32
      %dma_wait3A_140 = tpu.memref_slice %arg7[%dma_wait3A_138, %dma_wait3A_139] : memref<1024x32xf32, #tpu.memory_space<vmem>> -> memref<128x32xf32, #tpu.memory_space<vmem>>
      %dma_wait3A_141 = tpu.memref_slice %arg6[%mul3A_58] : memref<14336xi32, #tpu.memory_space<vmem>> -> memref<128xi32, #tpu.memory_space<vmem>>
      %dma_wait3A_142 = arith.constant 0 : i32
      %dma_wait3A_143 = arith.constant 0 : i32
      %dma_wait3A_144 = tpu.memref_slice %arg2[%dma_wait3A_142, %dma_wait3A_143] : memref<2609152x32xf32, #tpu.memory_space<hbm>> -> memref<2609152x32xf32, #tpu.memory_space<hbm>>
      tpu.wait_indirect_dma semaphore(%arg8 : memref<!tpu.dma_semaphore, #tpu.memory_space<semaphore_mem>>) src(%dma_wait3A_144 : memref<2609152x32xf32, #tpu.memory_space<hbm>>) dst(%dma_wait3A_140 : memref<128x32xf32, #tpu.memory_space<vmem>>)
      %dma_wait3A_145 = arith.constant 512 : i32
      %dma_wait3A_146 = arith.constant 0 : i32
      %dma_wait3A_147 = tpu.memref_slice %arg7[%dma_wait3A_145, %dma_wait3A_146] : memref<1024x32xf32, #tpu.memory_space<vmem>> -> memref<128x32xf32, #tpu.memory_space<vmem>>
      %dma_wait3A_148 = tpu.memref_slice %arg6[%mul3A_71] : memref<14336xi32, #tpu.memory_space<vmem>> -> memref<128xi32, #tpu.memory_space<vmem>>
      %dma_wait3A_149 = arith.constant 0 : i32
      %dma_wait3A_150 = arith.constant 0 : i32
      %dma_wait3A_151 = tpu.memref_slice %arg2[%dma_wait3A_149, %dma_wait3A_150] : memref<2609152x32xf32, #tpu.memory_space<hbm>> -> memref<2609152x32xf32, #tpu.memory_space<hbm>>
      tpu.wait_indirect_dma semaphore(%arg8 : memref<!tpu.dma_semaphore, #tpu.memory_space<semaphore_mem>>) src(%dma_wait3A_151 : memref<2609152x32xf32, #tpu.memory_space<hbm>>) dst(%dma_wait3A_147 : memref<128x32xf32, #tpu.memory_space<vmem>>)
      %dma_wait3A_152 = arith.constant 640 : i32
      %dma_wait3A_153 = arith.constant 0 : i32
      %dma_wait3A_154 = tpu.memref_slice %arg7[%dma_wait3A_152, %dma_wait3A_153] : memref<1024x32xf32, #tpu.memory_space<vmem>> -> memref<128x32xf32, #tpu.memory_space<vmem>>
      %dma_wait3A_155 = tpu.memref_slice %arg6[%mul3A_84] : memref<14336xi32, #tpu.memory_space<vmem>> -> memref<128xi32, #tpu.memory_space<vmem>>
      %dma_wait3A_156 = arith.constant 0 : i32
      %dma_wait3A_157 = arith.constant 0 : i32
      %dma_wait3A_158 = tpu.memref_slice %arg2[%dma_wait3A_156, %dma_wait3A_157] : memref<2609152x32xf32, #tpu.memory_space<hbm>> -> memref<2609152x32xf32, #tpu.memory_space<hbm>>
      tpu.wait_indirect_dma semaphore(%arg8 : memref<!tpu.dma_semaphore, #tpu.memory_space<semaphore_mem>>) src(%dma_wait3A_158 : memref<2609152x32xf32, #tpu.memory_space<hbm>>) dst(%dma_wait3A_154 : memref<128x32xf32, #tpu.memory_space<vmem>>)
      %dma_wait3A_159 = arith.constant 768 : i32
      %dma_wait3A_160 = arith.constant 0 : i32
      %dma_wait3A_161 = tpu.memref_slice %arg7[%dma_wait3A_159, %dma_wait3A_160] : memref<1024x32xf32, #tpu.memory_space<vmem>> -> memref<128x32xf32, #tpu.memory_space<vmem>>
      %dma_wait3A_162 = tpu.memref_slice %arg6[%mul3A_97] : memref<14336xi32, #tpu.memory_space<vmem>> -> memref<128xi32, #tpu.memory_space<vmem>>
      %dma_wait3A_163 = arith.constant 0 : i32
      %dma_wait3A_164 = arith.constant 0 : i32
      %dma_wait3A_165 = tpu.memref_slice %arg2[%dma_wait3A_163, %dma_wait3A_164] : memref<2609152x32xf32, #tpu.memory_space<hbm>> -> memref<2609152x32xf32, #tpu.memory_space<hbm>>
      tpu.wait_indirect_dma semaphore(%arg8 : memref<!tpu.dma_semaphore, #tpu.memory_space<semaphore_mem>>) src(%dma_wait3A_165 : memref<2609152x32xf32, #tpu.memory_space<hbm>>) dst(%dma_wait3A_161 : memref<128x32xf32, #tpu.memory_space<vmem>>)
      %dma_wait3A_166 = arith.constant 896 : i32
      %dma_wait3A_167 = arith.constant 0 : i32
      %dma_wait3A_168 = tpu.memref_slice %arg7[%dma_wait3A_166, %dma_wait3A_167] : memref<1024x32xf32, #tpu.memory_space<vmem>> -> memref<128x32xf32, #tpu.memory_space<vmem>>
      %dma_wait3A_169 = tpu.memref_slice %arg6[%mul3A_110] : memref<14336xi32, #tpu.memory_space<vmem>> -> memref<128xi32, #tpu.memory_space<vmem>>
      %dma_wait3A_170 = arith.constant 0 : i32
      %dma_wait3A_171 = arith.constant 0 : i32
      %dma_wait3A_172 = tpu.memref_slice %arg2[%dma_wait3A_170, %dma_wait3A_171] : memref<2609152x32xf32, #tpu.memory_space<hbm>> -> memref<2609152x32xf32, #tpu.memory_space<hbm>>
      tpu.wait_indirect_dma semaphore(%arg8 : memref<!tpu.dma_semaphore, #tpu.memory_space<semaphore_mem>>) src(%dma_wait3A_172 : memref<2609152x32xf32, #tpu.memory_space<hbm>>) dst(%dma_wait3A_168 : memref<128x32xf32, #tpu.memory_space<vmem>>)
      %mul3A_173 = arith.constant 14336 : i32
      %mul3A_174 = arith.muli %add3A, %mul3A_173 : i32
      %mul3A_175 = arith.constant 1024 : i32
      %mul3A_176 = arith.muli %scan3A_14, %mul3A_175 : i32
      %add3A_177 = arith.addi %mul3A_174, %mul3A_176 : i32
      "tpu.region"() ({
        %run_scoped3A = tpu.sem_alloc : memref<!tpu.dma_semaphore, #tpu.memory_space<semaphore_mem>>
        %dma_start3A_178 = arith.constant 0 : i32
        %dma_start3A_179 = tpu.memref_slice %arg4[%add3A_177, %dma_start3A_178] : memref<458752x32xf32, #tpu.memory_space<hbm>> -> memref<1024x32xf32, #tpu.memory_space<hbm>>
        %dma_start3A_180 = arith.constant 0 : i32
        %dma_start3A_181 = tpu.memref_slice %arg4[%add3A_177, %dma_start3A_180] : memref<458752x32xf32, #tpu.memory_space<hbm>> -> memref<1024x32xf32, #tpu.memory_space<hbm>>
        tpu.enqueue_dma source(%arg7 : memref<1024x32xf32, #tpu.memory_space<vmem>>) target(%dma_start3A_181 : memref<1024x32xf32, #tpu.memory_space<hbm>>) target_semaphore(%run_scoped3A : memref<!tpu.dma_semaphore, #tpu.memory_space<semaphore_mem>>)
        %dma_wait3A_182 = arith.constant 0 : i32
        %dma_wait3A_183 = tpu.memref_slice %arg4[%add3A_177, %dma_wait3A_182] : memref<458752x32xf32, #tpu.memory_space<hbm>> -> memref<1024x32xf32, #tpu.memory_space<hbm>>
        %dma_wait3A_184 = arith.constant 0 : i32
        %dma_wait3A_185 = tpu.memref_slice %arg4[%add3A_177, %dma_wait3A_184] : memref<458752x32xf32, #tpu.memory_space<hbm>> -> memref<1024x32xf32, #tpu.memory_space<hbm>>
        tpu.wait_dma2 semaphore(%run_scoped3A : memref<!tpu.dma_semaphore, #tpu.memory_space<semaphore_mem>>) src(%arg7 : memref<1024x32xf32, #tpu.memory_space<vmem>>) dst(%dma_wait3A_185 : memref<1024x32xf32, #tpu.memory_space<hbm>>)
        tpu.yield
      }) : () -> ()
    }
    %scan3A_13 = arith.constant 14 : i32
    return
  }
}

module attributes {stable_mosaic.version = 14 : i64} {
  func.func @_relayout_body(%arg0: i32, %arg1: i32, %arg2: memref<1x32x25088xf32, #tpu.memory_space<vmem>>, %arg3: memref<4x32x128xbf16, #tpu.memory_space<vmem>>, %arg4: memref<6272x128xf32, #tpu.memory_space<vmem>>) attributes {dimension_semantics = [#tpu.dimension_semantics<arbitrary>, #tpu.dimension_semantics<arbitrary>], iteration_bounds = array<i64: 26, 4>, scalar_prefetch = 0 : i64, scratch_operands = 0 : i64, tpu.core_type = #tpu.core_type<tc>, window_params = [{transform_indices = @transform_0, window_bounds = array<i64: 1, 32, 25088>}, {pipeline_mode = #tpu.pipeline_mode<synchronous>, transform_indices = @transform_1, window_bounds = array<i64: 4, 32, 128>}, {transform_indices = @transform_2, window_bounds = array<i64: 6272, 128>}]} {
    %get3A = arith.constant 0 : index
    %get3A_0 = arith.constant 0 : index
    %get3A_1 = arith.constant 0 : index
    %get3A_2 = vector.load %arg2[%get3A, %get3A_0, %get3A_1] : memref<1x32x25088xf32, #tpu.memory_space<vmem>>, vector<1x32x25088xf32>
    %get3A_3 = vector.shape_cast %get3A_2 : vector<1x32x25088xf32> to vector<32x25088xf32>
    %get3A_4 = arith.constant 0 : index
    %get3A_5 = arith.constant 0 : index
    %get3A_6 = arith.constant 0 : index
    %get3A_7 = vector.load %arg3[%get3A_4, %get3A_5, %get3A_6] : memref<4x32x128xbf16, #tpu.memory_space<vmem>>, vector<4x32x128xbf16>
    %slice3A = vector.extract_strided_slice %get3A_3 {offsets = [0, 0], sizes = [32, 128], strides = [1, 1]} : vector<32x25088xf32> to vector<32x128xf32>
    %transpose3A = tpu.transpose %slice3A, [1, 0] : vector<32x128xf32> -> vector<128x32xf32>
    %slice3A_8 = vector.extract_strided_slice %get3A_3 {offsets = [0, 128], sizes = [32, 128], strides = [1, 1]} : vector<32x25088xf32> to vector<32x128xf32>
    %transpose3A_9 = tpu.transpose %slice3A_8, [1, 0] : vector<32x128xf32> -> vector<128x32xf32>
    %slice3A_10 = vector.extract_strided_slice %get3A_3 {offsets = [0, 256], sizes = [32, 128], strides = [1, 1]} : vector<32x25088xf32> to vector<32x128xf32>
    %transpose3A_11 = tpu.transpose %slice3A_10, [1, 0] : vector<32x128xf32> -> vector<128x32xf32>
    %slice3A_12 = vector.extract_strided_slice %get3A_3 {offsets = [0, 384], sizes = [32, 128], strides = [1, 1]} : vector<32x25088xf32> to vector<32x128xf32>
    %transpose3A_13 = tpu.transpose %slice3A_12, [1, 0] : vector<32x128xf32> -> vector<128x32xf32>
    %concatenate3A = tpu.concatenate %transpose3A, %transpose3A_9, %transpose3A_11, %transpose3A_13 in 1 : vector<128x32xf32>, vector<128x32xf32>, vector<128x32xf32>, vector<128x32xf32> -> vector<128x128xf32>
    %swap3A = arith.constant 0 : index
    %swap3A_14 = arith.constant 0 : index
    %swap3A_15 = vector.load %arg4[%swap3A, %swap3A_14] : memref<6272x128xf32, #tpu.memory_space<vmem>>, vector<128x128xf32>
    tpu.vector_store %arg4[%swap3A, %swap3A_14], %concatenate3A {strides = array<i32>} : memref<6272x128xf32, #tpu.memory_space<vmem>>, vector<128x128xf32>,
    %slice3A_16 = vector.extract_strided_slice %get3A_3 {offsets = [0, 512], sizes = [32, 512], strides = [1, 1]} : vector<32x25088xf32> to vector<32x512xf32>
    %convert_element_type3A = arith.truncf %slice3A_16 : vector<32x512xf32> to vector<32x512xbf16>
    %slice3A_17 = vector.extract_strided_slice %convert_element_type3A {offsets = [0, 0], sizes = [32, 128], strides = [1, 1]} : vector<32x512xbf16> to vector<32x128xbf16>
    %slice3A_18 = vector.extract_strided_slice %get3A_7 {offsets = [0, 0, 0], sizes = [1, 32, 128], strides = [1, 1, 1]} : vector<4x32x128xbf16> to vector<1x32x128xbf16>
    %squeeze3A = vector.shape_cast %slice3A_18 : vector<1x32x128xbf16> to vector<32x128xbf16>
    %dot_general3A = arith.constant dense<0.000000e+00> : vector<128x128xf32>
    %dot_general3A_19 = tpu.matmul %slice3A_17, %squeeze3A, %dot_general3A {dimension_numbers = #tpu.dot_dimension_numbers<[0], [0], [1], [1], [0, 1, 1, 1], [], []>, transpose_lhs_hint = true} : vector<32x128xbf16>, vector<32x128xbf16>, vector<128x128xf32> -> vector<128x128xf32>
    %slice3A_20 = vector.extract_strided_slice %convert_element_type3A {offsets = [0, 128], sizes = [32, 128], strides = [1, 1]} : vector<32x512xbf16> to vector<32x128xbf16>
    %slice3A_21 = vector.extract_strided_slice %get3A_7 {offsets = [1, 0, 0], sizes = [1, 32, 128], strides = [1, 1, 1]} : vector<4x32x128xbf16> to vector<1x32x128xbf16>
    %squeeze3A_22 = vector.shape_cast %slice3A_21 : vector<1x32x128xbf16> to vector<32x128xbf16>
    %dot_general3A_23 = arith.constant dense<0.000000e+00> : vector<128x128xf32>
    %dot_general3A_24 = tpu.matmul %slice3A_20, %squeeze3A_22, %dot_general3A_23 {dimension_numbers = #tpu.dot_dimension_numbers<[0], [0], [1], [1], [0, 1, 1, 1], [], []>, transpose_lhs_hint = true} : vector<32x128xbf16>, vector<32x128xbf16>, vector<128x128xf32> -> vector<128x128xf32>
    %add3A = arith.addf %dot_general3A_19, %dot_general3A_24 : vector<128x128xf32>
    %slice3A_25 = vector.extract_strided_slice %convert_element_type3A {offsets = [0, 256], sizes = [32, 128], strides = [1, 1]} : vector<32x512xbf16> to vector<32x128xbf16>
    %slice3A_26 = vector.extract_strided_slice %get3A_7 {offsets = [2, 0, 0], sizes = [1, 32, 128], strides = [1, 1, 1]} : vector<4x32x128xbf16> to vector<1x32x128xbf16>
    %squeeze3A_27 = vector.shape_cast %slice3A_26 : vector<1x32x128xbf16> to vector<32x128xbf16>
    %dot_general3A_28 = arith.constant dense<0.000000e+00> : vector<128x128xf32>
    %dot_general3A_29 = tpu.matmul %slice3A_25, %squeeze3A_27, %dot_general3A_28 {dimension_numbers = #tpu.dot_dimension_numbers<[0], [0], [1], [1], [0, 1, 1, 1], [], []>, transpose_lhs_hint = true} : vector<32x128xbf16>, vector<32x128xbf16>, vector<128x128xf32> -> vector<128x128xf32>
    %add3A_30 = arith.addf %add3A, %dot_general3A_29 : vector<128x128xf32>
    %slice3A_31 = vector.extract_strided_slice %convert_element_type3A {offsets = [0, 384], sizes = [32, 128], strides = [1, 1]} : vector<32x512xbf16> to vector<32x128xbf16>
    %slice3A_32 = vector.extract_strided_slice %get3A_7 {offsets = [3, 0, 0], sizes = [1, 32, 128], strides = [1, 1, 1]} : vector<4x32x128xbf16> to vector<1x32x128xbf16>
    %squeeze3A_33 = vector.shape_cast %slice3A_32 : vector<1x32x128xbf16> to vector<32x128xbf16>
    %dot_general3A_34 = arith.constant dense<0.000000e+00> : vector<128x128xf32>
    %dot_general3A_35 = tpu.matmul %slice3A_31, %squeeze3A_33, %dot_general3A_34 {dimension_numbers = #tpu.dot_dimension_numbers<[0], [0], [1], [1], [0, 1, 1, 1], [], []>, transpose_lhs_hint = true} : vector<32x128xbf16>, vector<32x128xbf16>, vector<128x128xf32> -> vector<128x128xf32>
    %add3A_36 = arith.addf %add3A_30, %dot_general3A_35 : vector<128x128xf32>
    %swap3A_37 = arith.constant 128 : index
    %swap3A_38 = arith.constant 0 : index
    %swap3A_39 = vector.load %arg4[%swap3A_37, %swap3A_38] : memref<6272x128xf32, #tpu.memory_space<vmem>>, vector<128x128xf32>
    tpu.vector_store %arg4[%swap3A_37, %swap3A_38], %add3A_36 {strides = array<i32>} : memref<6272x128xf32, #tpu.memory_space<vmem>>, vector<128x128xf32>,
    %slice3A_40 = vector.extract_strided_slice %get3A_3 {offsets = [0, 1024], sizes = [32, 512], strides = [1, 1]} : vector<32x25088xf32> to vector<32x512xf32>
    %convert_element_type3A_41 = arith.truncf %slice3A_40 : vector<32x512xf32> to vector<32x512xbf16>
    %slice3A_42 = vector.extract_strided_slice %convert_element_type3A_41 {offsets = [0, 0], sizes = [32, 128], strides = [1, 1]} : vector<32x512xbf16> to vector<32x128xbf16>
    %slice3A_43 = vector.extract_strided_slice %get3A_7 {offsets = [0, 0, 0], sizes = [1, 32, 128], strides = [1, 1, 1]} : vector<4x32x128xbf16> to vector<1x32x128xbf16>
    %squeeze3A_44 = vector.shape_cast %slice3A_43 : vector<1x32x128xbf16> to vector<32x128xbf16>
    %dot_general3A_45 = arith.constant dense<0.000000e+00> : vector<128x128xf32>
    %dot_general3A_46 = tpu.matmul %slice3A_42, %squeeze3A_44, %dot_general3A_45 {dimension_numbers = #tpu.dot_dimension_numbers<[0], [0], [1], [1], [0, 1, 1, 1], [], []>, transpose_lhs_hint = true} : vector<32x128xbf16>, vector<32x128xbf16>, vector<128x128xf32> -> vector<128x128xf32>
    %slice3A_47 = vector.extract_strided_slice %convert_element_type3A_41 {offsets = [0, 128], sizes = [32, 128], strides = [1, 1]} : vector<32x512xbf16> to vector<32x128xbf16>
    %slice3A_48 = vector.extract_strided_slice %get3A_7 {offsets = [1, 0, 0], sizes = [1, 32, 128], strides = [1, 1, 1]} : vector<4x32x128xbf16> to vector<1x32x128xbf16>
    %squeeze3A_49 = vector.shape_cast %slice3A_48 : vector<1x32x128xbf16> to vector<32x128xbf16>
    %dot_general3A_50 = arith.constant dense<0.000000e+00> : vector<128x128xf32>
    %dot_general3A_51 = tpu.matmul %slice3A_47, %squeeze3A_49, %dot_general3A_50 {dimension_numbers = #tpu.dot_dimension_numbers<[0], [0], [1], [1], [0, 1, 1, 1], [], []>, transpose_lhs_hint = true} : vector<32x128xbf16>, vector<32x128xbf16>, vector<128x128xf32> -> vector<128x128xf32>
    %add3A_52 = arith.addf %dot_general3A_46, %dot_general3A_51 : vector<128x128xf32>
    %slice3A_53 = vector.extract_strided_slice %convert_element_type3A_41 {offsets = [0, 256], sizes = [32, 128], strides = [1, 1]} : vector<32x512xbf16> to vector<32x128xbf16>
    %slice3A_54 = vector.extract_strided_slice %get3A_7 {offsets = [2, 0, 0], sizes = [1, 32, 128], strides = [1, 1, 1]} : vector<4x32x128xbf16> to vector<1x32x128xbf16>
    %squeeze3A_55 = vector.shape_cast %slice3A_54 : vector<1x32x128xbf16> to vector<32x128xbf16>
    %dot_general3A_56 = arith.constant dense<0.000000e+00> : vector<128x128xf32>
    %dot_general3A_57 = tpu.matmul %slice3A_53, %squeeze3A_55, %dot_general3A_56 {dimension_numbers = #tpu.dot_dimension_numbers<[0], [0], [1], [1], [0, 1, 1, 1], [], []>, transpose_lhs_hint = true} : vector<32x128xbf16>, vector<32x128xbf16>, vector<128x128xf32> -> vector<128x128xf32>
    %add3A_58 = arith.addf %add3A_52, %dot_general3A_57 : vector<128x128xf32>
    %slice3A_59 = vector.extract_strided_slice %convert_element_type3A_41 {offsets = [0, 384], sizes = [32, 128], strides = [1, 1]} : vector<32x512xbf16> to vector<32x128xbf16>
    %slice3A_60 = vector.extract_strided_slice %get3A_7 {offsets = [3, 0, 0], sizes = [1, 32, 128], strides = [1, 1, 1]} : vector<4x32x128xbf16> to vector<1x32x128xbf16>
    %squeeze3A_61 = vector.shape_cast %slice3A_60 : vector<1x32x128xbf16> to vector<32x128xbf16>
    %dot_general3A_62 = arith.constant dense<0.000000e+00> : vector<128x128xf32>
    %dot_general3A_63 = tpu.matmul %slice3A_59, %squeeze3A_61, %dot_general3A_62 {dimension_numbers = #tpu.dot_dimension_numbers<[0], [0], [1], [1], [0, 1, 1, 1], [], []>, transpose_lhs_hint = true} : vector<32x128xbf16>, vector<32x128xbf16>, vector<128x128xf32> -> vector<128x128xf32>
    %add3A_64 = arith.addf %add3A_58, %dot_general3A_63 : vector<128x128xf32>
    %swap3A_65 = arith.constant 256 : index
    %swap3A_66 = arith.constant 0 : index
    %swap3A_67 = vector.load %arg4[%swap3A_65, %swap3A_66] : memref<6272x128xf32, #tpu.memory_space<vmem>>, vector<128x128xf32>
    tpu.vector_store %arg4[%swap3A_65, %swap3A_66], %add3A_64 {strides = array<i32>} : memref<6272x128xf32, #tpu.memory_space<vmem>>, vector<128x128xf32>,
    %slice3A_68 = vector.extract_strided_slice %get3A_3 {offsets = [0, 1536], sizes = [32, 512], strides = [1, 1]} : vector<32x25088xf32> to vector<32x512xf32>
    %convert_element_type3A_69 = arith.truncf %slice3A_68 : vector<32x512xf32> to vector<32x512xbf16>
    %slice3A_70 = vector.extract_strided_slice %convert_element_type3A_69 {offsets = [0, 0], sizes = [32, 128], strides = [1, 1]} : vector<32x512xbf16> to vector<32x128xbf16>
    %slice3A_71 = vector.extract_strided_slice %get3A_7 {offsets = [0, 0, 0], sizes = [1, 32, 128], strides = [1, 1, 1]} : vector<4x32x128xbf16> to vector<1x32x128xbf16>
    %squeeze3A_72 = vector.shape_cast %slice3A_71 : vector<1x32x128xbf16> to vector<32x128xbf16>
    %dot_general3A_73 = arith.constant dense<0.000000e+00> : vector<128x128xf32>
    %dot_general3A_74 = tpu.matmul %slice3A_70, %squeeze3A_72, %dot_general3A_73 {dimension_numbers = #tpu.dot_dimension_numbers<[0], [0], [1], [1], [0, 1, 1, 1], [], []>, transpose_lhs_hint = true} : vector<32x128xbf16>, vector<32x128xbf16>, vector<128x128xf32> -> vector<128x128xf32>
    %slice3A_75 = vector.extract_strided_slice %convert_element_type3A_69 {offsets = [0, 128], sizes = [32, 128], strides = [1, 1]} : vector<32x512xbf16> to vector<32x128xbf16>
    %slice3A_76 = vector.extract_strided_slice %get3A_7 {offsets = [1, 0, 0], sizes = [1, 32, 128], strides = [1, 1, 1]} : vector<4x32x128xbf16> to vector<1x32x128xbf16>
    %squeeze3A_77 = vector.shape_cast %slice3A_76 : vector<1x32x128xbf16> to vector<32x128xbf16>
    %dot_general3A_78 = arith.constant dense<0.000000e+00> : vector<128x128xf32>
    %dot_general3A_79 = tpu.matmul %slice3A_75, %squeeze3A_77, %dot_general3A_78 {dimension_numbers = #tpu.dot_dimension_numbers<[0], [0], [1], [1], [0, 1, 1, 1], [], []>, transpose_lhs_hint = true} : vector<32x128xbf16>, vector<32x128xbf16>, vector<128x128xf32> -> vector<128x128xf32>
    %add3A_80 = arith.addf %dot_general3A_74, %dot_general3A_79 : vector<128x128xf32>
    %slice3A_81 = vector.extract_strided_slice %convert_element_type3A_69 {offsets = [0, 256], sizes = [32, 128], strides = [1, 1]} : vector<32x512xbf16> to vector<32x128xbf16>
    %slice3A_82 = vector.extract_strided_slice %get3A_7 {offsets = [2, 0, 0], sizes = [1, 32, 128], strides = [1, 1, 1]} : vector<4x32x128xbf16> to vector<1x32x128xbf16>
    %squeeze3A_83 = vector.shape_cast %slice3A_82 : vector<1x32x128xbf16> to vector<32x128xbf16>
    %dot_general3A_84 = arith.constant dense<0.000000e+00> : vector<128x128xf32>
    %dot_general3A_85 = tpu.matmul %slice3A_81, %squeeze3A_83, %dot_general3A_84 {dimension_numbers = #tpu.dot_dimension_numbers<[0], [0], [1], [1], [0, 1, 1, 1], [], []>, transpose_lhs_hint = true} : vector<32x128xbf16>, vector<32x128xbf16>, vector<128x128xf32> -> vector<128x128xf32>
    %add3A_86 = arith.addf %add3A_80, %dot_general3A_85 : vector<128x128xf32>
    %slice3A_87 = vector.extract_strided_slice %convert_element_type3A_69 {offsets = [0, 384], sizes = [32, 128], strides = [1, 1]} : vector<32x512xbf16> to vector<32x128xbf16>
    %slice3A_88 = vector.extract_strided_slice %get3A_7 {offsets = [3, 0, 0], sizes = [1, 32, 128], strides = [1, 1, 1]} : vector<4x32x128xbf16> to vector<1x32x128xbf16>
    %squeeze3A_89 = vector.shape_cast %slice3A_88 : vector<1x32x128xbf16> to vector<32x128xbf16>
    %dot_general3A_90 = arith.constant dense<0.000000e+00> : vector<128x128xf32>
    %dot_general3A_91 = tpu.matmul %slice3A_87, %squeeze3A_89, %dot_general3A_90 {dimension_numbers = #tpu.dot_dimension_numbers<[0], [0], [1], [1], [0, 1, 1, 1], [], []>, transpose_lhs_hint = true} : vector<32x128xbf16>, vector<32x128xbf16>, vector<128x128xf32> -> vector<128x128xf32>
    %add3A_92 = arith.addf %add3A_86, %dot_general3A_91 : vector<128x128xf32>
    %swap3A_93 = arith.constant 384 : index
    %swap3A_94 = arith.constant 0 : index
    %swap3A_95 = vector.load %arg4[%swap3A_93, %swap3A_94] : memref<6272x128xf32, #tpu.memory_space<vmem>>, vector<128x128xf32>
    tpu.vector_store %arg4[%swap3A_93, %swap3A_94], %add3A_92 {strides = array<i32>} : memref<6272x128xf32, #tpu.memory_space<vmem>>, vector<128x128xf32>,
    %slice3A_96 = vector.extract_strided_slice %get3A_3 {offsets = [0, 2048], sizes = [32, 128], strides = [1, 1]} : vector<32x25088xf32> to vector<32x128xf32>
    %transpose3A_97 = tpu.transpose %slice3A_96, [1, 0] : vector<32x128xf32> -> vector<128x32xf32>
    %slice3A_98 = vector.extract_strided_slice %get3A_3 {offsets = [0, 2176], sizes = [32, 128], strides = [1, 1]} : vector<32x25088xf32> to vector<32x128xf32>
    %transpose3A_99 = tpu.transpose %slice3A_98, [1, 0] : vector<32x128xf32> -> vector<128x32xf32>
    %slice3A_100 = vector.extract_strided_slice %get3A_3 {offsets = [0, 2304], sizes = [32, 128], strides = [1, 1]} : vector<32x25088xf32> to vector<32x128xf32>
    %transpose3A_101 = tpu.transpose %slice3A_100, [1, 0] : vector<32x128xf32> -> vector<128x32xf32>
    %slice3A_102 = vector.extract_strided_slice %get3A_3 {offsets = [0, 2432], sizes = [32, 128], strides = [1, 1]} : vector<32x25088xf32> to vector<32x128xf32>
    %transpose3A_103 = tpu.transpose %slice3A_102, [1, 0] : vector<32x128xf32> -> vector<128x32xf32>
    %concatenate3A_104 = tpu.concatenate %transpose3A_97, %transpose3A_99, %transpose3A_101, %transpose3A_103 in 1 : vector<128x32xf32>, vector<128x32xf32>, vector<128x32xf32>, vector<128x32xf32> -> vector<128x128xf32>
    %swap3A_105 = arith.constant 512 : index
    %swap3A_106 = arith.constant 0 : index
    %swap3A_107 = vector.load %arg4[%swap3A_105, %swap3A_106] : memref<6272x128xf32, #tpu.memory_space<vmem>>, vector<128x128xf32>
    tpu.vector_store %arg4[%swap3A_105, %swap3A_106], %concatenate3A_104 {strides = array<i32>} : memref<6272x128xf32, #tpu.memory_space<vmem>>, vector<128x128xf32>,
    %slice3A_108 = vector.extract_strided_slice %get3A_3 {offsets = [0, 2560], sizes = [32, 512], strides = [1, 1]} : vector<32x25088xf32> to vector<32x512xf32>
    %convert_element_type3A_109 = arith.truncf %slice3A_108 : vector<32x512xf32> to vector<32x512xbf16>
    %slice3A_110 = vector.extract_strided_slice %convert_element_type3A_109 {offsets = [0, 0], sizes = [32, 128], strides = [1, 1]} : vector<32x512xbf16> to vector<32x128xbf16>
    %slice3A_111 = vector.extract_strided_slice %get3A_7 {offsets = [0, 0, 0], sizes = [1, 32, 128], strides = [1, 1, 1]} : vector<4x32x128xbf16> to vector<1x32x128xbf16>
    %squeeze3A_112 = vector.shape_cast %slice3A_111 : vector<1x32x128xbf16> to vector<32x128xbf16>
    %dot_general3A_113 = arith.constant dense<0.000000e+00> : vector<128x128xf32>
    %dot_general3A_114 = tpu.matmul %slice3A_110, %squeeze3A_112, %dot_general3A_113 {dimension_numbers = #tpu.dot_dimension_numbers<[0], [0], [1], [1], [0, 1, 1, 1], [], []>, transpose_lhs_hint = true} : vector<32x128xbf16>, vector<32x128xbf16>, vector<128x128xf32> -> vector<128x128xf32>
    %slice3A_115 = vector.extract_strided_slice %convert_element_type3A_109 {offsets = [0, 128], sizes = [32, 128], strides = [1, 1]} : vector<32x512xbf16> to vector<32x128xbf16>
    %slice3A_116 = vector.extract_strided_slice %get3A_7 {offsets = [1, 0, 0], sizes = [1, 32, 128], strides = [1, 1, 1]} : vector<4x32x128xbf16> to vector<1x32x128xbf16>
    %squeeze3A_117 = vector.shape_cast %slice3A_116 : vector<1x32x128xbf16> to vector<32x128xbf16>
    %dot_general3A_118 = arith.constant dense<0.000000e+00> : vector<128x128xf32>
    %dot_general3A_119 = tpu.matmul %slice3A_115, %squeeze3A_117, %dot_general3A_118 {dimension_numbers = #tpu.dot_dimension_numbers<[0], [0], [1], [1], [0, 1, 1, 1], [], []>, transpose_lhs_hint = true} : vector<32x128xbf16>, vector<32x128xbf16>, vector<128x128xf32> -> vector<128x128xf32>
    %add3A_120 = arith.addf %dot_general3A_114, %dot_general3A_119 : vector<128x128xf32>
    %slice3A_121 = vector.extract_strided_slice %convert_element_type3A_109 {offsets = [0, 256], sizes = [32, 128], strides = [1, 1]} : vector<32x512xbf16> to vector<32x128xbf16>
    %slice3A_122 = vector.extract_strided_slice %get3A_7 {offsets = [2, 0, 0], sizes = [1, 32, 128], strides = [1, 1, 1]} : vector<4x32x128xbf16> to vector<1x32x128xbf16>
    %squeeze3A_123 = vector.shape_cast %slice3A_122 : vector<1x32x128xbf16> to vector<32x128xbf16>
    %dot_general3A_124 = arith.constant dense<0.000000e+00> : vector<128x128xf32>
    %dot_general3A_125 = tpu.matmul %slice3A_121, %squeeze3A_123, %dot_general3A_124 {dimension_numbers = #tpu.dot_dimension_numbers<[0], [0], [1], [1], [0, 1, 1, 1], [], []>, transpose_lhs_hint = true} : vector<32x128xbf16>, vector<32x128xbf16>, vector<128x128xf32> -> vector<128x128xf32>
    %add3A_126 = arith.addf %add3A_120, %dot_general3A_125 : vector<128x128xf32>
    %slice3A_127 = vector.extract_strided_slice %convert_element_type3A_109 {offsets = [0, 384], sizes = [32, 128], strides = [1, 1]} : vector<32x512xbf16> to vector<32x128xbf16>
    %slice3A_128 = vector.extract_strided_slice %get3A_7 {offsets = [3, 0, 0], sizes = [1, 32, 128], strides = [1, 1, 1]} : vector<4x32x128xbf16> to vector<1x32x128xbf16>
    %squeeze3A_129 = vector.shape_cast %slice3A_128 : vector<1x32x128xbf16> to vector<32x128xbf16>
    %dot_general3A_130 = arith.constant dense<0.000000e+00> : vector<128x128xf32>
    %dot_general3A_131 = tpu.matmul %slice3A_127, %squeeze3A_129, %dot_general3A_130 {dimension_numbers = #tpu.dot_dimension_numbers<[0], [0], [1], [1], [0, 1, 1, 1], [], []>, transpose_lhs_hint = true} : vector<32x128xbf16>, vector<32x128xbf16>, vector<128x128xf32> -> vector<128x128xf32>
    %add3A_132 = arith.addf %add3A_126, %dot_general3A_131 : vector<128x128xf32>
    %swap3A_133 = arith.constant 640 : index
    %swap3A_134 = arith.constant 0 : index
    %swap3A_135 = vector.load %arg4[%swap3A_133, %swap3A_134] : memref<6272x128xf32, #tpu.memory_space<vmem>>, vector<128x128xf32>
    tpu.vector_store %arg4[%swap3A_133, %swap3A_134], %add3A_132 {strides = array<i32>} : memref<6272x128xf32, #tpu.memory_space<vmem>>, vector<128x128xf32>,
    %slice3A_136 = vector.extract_strided_slice %get3A_3 {offsets = [0, 3072], sizes = [32, 512], strides = [1, 1]} : vector<32x25088xf32> to vector<32x512xf32>
    %convert_element_type3A_137 = arith.truncf %slice3A_136 : vector<32x512xf32> to vector<32x512xbf16>
    %slice3A_138 = vector.extract_strided_slice %convert_element_type3A_137 {offsets = [0, 0], sizes = [32, 128], strides = [1, 1]} : vector<32x512xbf16> to vector<32x128xbf16>
    %slice3A_139 = vector.extract_strided_slice %get3A_7 {offsets = [0, 0, 0], sizes = [1, 32, 128], strides = [1, 1, 1]} : vector<4x32x128xbf16> to vector<1x32x128xbf16>
    %squeeze3A_140 = vector.shape_cast %slice3A_139 : vector<1x32x128xbf16> to vector<32x128xbf16>
    %dot_general3A_141 = arith.constant dense<0.000000e+00> : vector<128x128xf32>
    %dot_general3A_142 = tpu.matmul %slice3A_138, %squeeze3A_140, %dot_general3A_141 {dimension_numbers = #tpu.dot_dimension_numbers<[0], [0], [1], [1], [0, 1, 1, 1], [], []>, transpose_lhs_hint = true} : vector<32x128xbf16>, vector<32x128xbf16>, vector<128x128xf32> -> vector<128x128xf32>
    %slice3A_143 = vector.extract_strided_slice %convert_element_type3A_137 {offsets = [0, 128], sizes = [32, 128], strides = [1, 1]} : vector<32x512xbf16> to vector<32x128xbf16>
    %slice3A_144 = vector.extract_strided_slice %get3A_7 {offsets = [1, 0, 0], sizes = [1, 32, 128], strides = [1, 1, 1]} : vector<4x32x128xbf16> to vector<1x32x128xbf16>
    %squeeze3A_145 = vector.shape_cast %slice3A_144 : vector<1x32x128xbf16> to vector<32x128xbf16>
    %dot_general3A_146 = arith.constant dense<0.000000e+00> : vector<128x128xf32>
    %dot_general3A_147 = tpu.matmul %slice3A_143, %squeeze3A_145, %dot_general3A_146 {dimension_numbers = #tpu.dot_dimension_numbers<[0], [0], [1], [1], [0, 1, 1, 1], [], []>, transpose_lhs_hint = true} : vector<32x128xbf16>, vector<32x128xbf16>, vector<128x128xf32> -> vector<128x128xf32>
    %add3A_148 = arith.addf %dot_general3A_142, %dot_general3A_147 : vector<128x128xf32>
    %slice3A_149 = vector.extract_strided_slice %convert_element_type3A_137 {offsets = [0, 256], sizes = [32, 128], strides = [1, 1]} : vector<32x512xbf16> to vector<32x128xbf16>
    %slice3A_150 = vector.extract_strided_slice %get3A_7 {offsets = [2, 0, 0], sizes = [1, 32, 128], strides = [1, 1, 1]} : vector<4x32x128xbf16> to vector<1x32x128xbf16>
    %squeeze3A_151 = vector.shape_cast %slice3A_150 : vector<1x32x128xbf16> to vector<32x128xbf16>
    %dot_general3A_152 = arith.constant dense<0.000000e+00> : vector<128x128xf32>
    %dot_general3A_153 = tpu.matmul %slice3A_149, %squeeze3A_151, %dot_general3A_152 {dimension_numbers = #tpu.dot_dimension_numbers<[0], [0], [1], [1], [0, 1, 1, 1], [], []>, transpose_lhs_hint = true} : vector<32x128xbf16>, vector<32x128xbf16>, vector<128x128xf32> -> vector<128x128xf32>
    %add3A_154 = arith.addf %add3A_148, %dot_general3A_153 : vector<128x128xf32>
    %slice3A_155 = vector.extract_strided_slice %convert_element_type3A_137 {offsets = [0, 384], sizes = [32, 128], strides = [1, 1]} : vector<32x512xbf16> to vector<32x128xbf16>
    %slice3A_156 = vector.extract_strided_slice %get3A_7 {offsets = [3, 0, 0], sizes = [1, 32, 128], strides = [1, 1, 1]} : vector<4x32x128xbf16> to vector<1x32x128xbf16>
    %squeeze3A_157 = vector.shape_cast %slice3A_156 : vector<1x32x128xbf16> to vector<32x128xbf16>
    %dot_general3A_158 = arith.constant dense<0.000000e+00> : vector<128x128xf32>
    %dot_general3A_159 = tpu.matmul %slice3A_155, %squeeze3A_157, %dot_general3A_158 {dimension_numbers = #tpu.dot_dimension_numbers<[0], [0], [1], [1], [0, 1, 1, 1], [], []>, transpose_lhs_hint = true} : vector<32x128xbf16>, vector<32x128xbf16>, vector<128x128xf32> -> vector<128x128xf32>
    %add3A_160 = arith.addf %add3A_154, %dot_general3A_159 : vector<128x128xf32>
    %swap3A_161 = arith.constant 768 : index
    %swap3A_162 = arith.constant 0 : index
    %swap3A_163 = vector.load %arg4[%swap3A_161, %swap3A_162] : memref<6272x128xf32, #tpu.memory_space<vmem>>, vector<128x128xf32>
    tpu.vector_store %arg4[%swap3A_161, %swap3A_162], %add3A_160 {strides = array<i32>} : memref<6272x128xf32, #tpu.memory_space<vmem>>, vector<128x128xf32>,
    %slice3A_164 = vector.extract_strided_slice %get3A_3 {offsets = [0, 3584], sizes = [32, 512], strides = [1, 1]} : vector<32x25088xf32> to vector<32x512xf32>
    %convert_element_type3A_165 = arith.truncf %slice3A_164 : vector<32x512xf32> to vector<32x512xbf16>
    %slice3A_166 = vector.extract_strided_slice %convert_element_type3A_165 {offsets = [0, 0], sizes = [32, 128], strides = [1, 1]} : vector<32x512xbf16> to vector<32x128xbf16>
    %slice3A_167 = vector.extract_strided_slice %get3A_7 {offsets = [0, 0, 0], sizes = [1, 32, 128], strides = [1, 1, 1]} : vector<4x32x128xbf16> to vector<1x32x128xbf16>
    %squeeze3A_168 = vector.shape_cast %slice3A_167 : vector<1x32x128xbf16> to vector<32x128xbf16>
    %dot_general3A_169 = arith.constant dense<0.000000e+00> : vector<128x128xf32>
    %dot_general3A_170 = tpu.matmul %slice3A_166, %squeeze3A_168, %dot_general3A_169 {dimension_numbers = #tpu.dot_dimension_numbers<[0], [0], [1], [1], [0, 1, 1, 1], [], []>, transpose_lhs_hint = true} : vector<32x128xbf16>, vector<32x128xbf16>, vector<128x128xf32> -> vector<128x128xf32>
    %slice3A_171 = vector.extract_strided_slice %convert_element_type3A_165 {offsets = [0, 128], sizes = [32, 128], strides = [1, 1]} : vector<32x512xbf16> to vector<32x128xbf16>
    %slice3A_172 = vector.extract_strided_slice %get3A_7 {offsets = [1, 0, 0], sizes = [1, 32, 128], strides = [1, 1, 1]} : vector<4x32x128xbf16> to vector<1x32x128xbf16>
    %squeeze3A_173 = vector.shape_cast %slice3A_172 : vector<1x32x128xbf16> to vector<32x128xbf16>
    %dot_general3A_174 = arith.constant dense<0.000000e+00> : vector<128x128xf32>
    %dot_general3A_175 = tpu.matmul %slice3A_171, %squeeze3A_173, %dot_general3A_174 {dimension_numbers = #tpu.dot_dimension_numbers<[0], [0], [1], [1], [0, 1, 1, 1], [], []>, transpose_lhs_hint = true} : vector<32x128xbf16>, vector<32x128xbf16>, vector<128x128xf32> -> vector<128x128xf32>
    %add3A_176 = arith.addf %dot_general3A_170, %dot_general3A_175 : vector<128x128xf32>
    %slice3A_177 = vector.extract_strided_slice %convert_element_type3A_165 {offsets = [0, 256], sizes = [32, 128], strides = [1, 1]} : vector<32x512xbf16> to vector<32x128xbf16>
    %slice3A_178 = vector.extract_strided_slice %get3A_7 {offsets = [2, 0, 0], sizes = [1, 32, 128], strides = [1, 1, 1]} : vector<4x32x128xbf16> to vector<1x32x128xbf16>
    %squeeze3A_179 = vector.shape_cast %slice3A_178 : vector<1x32x128xbf16> to vector<32x128xbf16>
    %dot_general3A_180 = arith.constant dense<0.000000e+00> : vector<128x128xf32>
    %dot_general3A_181 = tpu.matmul %slice3A_177, %squeeze3A_179, %dot_general3A_180 {dimension_numbers = #tpu.dot_dimension_numbers<[0], [0], [1], [1], [0, 1, 1, 1], [], []>, transpose_lhs_hint = true} : vector<32x128xbf16>, vector<32x128xbf16>, vector<128x128xf32> -> vector<128x128xf32>
    %add3A_182 = arith.addf %add3A_176, %dot_general3A_181 : vector<128x128xf32>
    %slice3A_183 = vector.extract_strided_slice %convert_element_type3A_165 {offsets = [0, 384], sizes = [32, 128], strides = [1, 1]} : vector<32x512xbf16> to vector<32x128xbf16>
    %slice3A_184 = vector.extract_strided_slice %get3A_7 {offsets = [3, 0, 0], sizes = [1, 32, 128], strides = [1, 1, 1]} : vector<4x32x128xbf16> to vector<1x32x128xbf16>
    %squeeze3A_185 = vector.shape_cast %slice3A_184 : vector<1x32x128xbf16> to vector<32x128xbf16>
    %dot_general3A_186 = arith.constant dense<0.000000e+00> : vector<128x128xf32>
    %dot_general3A_187 = tpu.matmul %slice3A_183, %squeeze3A_185, %dot_general3A_186 {dimension_numbers = #tpu.dot_dimension_numbers<[0], [0], [1], [1], [0, 1, 1, 1], [], []>, transpose_lhs_hint = true} : vector<32x128xbf16>, vector<32x128xbf16>, vector<128x128xf32> -> vector<128x128xf32>
    %add3A_188 = arith.addf %add3A_182, %dot_general3A_187 : vector<128x128xf32>
    %swap3A_189 = arith.constant 896 : index
    %swap3A_190 = arith.constant 0 : index
    %swap3A_191 = vector.load %arg4[%swap3A_189, %swap3A_190] : memref<6272x128xf32, #tpu.memory_space<vmem>>, vector<128x128xf32>
    tpu.vector_store %arg4[%swap3A_189, %swap3A_190], %add3A_188 {strides = array<i32>} : memref<6272x128xf32, #tpu.memory_space<vmem>>, vector<128x128xf32>,
    %slice3A_192 = vector.extract_strided_slice %get3A_3 {offsets = [0, 4096], sizes = [32, 128], strides = [1, 1]} : vector<32x25088xf32> to vector<32x128xf32>
    %transpose3A_193 = tpu.transpose %slice3A_192, [1, 0] : vector<32x128xf32> -> vector<128x32xf32>
    %slice3A_194 = vector.extract_strided_slice %get3A_3 {offsets = [0, 4224], sizes = [32, 128], strides = [1, 1]} : vector<32x25088xf32> to vector<32x128xf32>
    %transpose3A_195 = tpu.transpose %slice3A_194, [1, 0] : vector<32x128xf32> -> vector<128x32xf32>
    %slice3A_196 = vector.extract_strided_slice %get3A_3 {offsets = [0, 4352], sizes = [32, 128], strides = [1, 1]} : vector<32x25088xf32> to vector<32x128xf32>
    %transpose3A_197 = tpu.transpose %slice3A_196, [1, 0] : vector<32x128xf32> -> vector<128x32xf32>
    %slice3A_198 = vector.extract_strided_slice %get3A_3 {offsets = [0, 4480], sizes = [32, 128], strides = [1, 1]} : vector<32x25088xf32> to vector<32x128xf32>
    %transpose3A_199 = tpu.transpose %slice3A_198, [1, 0] : vector<32x128xf32> -> vector<128x32xf32>
    %concatenate3A_200 = tpu.concatenate %transpose3A_193, %transpose3A_195, %transpose3A_197, %transpose3A_199 in 1 : vector<128x32xf32>, vector<128x32xf32>, vector<128x32xf32>, vector<128x32xf32> -> vector<128x128xf32>
    %swap3A_201 = arith.constant 1024 : index
    %swap3A_202 = arith.constant 0 : index
    %swap3A_203 = vector.load %arg4[%swap3A_201, %swap3A_202] : memref<6272x128xf32, #tpu.memory_space<vmem>>, vector<128x128xf32>
    tpu.vector_store %arg4[%swap3A_201, %swap3A_202], %concatenate3A_200 {strides = array<i32>} : memref<6272x128xf32, #tpu.memory_space<vmem>>, vector<128x128xf32>,
    %slice3A_204 = vector.extract_strided_slice %get3A_3 {offsets = [0, 4608], sizes = [32, 512], strides = [1, 1]} : vector<32x25088xf32> to vector<32x512xf32>
    %convert_element_type3A_205 = arith.truncf %slice3A_204 : vector<32x512xf32> to vector<32x512xbf16>
    %slice3A_206 = vector.extract_strided_slice %convert_element_type3A_205 {offsets = [0, 0], sizes = [32, 128], strides = [1, 1]} : vector<32x512xbf16> to vector<32x128xbf16>
    %slice3A_207 = vector.extract_strided_slice %get3A_7 {offsets = [0, 0, 0], sizes = [1, 32, 128], strides = [1, 1, 1]} : vector<4x32x128xbf16> to vector<1x32x128xbf16>
    %squeeze3A_208 = vector.shape_cast %slice3A_207 : vector<1x32x128xbf16> to vector<32x128xbf16>
    %dot_general3A_209 = arith.constant dense<0.000000e+00> : vector<128x128xf32>
    %dot_general3A_210 = tpu.matmul %slice3A_206, %squeeze3A_208, %dot_general3A_209 {dimension_numbers = #tpu.dot_dimension_numbers<[0], [0], [1], [1], [0, 1, 1, 1], [], []>, transpose_lhs_hint = true} : vector<32x128xbf16>, vector<32x128xbf16>, vector<128x128xf32> -> vector<128x128xf32>
    %slice3A_211 = vector.extract_strided_slice %convert_element_type3A_205 {offsets = [0, 128], sizes = [32, 128], strides = [1, 1]} : vector<32x512xbf16> to vector<32x128xbf16>
    %slice3A_212 = vector.extract_strided_slice %get3A_7 {offsets = [1, 0, 0], sizes = [1, 32, 128], strides = [1, 1, 1]} : vector<4x32x128xbf16> to vector<1x32x128xbf16>
    %squeeze3A_213 = vector.shape_cast %slice3A_212 : vector<1x32x128xbf16> to vector<32x128xbf16>
    %dot_general3A_214 = arith.constant dense<0.000000e+00> : vector<128x128xf32>
    %dot_general3A_215 = tpu.matmul %slice3A_211, %squeeze3A_213, %dot_general3A_214 {dimension_numbers = #tpu.dot_dimension_numbers<[0], [0], [1], [1], [0, 1, 1, 1], [], []>, transpose_lhs_hint = true} : vector<32x128xbf16>, vector<32x128xbf16>, vector<128x128xf32> -> vector<128x128xf32>
    %add3A_216 = arith.addf %dot_general3A_210, %dot_general3A_215 : vector<128x128xf32>
    %slice3A_217 = vector.extract_strided_slice %convert_element_type3A_205 {offsets = [0, 256], sizes = [32, 128], strides = [1, 1]} : vector<32x512xbf16> to vector<32x128xbf16>
    %slice3A_218 = vector.extract_strided_slice %get3A_7 {offsets = [2, 0, 0], sizes = [1, 32, 128], strides = [1, 1, 1]} : vector<4x32x128xbf16> to vector<1x32x128xbf16>
    %squeeze3A_219 = vector.shape_cast %slice3A_218 : vector<1x32x128xbf16> to vector<32x128xbf16>
    %dot_general3A_220 = arith.constant dense<0.000000e+00> : vector<128x128xf32>
    %dot_general3A_221 = tpu.matmul %slice3A_217, %squeeze3A_219, %dot_general3A_220 {dimension_numbers = #tpu.dot_dimension_numbers<[0], [0], [1], [1], [0, 1, 1, 1], [], []>, transpose_lhs_hint = true} : vector<32x128xbf16>, vector<32x128xbf16>, vector<128x128xf32> -> vector<128x128xf32>
    %add3A_222 = arith.addf %add3A_216, %dot_general3A_221 : vector<128x128xf32>
    %slice3A_223 = vector.extract_strided_slice %convert_element_type3A_205 {offsets = [0, 384], sizes = [32, 128], strides = [1, 1]} : vector<32x512xbf16> to vector<32x128xbf16>
    %slice3A_224 = vector.extract_strided_slice %get3A_7 {offsets = [3, 0, 0], sizes = [1, 32, 128], strides = [1, 1, 1]} : vector<4x32x128xbf16> to vector<1x32x128xbf16>
    %squeeze3A_225 = vector.shape_cast %slice3A_224 : vector<1x32x128xbf16> to vector<32x128xbf16>
    %dot_general3A_226 = arith.constant dense<0.000000e+00> : vector<128x128xf32>
    %dot_general3A_227 = tpu.matmul %slice3A_223, %squeeze3A_225, %dot_general3A_226 {dimension_numbers = #tpu.dot_dimension_numbers<[0], [0], [1], [1], [0, 1, 1, 1], [], []>, transpose_lhs_hint = true} : vector<32x128xbf16>, vector<32x128xbf16>, vector<128x128xf32> -> vector<128x128xf32>
    %add3A_228 = arith.addf %add3A_222, %dot_general3A_227 : vector<128x128xf32>
    %swap3A_229 = arith.constant 1152 : index
    %swap3A_230 = arith.constant 0 : index
    %swap3A_231 = vector.load %arg4[%swap3A_229, %swap3A_230] : memref<6272x128xf32, #tpu.memory_space<vmem>>, vector<128x128xf32>
    tpu.vector_store %arg4[%swap3A_229, %swap3A_230], %add3A_228 {strides = array<i32>} : memref<6272x128xf32, #tpu.memory_space<vmem>>, vector<128x128xf32>,
    %slice3A_232 = vector.extract_strided_slice %get3A_3 {offsets = [0, 5120], sizes = [32, 512], strides = [1, 1]} : vector<32x25088xf32> to vector<32x512xf32>
    %convert_element_type3A_233 = arith.truncf %slice3A_232 : vector<32x512xf32> to vector<32x512xbf16>
    %slice3A_234 = vector.extract_strided_slice %convert_element_type3A_233 {offsets = [0, 0], sizes = [32, 128], strides = [1, 1]} : vector<32x512xbf16> to vector<32x128xbf16>
    %slice3A_235 = vector.extract_strided_slice %get3A_7 {offsets = [0, 0, 0], sizes = [1, 32, 128], strides = [1, 1, 1]} : vector<4x32x128xbf16> to vector<1x32x128xbf16>
    %squeeze3A_236 = vector.shape_cast %slice3A_235 : vector<1x32x128xbf16> to vector<32x128xbf16>
    %dot_general3A_237 = arith.constant dense<0.000000e+00> : vector<128x128xf32>
    %dot_general3A_238 = tpu.matmul %slice3A_234, %squeeze3A_236, %dot_general3A_237 {dimension_numbers = #tpu.dot_dimension_numbers<[0], [0], [1], [1], [0, 1, 1, 1], [], []>, transpose_lhs_hint = true} : vector<32x128xbf16>, vector<32x128xbf16>, vector<128x128xf32> -> vector<128x128xf32>
    %slice3A_239 = vector.extract_strided_slice %convert_element_type3A_233 {offsets = [0, 128], sizes = [32, 128], strides = [1, 1]} : vector<32x512xbf16> to vector<32x128xbf16>
    %slice3A_240 = vector.extract_strided_slice %get3A_7 {offsets = [1, 0, 0], sizes = [1, 32, 128], strides = [1, 1, 1]} : vector<4x32x128xbf16> to vector<1x32x128xbf16>
    %squeeze3A_241 = vector.shape_cast %slice3A_240 : vector<1x32x128xbf16> to vector<32x128xbf16>
    %dot_general3A_242 = arith.constant dense<0.000000e+00> : vector<128x128xf32>
    %dot_general3A_243 = tpu.matmul %slice3A_239, %squeeze3A_241, %dot_general3A_242 {dimension_numbers = #tpu.dot_dimension_numbers<[0], [0], [1], [1], [0, 1, 1, 1], [], []>, transpose_lhs_hint = true} : vector<32x128xbf16>, vector<32x128xbf16>, vector<128x128xf32> -> vector<128x128xf32>
    %add3A_244 = arith.addf %dot_general3A_238, %dot_general3A_243 : vector<128x128xf32>
    %slice3A_245 = vector.extract_strided_slice %convert_element_type3A_233 {offsets = [0, 256], sizes = [32, 128], strides = [1, 1]} : vector<32x512xbf16> to vector<32x128xbf16>
    %slice3A_246 = vector.extract_strided_slice %get3A_7 {offsets = [2, 0, 0], sizes = [1, 32, 128], strides = [1, 1, 1]} : vector<4x32x128xbf16> to vector<1x32x128xbf16>
    %squeeze3A_247 = vector.shape_cast %slice3A_246 : vector<1x32x128xbf16> to vector<32x128xbf16>
    %dot_general3A_248 = arith.constant dense<0.000000e+00> : vector<128x128xf32>
    %dot_general3A_249 = tpu.matmul %slice3A_245, %squeeze3A_247, %dot_general3A_248 {dimension_numbers = #tpu.dot_dimension_numbers<[0], [0], [1], [1], [0, 1, 1, 1], [], []>, transpose_lhs_hint = true} : vector<32x128xbf16>, vector<32x128xbf16>, vector<128x128xf32> -> vector<128x128xf32>
    %add3A_250 = arith.addf %add3A_244, %dot_general3A_249 : vector<128x128xf32>
    %slice3A_251 = vector.extract_strided_slice %convert_element_type3A_233 {offsets = [0, 384], sizes = [32, 128], strides = [1, 1]} : vector<32x512xbf16> to vector<32x128xbf16>
    %slice3A_252 = vector.extract_strided_slice %get3A_7 {offsets = [3, 0, 0], sizes = [1, 32, 128], strides = [1, 1, 1]} : vector<4x32x128xbf16> to vector<1x32x128xbf16>
    %squeeze3A_253 = vector.shape_cast %slice3A_252 : vector<1x32x128xbf16> to vector<32x128xbf16>
    %dot_general3A_254 = arith.constant dense<0.000000e+00> : vector<128x128xf32>
    %dot_general3A_255 = tpu.matmul %slice3A_251, %squeeze3A_253, %dot_general3A_254 {dimension_numbers = #tpu.dot_dimension_numbers<[0], [0], [1], [1], [0, 1, 1, 1], [], []>, transpose_lhs_hint = true} : vector<32x128xbf16>, vector<32x128xbf16>, vector<128x128xf32> -> vector<128x128xf32>
    %add3A_256 = arith.addf %add3A_250, %dot_general3A_255 : vector<128x128xf32>
    %swap3A_257 = arith.constant 1280 : index
    %swap3A_258 = arith.constant 0 : index
    %swap3A_259 = vector.load %arg4[%swap3A_257, %swap3A_258] : memref<6272x128xf32, #tpu.memory_space<vmem>>, vector<128x128xf32>
    tpu.vector_store %arg4[%swap3A_257, %swap3A_258], %add3A_256 {strides = array<i32>} : memref<6272x128xf32, #tpu.memory_space<vmem>>, vector<128x128xf32>,
    %slice3A_260 = vector.extract_strided_slice %get3A_3 {offsets = [0, 5632], sizes = [32, 512], strides = [1, 1]} : vector<32x25088xf32> to vector<32x512xf32>
    %convert_element_type3A_261 = arith.truncf %slice3A_260 : vector<32x512xf32> to vector<32x512xbf16>
    %slice3A_262 = vector.extract_strided_slice %convert_element_type3A_261 {offsets = [0, 0], sizes = [32, 128], strides = [1, 1]} : vector<32x512xbf16> to vector<32x128xbf16>
    %slice3A_263 = vector.extract_strided_slice %get3A_7 {offsets = [0, 0, 0], sizes = [1, 32, 128], strides = [1, 1, 1]} : vector<4x32x128xbf16> to vector<1x32x128xbf16>
    %squeeze3A_264 = vector.shape_cast %slice3A_263 : vector<1x32x128xbf16> to vector<32x128xbf16>
    %dot_general3A_265 = arith.constant dense<0.000000e+00> : vector<128x128xf32>
    %dot_general3A_266 = tpu.matmul %slice3A_262, %squeeze3A_264, %dot_general3A_265 {dimension_numbers = #tpu.dot_dimension_numbers<[0], [0], [1], [1], [0, 1, 1, 1], [], []>, transpose_lhs_hint = true} : vector<32x128xbf16>, vector<32x128xbf16>, vector<128x128xf32> -> vector<128x128xf32>
    %slice3A_267 = vector.extract_strided_slice %convert_element_type3A_261 {offsets = [0, 128], sizes = [32, 128], strides = [1, 1]} : vector<32x512xbf16> to vector<32x128xbf16>
    %slice3A_268 = vector.extract_strided_slice %get3A_7 {offsets = [1, 0, 0], sizes = [1, 32, 128], strides = [1, 1, 1]} : vector<4x32x128xbf16> to vector<1x32x128xbf16>
    %squeeze3A_269 = vector.shape_cast %slice3A_268 : vector<1x32x128xbf16> to vector<32x128xbf16>
    %dot_general3A_270 = arith.constant dense<0.000000e+00> : vector<128x128xf32>
    %dot_general3A_271 = tpu.matmul %slice3A_267, %squeeze3A_269, %dot_general3A_270 {dimension_numbers = #tpu.dot_dimension_numbers<[0], [0], [1], [1], [0, 1, 1, 1], [], []>, transpose_lhs_hint = true} : vector<32x128xbf16>, vector<32x128xbf16>, vector<128x128xf32> -> vector<128x128xf32>
    %add3A_272 = arith.addf %dot_general3A_266, %dot_general3A_271 : vector<128x128xf32>
    %slice3A_273 = vector.extract_strided_slice %convert_element_type3A_261 {offsets = [0, 256], sizes = [32, 128], strides = [1, 1]} : vector<32x512xbf16> to vector<32x128xbf16>
    %slice3A_274 = vector.extract_strided_slice %get3A_7 {offsets = [2, 0, 0], sizes = [1, 32, 128], strides = [1, 1, 1]} : vector<4x32x128xbf16> to vector<1x32x128xbf16>
    %squeeze3A_275 = vector.shape_cast %slice3A_274 : vector<1x32x128xbf16> to vector<32x128xbf16>
    %dot_general3A_276 = arith.constant dense<0.000000e+00> : vector<128x128xf32>
    %dot_general3A_277 = tpu.matmul %slice3A_273, %squeeze3A_275, %dot_general3A_276 {dimension_numbers = #tpu.dot_dimension_numbers<[0], [0], [1], [1], [0, 1, 1, 1], [], []>, transpose_lhs_hint = true} : vector<32x128xbf16>, vector<32x128xbf16>, vector<128x128xf32> -> vector<128x128xf32>
    %add3A_278 = arith.addf %add3A_272, %dot_general3A_277 : vector<128x128xf32>
    %slice3A_279 = vector.extract_strided_slice %convert_element_type3A_261 {offsets = [0, 384], sizes = [32, 128], strides = [1, 1]} : vector<32x512xbf16> to vector<32x128xbf16>
    %slice3A_280 = vector.extract_strided_slice %get3A_7 {offsets = [3, 0, 0], sizes = [1, 32, 128], strides = [1, 1, 1]} : vector<4x32x128xbf16> to vector<1x32x128xbf16>
    %squeeze3A_281 = vector.shape_cast %slice3A_280 : vector<1x32x128xbf16> to vector<32x128xbf16>
    %dot_general3A_282 = arith.constant dense<0.000000e+00> : vector<128x128xf32>
    %dot_general3A_283 = tpu.matmul %slice3A_279, %squeeze3A_281, %dot_general3A_282 {dimension_numbers = #tpu.dot_dimension_numbers<[0], [0], [1], [1], [0, 1, 1, 1], [], []>, transpose_lhs_hint = true} : vector<32x128xbf16>, vector<32x128xbf16>, vector<128x128xf32> -> vector<128x128xf32>
    %add3A_284 = arith.addf %add3A_278, %dot_general3A_283 : vector<128x128xf32>
    %swap3A_285 = arith.constant 1408 : index
    %swap3A_286 = arith.constant 0 : index
    %swap3A_287 = vector.load %arg4[%swap3A_285, %swap3A_286] : memref<6272x128xf32, #tpu.memory_space<vmem>>, vector<128x128xf32>
    tpu.vector_store %arg4[%swap3A_285, %swap3A_286], %add3A_284 {strides = array<i32>} : memref<6272x128xf32, #tpu.memory_space<vmem>>, vector<128x128xf32>,
    %slice3A_288 = vector.extract_strided_slice %get3A_3 {offsets = [0, 6144], sizes = [32, 128], strides = [1, 1]} : vector<32x25088xf32> to vector<32x128xf32>
    %transpose3A_289 = tpu.transpose %slice3A_288, [1, 0] : vector<32x128xf32> -> vector<128x32xf32>
    %slice3A_290 = vector.extract_strided_slice %get3A_3 {offsets = [0, 6272], sizes = [32, 128], strides = [1, 1]} : vector<32x25088xf32> to vector<32x128xf32>
    %transpose3A_291 = tpu.transpose %slice3A_290, [1, 0] : vector<32x128xf32> -> vector<128x32xf32>
    %slice3A_292 = vector.extract_strided_slice %get3A_3 {offsets = [0, 6400], sizes = [32, 128], strides = [1, 1]} : vector<32x25088xf32> to vector<32x128xf32>
    %transpose3A_293 = tpu.transpose %slice3A_292, [1, 0] : vector<32x128xf32> -> vector<128x32xf32>
    %slice3A_294 = vector.extract_strided_slice %get3A_3 {offsets = [0, 6528], sizes = [32, 128], strides = [1, 1]} : vector<32x25088xf32> to vector<32x128xf32>
    %transpose3A_295 = tpu.transpose %slice3A_294, [1, 0] : vector<32x128xf32> -> vector<128x32xf32>
    %concatenate3A_296 = tpu.concatenate %transpose3A_289, %transpose3A_291, %transpose3A_293, %transpose3A_295 in 1 : vector<128x32xf32>, vector<128x32xf32>, vector<128x32xf32>, vector<128x32xf32> -> vector<128x128xf32>
    %swap3A_297 = arith.constant 1536 : index
    %swap3A_298 = arith.constant 0 : index
    %swap3A_299 = vector.load %arg4[%swap3A_297, %swap3A_298] : memref<6272x128xf32, #tpu.memory_space<vmem>>, vector<128x128xf32>
    tpu.vector_store %arg4[%swap3A_297, %swap3A_298], %concatenate3A_296 {strides = array<i32>} : memref<6272x128xf32, #tpu.memory_space<vmem>>, vector<128x128xf32>,
    %slice3A_300 = vector.extract_strided_slice %get3A_3 {offsets = [0, 6656], sizes = [32, 512], strides = [1, 1]} : vector<32x25088xf32> to vector<32x512xf32>
    %convert_element_type3A_301 = arith.truncf %slice3A_300 : vector<32x512xf32> to vector<32x512xbf16>
    %slice3A_302 = vector.extract_strided_slice %convert_element_type3A_301 {offsets = [0, 0], sizes = [32, 128], strides = [1, 1]} : vector<32x512xbf16> to vector<32x128xbf16>
    %slice3A_303 = vector.extract_strided_slice %get3A_7 {offsets = [0, 0, 0], sizes = [1, 32, 128], strides = [1, 1, 1]} : vector<4x32x128xbf16> to vector<1x32x128xbf16>
    %squeeze3A_304 = vector.shape_cast %slice3A_303 : vector<1x32x128xbf16> to vector<32x128xbf16>
    %dot_general3A_305 = arith.constant dense<0.000000e+00> : vector<128x128xf32>
    %dot_general3A_306 = tpu.matmul %slice3A_302, %squeeze3A_304, %dot_general3A_305 {dimension_numbers = #tpu.dot_dimension_numbers<[0], [0], [1], [1], [0, 1, 1, 1], [], []>, transpose_lhs_hint = true} : vector<32x128xbf16>, vector<32x128xbf16>, vector<128x128xf32> -> vector<128x128xf32>
    %slice3A_307 = vector.extract_strided_slice %convert_element_type3A_301 {offsets = [0, 128], sizes = [32, 128], strides = [1, 1]} : vector<32x512xbf16> to vector<32x128xbf16>
    %slice3A_308 = vector.extract_strided_slice %get3A_7 {offsets = [1, 0, 0], sizes = [1, 32, 128], strides = [1, 1, 1]} : vector<4x32x128xbf16> to vector<1x32x128xbf16>
    %squeeze3A_309 = vector.shape_cast %slice3A_308 : vector<1x32x128xbf16> to vector<32x128xbf16>
    %dot_general3A_310 = arith.constant dense<0.000000e+00> : vector<128x128xf32>
    %dot_general3A_311 = tpu.matmul %slice3A_307, %squeeze3A_309, %dot_general3A_310 {dimension_numbers = #tpu.dot_dimension_numbers<[0], [0], [1], [1], [0, 1, 1, 1], [], []>, transpose_lhs_hint = true} : vector<32x128xbf16>, vector<32x128xbf16>, vector<128x128xf32> -> vector<128x128xf32>
    %add3A_312 = arith.addf %dot_general3A_306, %dot_general3A_311 : vector<128x128xf32>
    %slice3A_313 = vector.extract_strided_slice %convert_element_type3A_301 {offsets = [0, 256], sizes = [32, 128], strides = [1, 1]} : vector<32x512xbf16> to vector<32x128xbf16>
    %slice3A_314 = vector.extract_strided_slice %get3A_7 {offsets = [2, 0, 0], sizes = [1, 32, 128], strides = [1, 1, 1]} : vector<4x32x128xbf16> to vector<1x32x128xbf16>
    %squeeze3A_315 = vector.shape_cast %slice3A_314 : vector<1x32x128xbf16> to vector<32x128xbf16>
    %dot_general3A_316 = arith.constant dense<0.000000e+00> : vector<128x128xf32>
    %dot_general3A_317 = tpu.matmul %slice3A_313, %squeeze3A_315, %dot_general3A_316 {dimension_numbers = #tpu.dot_dimension_numbers<[0], [0], [1], [1], [0, 1, 1, 1], [], []>, transpose_lhs_hint = true} : vector<32x128xbf16>, vector<32x128xbf16>, vector<128x128xf32> -> vector<128x128xf32>
    %add3A_318 = arith.addf %add3A_312, %dot_general3A_317 : vector<128x128xf32>
    %slice3A_319 = vector.extract_strided_slice %convert_element_type3A_301 {offsets = [0, 384], sizes = [32, 128], strides = [1, 1]} : vector<32x512xbf16> to vector<32x128xbf16>
    %slice3A_320 = vector.extract_strided_slice %get3A_7 {offsets = [3, 0, 0], sizes = [1, 32, 128], strides = [1, 1, 1]} : vector<4x32x128xbf16> to vector<1x32x128xbf16>
    %squeeze3A_321 = vector.shape_cast %slice3A_320 : vector<1x32x128xbf16> to vector<32x128xbf16>
    %dot_general3A_322 = arith.constant dense<0.000000e+00> : vector<128x128xf32>
    %dot_general3A_323 = tpu.matmul %slice3A_319, %squeeze3A_321, %dot_general3A_322 {dimension_numbers = #tpu.dot_dimension_numbers<[0], [0], [1], [1], [0, 1, 1, 1], [], []>, transpose_lhs_hint = true} : vector<32x128xbf16>, vector<32x128xbf16>, vector<128x128xf32> -> vector<128x128xf32>
    %add3A_324 = arith.addf %add3A_318, %dot_general3A_323 : vector<128x128xf32>
    %swap3A_325 = arith.constant 1664 : index
    %swap3A_326 = arith.constant 0 : index
    %swap3A_327 = vector.load %arg4[%swap3A_325, %swap3A_326] : memref<6272x128xf32, #tpu.memory_space<vmem>>, vector<128x128xf32>
    tpu.vector_store %arg4[%swap3A_325, %swap3A_326], %add3A_324 {strides = array<i32>} : memref<6272x128xf32, #tpu.memory_space<vmem>>, vector<128x128xf32>,
    %slice3A_328 = vector.extract_strided_slice %get3A_3 {offsets = [0, 7168], sizes = [32, 512], strides = [1, 1]} : vector<32x25088xf32> to vector<32x512xf32>
    %convert_element_type3A_329 = arith.truncf %slice3A_328 : vector<32x512xf32> to vector<32x512xbf16>
    %slice3A_330 = vector.extract_strided_slice %convert_element_type3A_329 {offsets = [0, 0], sizes = [32, 128], strides = [1, 1]} : vector<32x512xbf16> to vector<32x128xbf16>
    %slice3A_331 = vector.extract_strided_slice %get3A_7 {offsets = [0, 0, 0], sizes = [1, 32, 128], strides = [1, 1, 1]} : vector<4x32x128xbf16> to vector<1x32x128xbf16>
    %squeeze3A_332 = vector.shape_cast %slice3A_331 : vector<1x32x128xbf16> to vector<32x128xbf16>
    %dot_general3A_333 = arith.constant dense<0.000000e+00> : vector<128x128xf32>
    %dot_general3A_334 = tpu.matmul %slice3A_330, %squeeze3A_332, %dot_general3A_333 {dimension_numbers = #tpu.dot_dimension_numbers<[0], [0], [1], [1], [0, 1, 1, 1], [], []>, transpose_lhs_hint = true} : vector<32x128xbf16>, vector<32x128xbf16>, vector<128x128xf32> -> vector<128x128xf32>
    %slice3A_335 = vector.extract_strided_slice %convert_element_type3A_329 {offsets = [0, 128], sizes = [32, 128], strides = [1, 1]} : vector<32x512xbf16> to vector<32x128xbf16>
    %slice3A_336 = vector.extract_strided_slice %get3A_7 {offsets = [1, 0, 0], sizes = [1, 32, 128], strides = [1, 1, 1]} : vector<4x32x128xbf16> to vector<1x32x128xbf16>
    %squeeze3A_337 = vector.shape_cast %slice3A_336 : vector<1x32x128xbf16> to vector<32x128xbf16>
    %dot_general3A_338 = arith.constant dense<0.000000e+00> : vector<128x128xf32>
    %dot_general3A_339 = tpu.matmul %slice3A_335, %squeeze3A_337, %dot_general3A_338 {dimension_numbers = #tpu.dot_dimension_numbers<[0], [0], [1], [1], [0, 1, 1, 1], [], []>, transpose_lhs_hint = true} : vector<32x128xbf16>, vector<32x128xbf16>, vector<128x128xf32> -> vector<128x128xf32>
    %add3A_340 = arith.addf %dot_general3A_334, %dot_general3A_339 : vector<128x128xf32>
    %slice3A_341 = vector.extract_strided_slice %convert_element_type3A_329 {offsets = [0, 256], sizes = [32, 128], strides = [1, 1]} : vector<32x512xbf16> to vector<32x128xbf16>
    %slice3A_342 = vector.extract_strided_slice %get3A_7 {offsets = [2, 0, 0], sizes = [1, 32, 128], strides = [1, 1, 1]} : vector<4x32x128xbf16> to vector<1x32x128xbf16>
    %squeeze3A_343 = vector.shape_cast %slice3A_342 : vector<1x32x128xbf16> to vector<32x128xbf16>
    %dot_general3A_344 = arith.constant dense<0.000000e+00> : vector<128x128xf32>
    %dot_general3A_345 = tpu.matmul %slice3A_341, %squeeze3A_343, %dot_general3A_344 {dimension_numbers = #tpu.dot_dimension_numbers<[0], [0], [1], [1], [0, 1, 1, 1], [], []>, transpose_lhs_hint = true} : vector<32x128xbf16>, vector<32x128xbf16>, vector<128x128xf32> -> vector<128x128xf32>
    %add3A_346 = arith.addf %add3A_340, %dot_general3A_345 : vector<128x128xf32>
    %slice3A_347 = vector.extract_strided_slice %convert_element_type3A_329 {offsets = [0, 384], sizes = [32, 128], strides = [1, 1]} : vector<32x512xbf16> to vector<32x128xbf16>
    %slice3A_348 = vector.extract_strided_slice %get3A_7 {offsets = [3, 0, 0], sizes = [1, 32, 128], strides = [1, 1, 1]} : vector<4x32x128xbf16> to vector<1x32x128xbf16>
    %squeeze3A_349 = vector.shape_cast %slice3A_348 : vector<1x32x128xbf16> to vector<32x128xbf16>
    %dot_general3A_350 = arith.constant dense<0.000000e+00> : vector<128x128xf32>
    %dot_general3A_351 = tpu.matmul %slice3A_347, %squeeze3A_349, %dot_general3A_350 {dimension_numbers = #tpu.dot_dimension_numbers<[0], [0], [1], [1], [0, 1, 1, 1], [], []>, transpose_lhs_hint = true} : vector<32x128xbf16>, vector<32x128xbf16>, vector<128x128xf32> -> vector<128x128xf32>
    %add3A_352 = arith.addf %add3A_346, %dot_general3A_351 : vector<128x128xf32>
    %swap3A_353 = arith.constant 1792 : index
    %swap3A_354 = arith.constant 0 : index
    %swap3A_355 = vector.load %arg4[%swap3A_353, %swap3A_354] : memref<6272x128xf32, #tpu.memory_space<vmem>>, vector<128x128xf32>
    tpu.vector_store %arg4[%swap3A_353, %swap3A_354], %add3A_352 {strides = array<i32>} : memref<6272x128xf32, #tpu.memory_space<vmem>>, vector<128x128xf32>,
    %slice3A_356 = vector.extract_strided_slice %get3A_3 {offsets = [0, 7680], sizes = [32, 512], strides = [1, 1]} : vector<32x25088xf32> to vector<32x512xf32>
    %convert_element_type3A_357 = arith.truncf %slice3A_356 : vector<32x512xf32> to vector<32x512xbf16>
    %slice3A_358 = vector.extract_strided_slice %convert_element_type3A_357 {offsets = [0, 0], sizes = [32, 128], strides = [1, 1]} : vector<32x512xbf16> to vector<32x128xbf16>
    %slice3A_359 = vector.extract_strided_slice %get3A_7 {offsets = [0, 0, 0], sizes = [1, 32, 128], strides = [1, 1, 1]} : vector<4x32x128xbf16> to vector<1x32x128xbf16>
    %squeeze3A_360 = vector.shape_cast %slice3A_359 : vector<1x32x128xbf16> to vector<32x128xbf16>
    %dot_general3A_361 = arith.constant dense<0.000000e+00> : vector<128x128xf32>
    %dot_general3A_362 = tpu.matmul %slice3A_358, %squeeze3A_360, %dot_general3A_361 {dimension_numbers = #tpu.dot_dimension_numbers<[0], [0], [1], [1], [0, 1, 1, 1], [], []>, transpose_lhs_hint = true} : vector<32x128xbf16>, vector<32x128xbf16>, vector<128x128xf32> -> vector<128x128xf32>
    %slice3A_363 = vector.extract_strided_slice %convert_element_type3A_357 {offsets = [0, 128], sizes = [32, 128], strides = [1, 1]} : vector<32x512xbf16> to vector<32x128xbf16>
    %slice3A_364 = vector.extract_strided_slice %get3A_7 {offsets = [1, 0, 0], sizes = [1, 32, 128], strides = [1, 1, 1]} : vector<4x32x128xbf16> to vector<1x32x128xbf16>
    %squeeze3A_365 = vector.shape_cast %slice3A_364 : vector<1x32x128xbf16> to vector<32x128xbf16>
    %dot_general3A_366 = arith.constant dense<0.000000e+00> : vector<128x128xf32>
    %dot_general3A_367 = tpu.matmul %slice3A_363, %squeeze3A_365, %dot_general3A_366 {dimension_numbers = #tpu.dot_dimension_numbers<[0], [0], [1], [1], [0, 1, 1, 1], [], []>, transpose_lhs_hint = true} : vector<32x128xbf16>, vector<32x128xbf16>, vector<128x128xf32> -> vector<128x128xf32>
    %add3A_368 = arith.addf %dot_general3A_362, %dot_general3A_367 : vector<128x128xf32>
    %slice3A_369 = vector.extract_strided_slice %convert_element_type3A_357 {offsets = [0, 256], sizes = [32, 128], strides = [1, 1]} : vector<32x512xbf16> to vector<32x128xbf16>
    %slice3A_370 = vector.extract_strided_slice %get3A_7 {offsets = [2, 0, 0], sizes = [1, 32, 128], strides = [1, 1, 1]} : vector<4x32x128xbf16> to vector<1x32x128xbf16>
    %squeeze3A_371 = vector.shape_cast %slice3A_370 : vector<1x32x128xbf16> to vector<32x128xbf16>
    %dot_general3A_372 = arith.constant dense<0.000000e+00> : vector<128x128xf32>
    %dot_general3A_373 = tpu.matmul %slice3A_369, %squeeze3A_371, %dot_general3A_372 {dimension_numbers = #tpu.dot_dimension_numbers<[0], [0], [1], [1], [0, 1, 1, 1], [], []>, transpose_lhs_hint = true} : vector<32x128xbf16>, vector<32x128xbf16>, vector<128x128xf32> -> vector<128x128xf32>
    %add3A_374 = arith.addf %add3A_368, %dot_general3A_373 : vector<128x128xf32>
    %slice3A_375 = vector.extract_strided_slice %convert_element_type3A_357 {offsets = [0, 384], sizes = [32, 128], strides = [1, 1]} : vector<32x512xbf16> to vector<32x128xbf16>
    %slice3A_376 = vector.extract_strided_slice %get3A_7 {offsets = [3, 0, 0], sizes = [1, 32, 128], strides = [1, 1, 1]} : vector<4x32x128xbf16> to vector<1x32x128xbf16>
    %squeeze3A_377 = vector.shape_cast %slice3A_376 : vector<1x32x128xbf16> to vector<32x128xbf16>
    %dot_general3A_378 = arith.constant dense<0.000000e+00> : vector<128x128xf32>
    %dot_general3A_379 = tpu.matmul %slice3A_375, %squeeze3A_377, %dot_general3A_378 {dimension_numbers = #tpu.dot_dimension_numbers<[0], [0], [1], [1], [0, 1, 1, 1], [], []>, transpose_lhs_hint = true} : vector<32x128xbf16>, vector<32x128xbf16>, vector<128x128xf32> -> vector<128x128xf32>
    %add3A_380 = arith.addf %add3A_374, %dot_general3A_379 : vector<128x128xf32>
    %swap3A_381 = arith.constant 1920 : index
    %swap3A_382 = arith.constant 0 : index
    %swap3A_383 = vector.load %arg4[%swap3A_381, %swap3A_382] : memref<6272x128xf32, #tpu.memory_space<vmem>>, vector<128x128xf32>
    tpu.vector_store %arg4[%swap3A_381, %swap3A_382], %add3A_380 {strides = array<i32>} : memref<6272x128xf32, #tpu.memory_space<vmem>>, vector<128x128xf32>,
    %slice3A_384 = vector.extract_strided_slice %get3A_3 {offsets = [0, 8192], sizes = [32, 128], strides = [1, 1]} : vector<32x25088xf32> to vector<32x128xf32>
    %transpose3A_385 = tpu.transpose %slice3A_384, [1, 0] : vector<32x128xf32> -> vector<128x32xf32>
    %slice3A_386 = vector.extract_strided_slice %get3A_3 {offsets = [0, 8320], sizes = [32, 128], strides = [1, 1]} : vector<32x25088xf32> to vector<32x128xf32>
    %transpose3A_387 = tpu.transpose %slice3A_386, [1, 0] : vector<32x128xf32> -> vector<128x32xf32>
    %slice3A_388 = vector.extract_strided_slice %get3A_3 {offsets = [0, 8448], sizes = [32, 128], strides = [1, 1]} : vector<32x25088xf32> to vector<32x128xf32>
    %transpose3A_389 = tpu.transpose %slice3A_388, [1, 0] : vector<32x128xf32> -> vector<128x32xf32>
    %slice3A_390 = vector.extract_strided_slice %get3A_3 {offsets = [0, 8576], sizes = [32, 128], strides = [1, 1]} : vector<32x25088xf32> to vector<32x128xf32>
    %transpose3A_391 = tpu.transpose %slice3A_390, [1, 0] : vector<32x128xf32> -> vector<128x32xf32>
    %concatenate3A_392 = tpu.concatenate %transpose3A_385, %transpose3A_387, %transpose3A_389, %transpose3A_391 in 1 : vector<128x32xf32>, vector<128x32xf32>, vector<128x32xf32>, vector<128x32xf32> -> vector<128x128xf32>
    %swap3A_393 = arith.constant 2048 : index
    %swap3A_394 = arith.constant 0 : index
    %swap3A_395 = vector.load %arg4[%swap3A_393, %swap3A_394] : memref<6272x128xf32, #tpu.memory_space<vmem>>, vector<128x128xf32>
    tpu.vector_store %arg4[%swap3A_393, %swap3A_394], %concatenate3A_392 {strides = array<i32>} : memref<6272x128xf32, #tpu.memory_space<vmem>>, vector<128x128xf32>,
    %slice3A_396 = vector.extract_strided_slice %get3A_3 {offsets = [0, 8704], sizes = [32, 512], strides = [1, 1]} : vector<32x25088xf32> to vector<32x512xf32>
    %convert_element_type3A_397 = arith.truncf %slice3A_396 : vector<32x512xf32> to vector<32x512xbf16>
    %slice3A_398 = vector.extract_strided_slice %convert_element_type3A_397 {offsets = [0, 0], sizes = [32, 128], strides = [1, 1]} : vector<32x512xbf16> to vector<32x128xbf16>
    %slice3A_399 = vector.extract_strided_slice %get3A_7 {offsets = [0, 0, 0], sizes = [1, 32, 128], strides = [1, 1, 1]} : vector<4x32x128xbf16> to vector<1x32x128xbf16>
    %squeeze3A_400 = vector.shape_cast %slice3A_399 : vector<1x32x128xbf16> to vector<32x128xbf16>
    %dot_general3A_401 = arith.constant dense<0.000000e+00> : vector<128x128xf32>
    %dot_general3A_402 = tpu.matmul %slice3A_398, %squeeze3A_400, %dot_general3A_401 {dimension_numbers = #tpu.dot_dimension_numbers<[0], [0], [1], [1], [0, 1, 1, 1], [], []>, transpose_lhs_hint = true} : vector<32x128xbf16>, vector<32x128xbf16>, vector<128x128xf32> -> vector<128x128xf32>
    %slice3A_403 = vector.extract_strided_slice %convert_element_type3A_397 {offsets = [0, 128], sizes = [32, 128], strides = [1, 1]} : vector<32x512xbf16> to vector<32x128xbf16>
    %slice3A_404 = vector.extract_strided_slice %get3A_7 {offsets = [1, 0, 0], sizes = [1, 32, 128], strides = [1, 1, 1]} : vector<4x32x128xbf16> to vector<1x32x128xbf16>
    %squeeze3A_405 = vector.shape_cast %slice3A_404 : vector<1x32x128xbf16> to vector<32x128xbf16>
    %dot_general3A_406 = arith.constant dense<0.000000e+00> : vector<128x128xf32>
    %dot_general3A_407 = tpu.matmul %slice3A_403, %squeeze3A_405, %dot_general3A_406 {dimension_numbers = #tpu.dot_dimension_numbers<[0], [0], [1], [1], [0, 1, 1, 1], [], []>, transpose_lhs_hint = true} : vector<32x128xbf16>, vector<32x128xbf16>, vector<128x128xf32> -> vector<128x128xf32>
    %add3A_408 = arith.addf %dot_general3A_402, %dot_general3A_407 : vector<128x128xf32>
    %slice3A_409 = vector.extract_strided_slice %convert_element_type3A_397 {offsets = [0, 256], sizes = [32, 128], strides = [1, 1]} : vector<32x512xbf16> to vector<32x128xbf16>
    %slice3A_410 = vector.extract_strided_slice %get3A_7 {offsets = [2, 0, 0], sizes = [1, 32, 128], strides = [1, 1, 1]} : vector<4x32x128xbf16> to vector<1x32x128xbf16>
    %squeeze3A_411 = vector.shape_cast %slice3A_410 : vector<1x32x128xbf16> to vector<32x128xbf16>
    %dot_general3A_412 = arith.constant dense<0.000000e+00> : vector<128x128xf32>
    %dot_general3A_413 = tpu.matmul %slice3A_409, %squeeze3A_411, %dot_general3A_412 {dimension_numbers = #tpu.dot_dimension_numbers<[0], [0], [1], [1], [0, 1, 1, 1], [], []>, transpose_lhs_hint = true} : vector<32x128xbf16>, vector<32x128xbf16>, vector<128x128xf32> -> vector<128x128xf32>
    %add3A_414 = arith.addf %add3A_408, %dot_general3A_413 : vector<128x128xf32>
    %slice3A_415 = vector.extract_strided_slice %convert_element_type3A_397 {offsets = [0, 384], sizes = [32, 128], strides = [1, 1]} : vector<32x512xbf16> to vector<32x128xbf16>
    %slice3A_416 = vector.extract_strided_slice %get3A_7 {offsets = [3, 0, 0], sizes = [1, 32, 128], strides = [1, 1, 1]} : vector<4x32x128xbf16> to vector<1x32x128xbf16>
    %squeeze3A_417 = vector.shape_cast %slice3A_416 : vector<1x32x128xbf16> to vector<32x128xbf16>
    %dot_general3A_418 = arith.constant dense<0.000000e+00> : vector<128x128xf32>
    %dot_general3A_419 = tpu.matmul %slice3A_415, %squeeze3A_417, %dot_general3A_418 {dimension_numbers = #tpu.dot_dimension_numbers<[0], [0], [1], [1], [0, 1, 1, 1], [], []>, transpose_lhs_hint = true} : vector<32x128xbf16>, vector<32x128xbf16>, vector<128x128xf32> -> vector<128x128xf32>
    %add3A_420 = arith.addf %add3A_414, %dot_general3A_419 : vector<128x128xf32>
    %swap3A_421 = arith.constant 2176 : index
    %swap3A_422 = arith.constant 0 : index
    %swap3A_423 = vector.load %arg4[%swap3A_421, %swap3A_422] : memref<6272x128xf32, #tpu.memory_space<vmem>>, vector<128x128xf32>
    tpu.vector_store %arg4[%swap3A_421, %swap3A_422], %add3A_420 {strides = array<i32>} : memref<6272x128xf32, #tpu.memory_space<vmem>>, vector<128x128xf32>,
    %slice3A_424 = vector.extract_strided_slice %get3A_3 {offsets = [0, 9216], sizes = [32, 512], strides = [1, 1]} : vector<32x25088xf32> to vector<32x512xf32>
    %convert_element_type3A_425 = arith.truncf %slice3A_424 : vector<32x512xf32> to vector<32x512xbf16>
    %slice3A_426 = vector.extract_strided_slice %convert_element_type3A_425 {offsets = [0, 0], sizes = [32, 128], strides = [1, 1]} : vector<32x512xbf16> to vector<32x128xbf16>
    %slice3A_427 = vector.extract_strided_slice %get3A_7 {offsets = [0, 0, 0], sizes = [1, 32, 128], strides = [1, 1, 1]} : vector<4x32x128xbf16> to vector<1x32x128xbf16>
    %squeeze3A_428 = vector.shape_cast %slice3A_427 : vector<1x32x128xbf16> to vector<32x128xbf16>
    %dot_general3A_429 = arith.constant dense<0.000000e+00> : vector<128x128xf32>
    %dot_general3A_430 = tpu.matmul %slice3A_426, %squeeze3A_428, %dot_general3A_429 {dimension_numbers = #tpu.dot_dimension_numbers<[0], [0], [1], [1], [0, 1, 1, 1], [], []>, transpose_lhs_hint = true} : vector<32x128xbf16>, vector<32x128xbf16>, vector<128x128xf32> -> vector<128x128xf32>
    %slice3A_431 = vector.extract_strided_slice %convert_element_type3A_425 {offsets = [0, 128], sizes = [32, 128], strides = [1, 1]} : vector<32x512xbf16> to vector<32x128xbf16>
    %slice3A_432 = vector.extract_strided_slice %get3A_7 {offsets = [1, 0, 0], sizes = [1, 32, 128], strides = [1, 1, 1]} : vector<4x32x128xbf16> to vector<1x32x128xbf16>
    %squeeze3A_433 = vector.shape_cast %slice3A_432 : vector<1x32x128xbf16> to vector<32x128xbf16>
    %dot_general3A_434 = arith.constant dense<0.000000e+00> : vector<128x128xf32>
    %dot_general3A_435 = tpu.matmul %slice3A_431, %squeeze3A_433, %dot_general3A_434 {dimension_numbers = #tpu.dot_dimension_numbers<[0], [0], [1], [1], [0, 1, 1, 1], [], []>, transpose_lhs_hint = true} : vector<32x128xbf16>, vector<32x128xbf16>, vector<128x128xf32> -> vector<128x128xf32>
    %add3A_436 = arith.addf %dot_general3A_430, %dot_general3A_435 : vector<128x128xf32>
    %slice3A_437 = vector.extract_strided_slice %convert_element_type3A_425 {offsets = [0, 256], sizes = [32, 128], strides = [1, 1]} : vector<32x512xbf16> to vector<32x128xbf16>
    %slice3A_438 = vector.extract_strided_slice %get3A_7 {offsets = [2, 0, 0], sizes = [1, 32, 128], strides = [1, 1, 1]} : vector<4x32x128xbf16> to vector<1x32x128xbf16>
    %squeeze3A_439 = vector.shape_cast %slice3A_438 : vector<1x32x128xbf16> to vector<32x128xbf16>
    %dot_general3A_440 = arith.constant dense<0.000000e+00> : vector<128x128xf32>
    %dot_general3A_441 = tpu.matmul %slice3A_437, %squeeze3A_439, %dot_general3A_440 {dimension_numbers = #tpu.dot_dimension_numbers<[0], [0], [1], [1], [0, 1, 1, 1], [], []>, transpose_lhs_hint = true} : vector<32x128xbf16>, vector<32x128xbf16>, vector<128x128xf32> -> vector<128x128xf32>
    %add3A_442 = arith.addf %add3A_436, %dot_general3A_441 : vector<128x128xf32>
    %slice3A_443 = vector.extract_strided_slice %convert_element_type3A_425 {offsets = [0, 384], sizes = [32, 128], strides = [1, 1]} : vector<32x512xbf16> to vector<32x128xbf16>
    %slice3A_444 = vector.extract_strided_slice %get3A_7 {offsets = [3, 0, 0], sizes = [1, 32, 128], strides = [1, 1, 1]} : vector<4x32x128xbf16> to vector<1x32x128xbf16>
    %squeeze3A_445 = vector.shape_cast %slice3A_444 : vector<1x32x128xbf16> to vector<32x128xbf16>
    %dot_general3A_446 = arith.constant dense<0.000000e+00> : vector<128x128xf32>
    %dot_general3A_447 = tpu.matmul %slice3A_443, %squeeze3A_445, %dot_general3A_446 {dimension_numbers = #tpu.dot_dimension_numbers<[0], [0], [1], [1], [0, 1, 1, 1], [], []>, transpose_lhs_hint = true} : vector<32x128xbf16>, vector<32x128xbf16>, vector<128x128xf32> -> vector<128x128xf32>
    %add3A_448 = arith.addf %add3A_442, %dot_general3A_447 : vector<128x128xf32>
    %swap3A_449 = arith.constant 2304 : index
    %swap3A_450 = arith.constant 0 : index
    %swap3A_451 = vector.load %arg4[%swap3A_449, %swap3A_450] : memref<6272x128xf32, #tpu.memory_space<vmem>>, vector<128x128xf32>
    tpu.vector_store %arg4[%swap3A_449, %swap3A_450], %add3A_448 {strides = array<i32>} : memref<6272x128xf32, #tpu.memory_space<vmem>>, vector<128x128xf32>,
    %slice3A_452 = vector.extract_strided_slice %get3A_3 {offsets = [0, 9728], sizes = [32, 512], strides = [1, 1]} : vector<32x25088xf32> to vector<32x512xf32>
    %convert_element_type3A_453 = arith.truncf %slice3A_452 : vector<32x512xf32> to vector<32x512xbf16>
    %slice3A_454 = vector.extract_strided_slice %convert_element_type3A_453 {offsets = [0, 0], sizes = [32, 128], strides = [1, 1]} : vector<32x512xbf16> to vector<32x128xbf16>
    %slice3A_455 = vector.extract_strided_slice %get3A_7 {offsets = [0, 0, 0], sizes = [1, 32, 128], strides = [1, 1, 1]} : vector<4x32x128xbf16> to vector<1x32x128xbf16>
    %squeeze3A_456 = vector.shape_cast %slice3A_455 : vector<1x32x128xbf16> to vector<32x128xbf16>
    %dot_general3A_457 = arith.constant dense<0.000000e+00> : vector<128x128xf32>
    %dot_general3A_458 = tpu.matmul %slice3A_454, %squeeze3A_456, %dot_general3A_457 {dimension_numbers = #tpu.dot_dimension_numbers<[0], [0], [1], [1], [0, 1, 1, 1], [], []>, transpose_lhs_hint = true} : vector<32x128xbf16>, vector<32x128xbf16>, vector<128x128xf32> -> vector<128x128xf32>
    %slice3A_459 = vector.extract_strided_slice %convert_element_type3A_453 {offsets = [0, 128], sizes = [32, 128], strides = [1, 1]} : vector<32x512xbf16> to vector<32x128xbf16>
    %slice3A_460 = vector.extract_strided_slice %get3A_7 {offsets = [1, 0, 0], sizes = [1, 32, 128], strides = [1, 1, 1]} : vector<4x32x128xbf16> to vector<1x32x128xbf16>
    %squeeze3A_461 = vector.shape_cast %slice3A_460 : vector<1x32x128xbf16> to vector<32x128xbf16>
    %dot_general3A_462 = arith.constant dense<0.000000e+00> : vector<128x128xf32>
    %dot_general3A_463 = tpu.matmul %slice3A_459, %squeeze3A_461, %dot_general3A_462 {dimension_numbers = #tpu.dot_dimension_numbers<[0], [0], [1], [1], [0, 1, 1, 1], [], []>, transpose_lhs_hint = true} : vector<32x128xbf16>, vector<32x128xbf16>, vector<128x128xf32> -> vector<128x128xf32>
    %add3A_464 = arith.addf %dot_general3A_458, %dot_general3A_463 : vector<128x128xf32>
    %slice3A_465 = vector.extract_strided_slice %convert_element_type3A_453 {offsets = [0, 256], sizes = [32, 128], strides = [1, 1]} : vector<32x512xbf16> to vector<32x128xbf16>
    %slice3A_466 = vector.extract_strided_slice %get3A_7 {offsets = [2, 0, 0], sizes = [1, 32, 128], strides = [1, 1, 1]} : vector<4x32x128xbf16> to vector<1x32x128xbf16>
    %squeeze3A_467 = vector.shape_cast %slice3A_466 : vector<1x32x128xbf16> to vector<32x128xbf16>
    %dot_general3A_468 = arith.constant dense<0.000000e+00> : vector<128x128xf32>
    %dot_general3A_469 = tpu.matmul %slice3A_465, %squeeze3A_467, %dot_general3A_468 {dimension_numbers = #tpu.dot_dimension_numbers<[0], [0], [1], [1], [0, 1, 1, 1], [], []>, transpose_lhs_hint = true} : vector<32x128xbf16>, vector<32x128xbf16>, vector<128x128xf32> -> vector<128x128xf32>
    %add3A_470 = arith.addf %add3A_464, %dot_general3A_469 : vector<128x128xf32>
    %slice3A_471 = vector.extract_strided_slice %convert_element_type3A_453 {offsets = [0, 384], sizes = [32, 128], strides = [1, 1]} : vector<32x512xbf16> to vector<32x128xbf16>
    %slice3A_472 = vector.extract_strided_slice %get3A_7 {offsets = [3, 0, 0], sizes = [1, 32, 128], strides = [1, 1, 1]} : vector<4x32x128xbf16> to vector<1x32x128xbf16>
    %squeeze3A_473 = vector.shape_cast %slice3A_472 : vector<1x32x128xbf16> to vector<32x128xbf16>
    %dot_general3A_474 = arith.constant dense<0.000000e+00> : vector<128x128xf32>
    %dot_general3A_475 = tpu.matmul %slice3A_471, %squeeze3A_473, %dot_general3A_474 {dimension_numbers = #tpu.dot_dimension_numbers<[0], [0], [1], [1], [0, 1, 1, 1], [], []>, transpose_lhs_hint = true} : vector<32x128xbf16>, vector<32x128xbf16>, vector<128x128xf32> -> vector<128x128xf32>
    %add3A_476 = arith.addf %add3A_470, %dot_general3A_475 : vector<128x128xf32>
    %swap3A_477 = arith.constant 2432 : index
    %swap3A_478 = arith.constant 0 : index
    %swap3A_479 = vector.load %arg4[%swap3A_477, %swap3A_478] : memref<6272x128xf32, #tpu.memory_space<vmem>>, vector<128x128xf32>
    tpu.vector_store %arg4[%swap3A_477, %swap3A_478], %add3A_476 {strides = array<i32>} : memref<6272x128xf32, #tpu.memory_space<vmem>>, vector<128x128xf32>,
    %slice3A_480 = vector.extract_strided_slice %get3A_3 {offsets = [0, 10240], sizes = [32, 128], strides = [1, 1]} : vector<32x25088xf32> to vector<32x128xf32>
    %transpose3A_481 = tpu.transpose %slice3A_480, [1, 0] : vector<32x128xf32> -> vector<128x32xf32>
    %slice3A_482 = vector.extract_strided_slice %get3A_3 {offsets = [0, 10368], sizes = [32, 128], strides = [1, 1]} : vector<32x25088xf32> to vector<32x128xf32>
    %transpose3A_483 = tpu.transpose %slice3A_482, [1, 0] : vector<32x128xf32> -> vector<128x32xf32>
    %slice3A_484 = vector.extract_strided_slice %get3A_3 {offsets = [0, 10496], sizes = [32, 128], strides = [1, 1]} : vector<32x25088xf32> to vector<32x128xf32>
    %transpose3A_485 = tpu.transpose %slice3A_484, [1, 0] : vector<32x128xf32> -> vector<128x32xf32>
    %slice3A_486 = vector.extract_strided_slice %get3A_3 {offsets = [0, 10624], sizes = [32, 128], strides = [1, 1]} : vector<32x25088xf32> to vector<32x128xf32>
    %transpose3A_487 = tpu.transpose %slice3A_486, [1, 0] : vector<32x128xf32> -> vector<128x32xf32>
    %concatenate3A_488 = tpu.concatenate %transpose3A_481, %transpose3A_483, %transpose3A_485, %transpose3A_487 in 1 : vector<128x32xf32>, vector<128x32xf32>, vector<128x32xf32>, vector<128x32xf32> -> vector<128x128xf32>
    %swap3A_489 = arith.constant 2560 : index
    %swap3A_490 = arith.constant 0 : index
    %swap3A_491 = vector.load %arg4[%swap3A_489, %swap3A_490] : memref<6272x128xf32, #tpu.memory_space<vmem>>, vector<128x128xf32>
    tpu.vector_store %arg4[%swap3A_489, %swap3A_490], %concatenate3A_488 {strides = array<i32>} : memref<6272x128xf32, #tpu.memory_space<vmem>>, vector<128x128xf32>,
    %slice3A_492 = vector.extract_strided_slice %get3A_3 {offsets = [0, 10752], sizes = [32, 512], strides = [1, 1]} : vector<32x25088xf32> to vector<32x512xf32>
    %convert_element_type3A_493 = arith.truncf %slice3A_492 : vector<32x512xf32> to vector<32x512xbf16>
    %slice3A_494 = vector.extract_strided_slice %convert_element_type3A_493 {offsets = [0, 0], sizes = [32, 128], strides = [1, 1]} : vector<32x512xbf16> to vector<32x128xbf16>
    %slice3A_495 = vector.extract_strided_slice %get3A_7 {offsets = [0, 0, 0], sizes = [1, 32, 128], strides = [1, 1, 1]} : vector<4x32x128xbf16> to vector<1x32x128xbf16>
    %squeeze3A_496 = vector.shape_cast %slice3A_495 : vector<1x32x128xbf16> to vector<32x128xbf16>
    %dot_general3A_497 = arith.constant dense<0.000000e+00> : vector<128x128xf32>
    %dot_general3A_498 = tpu.matmul %slice3A_494, %squeeze3A_496, %dot_general3A_497 {dimension_numbers = #tpu.dot_dimension_numbers<[0], [0], [1], [1], [0, 1, 1, 1], [], []>, transpose_lhs_hint = true} : vector<32x128xbf16>, vector<32x128xbf16>, vector<128x128xf32> -> vector<128x128xf32>
    %slice3A_499 = vector.extract_strided_slice %convert_element_type3A_493 {offsets = [0, 128], sizes = [32, 128], strides = [1, 1]} : vector<32x512xbf16> to vector<32x128xbf16>
    %slice3A_500 = vector.extract_strided_slice %get3A_7 {offsets = [1, 0, 0], sizes = [1, 32, 128], strides = [1, 1, 1]} : vector<4x32x128xbf16> to vector<1x32x128xbf16>
    %squeeze3A_501 = vector.shape_cast %slice3A_500 : vector<1x32x128xbf16> to vector<32x128xbf16>
    %dot_general3A_502 = arith.constant dense<0.000000e+00> : vector<128x128xf32>
    %dot_general3A_503 = tpu.matmul %slice3A_499, %squeeze3A_501, %dot_general3A_502 {dimension_numbers = #tpu.dot_dimension_numbers<[0], [0], [1], [1], [0, 1, 1, 1], [], []>, transpose_lhs_hint = true} : vector<32x128xbf16>, vector<32x128xbf16>, vector<128x128xf32> -> vector<128x128xf32>
    %add3A_504 = arith.addf %dot_general3A_498, %dot_general3A_503 : vector<128x128xf32>
    %slice3A_505 = vector.extract_strided_slice %convert_element_type3A_493 {offsets = [0, 256], sizes = [32, 128], strides = [1, 1]} : vector<32x512xbf16> to vector<32x128xbf16>
    %slice3A_506 = vector.extract_strided_slice %get3A_7 {offsets = [2, 0, 0], sizes = [1, 32, 128], strides = [1, 1, 1]} : vector<4x32x128xbf16> to vector<1x32x128xbf16>
    %squeeze3A_507 = vector.shape_cast %slice3A_506 : vector<1x32x128xbf16> to vector<32x128xbf16>
    %dot_general3A_508 = arith.constant dense<0.000000e+00> : vector<128x128xf32>
    %dot_general3A_509 = tpu.matmul %slice3A_505, %squeeze3A_507, %dot_general3A_508 {dimension_numbers = #tpu.dot_dimension_numbers<[0], [0], [1], [1], [0, 1, 1, 1], [], []>, transpose_lhs_hint = true} : vector<32x128xbf16>, vector<32x128xbf16>, vector<128x128xf32> -> vector<128x128xf32>
    %add3A_510 = arith.addf %add3A_504, %dot_general3A_509 : vector<128x128xf32>
    %slice3A_511 = vector.extract_strided_slice %convert_element_type3A_493 {offsets = [0, 384], sizes = [32, 128], strides = [1, 1]} : vector<32x512xbf16> to vector<32x128xbf16>
    %slice3A_512 = vector.extract_strided_slice %get3A_7 {offsets = [3, 0, 0], sizes = [1, 32, 128], strides = [1, 1, 1]} : vector<4x32x128xbf16> to vector<1x32x128xbf16>
    %squeeze3A_513 = vector.shape_cast %slice3A_512 : vector<1x32x128xbf16> to vector<32x128xbf16>
    %dot_general3A_514 = arith.constant dense<0.000000e+00> : vector<128x128xf32>
    %dot_general3A_515 = tpu.matmul %slice3A_511, %squeeze3A_513, %dot_general3A_514 {dimension_numbers = #tpu.dot_dimension_numbers<[0], [0], [1], [1], [0, 1, 1, 1], [], []>, transpose_lhs_hint = true} : vector<32x128xbf16>, vector<32x128xbf16>, vector<128x128xf32> -> vector<128x128xf32>
    %add3A_516 = arith.addf %add3A_510, %dot_general3A_515 : vector<128x128xf32>
    %swap3A_517 = arith.constant 2688 : index
    %swap3A_518 = arith.constant 0 : index
    %swap3A_519 = vector.load %arg4[%swap3A_517, %swap3A_518] : memref<6272x128xf32, #tpu.memory_space<vmem>>, vector<128x128xf32>
    tpu.vector_store %arg4[%swap3A_517, %swap3A_518], %add3A_516 {strides = array<i32>} : memref<6272x128xf32, #tpu.memory_space<vmem>>, vector<128x128xf32>,
    %slice3A_520 = vector.extract_strided_slice %get3A_3 {offsets = [0, 11264], sizes = [32, 512], strides = [1, 1]} : vector<32x25088xf32> to vector<32x512xf32>
    %convert_element_type3A_521 = arith.truncf %slice3A_520 : vector<32x512xf32> to vector<32x512xbf16>
    %slice3A_522 = vector.extract_strided_slice %convert_element_type3A_521 {offsets = [0, 0], sizes = [32, 128], strides = [1, 1]} : vector<32x512xbf16> to vector<32x128xbf16>
    %slice3A_523 = vector.extract_strided_slice %get3A_7 {offsets = [0, 0, 0], sizes = [1, 32, 128], strides = [1, 1, 1]} : vector<4x32x128xbf16> to vector<1x32x128xbf16>
    %squeeze3A_524 = vector.shape_cast %slice3A_523 : vector<1x32x128xbf16> to vector<32x128xbf16>
    %dot_general3A_525 = arith.constant dense<0.000000e+00> : vector<128x128xf32>
    %dot_general3A_526 = tpu.matmul %slice3A_522, %squeeze3A_524, %dot_general3A_525 {dimension_numbers = #tpu.dot_dimension_numbers<[0], [0], [1], [1], [0, 1, 1, 1], [], []>, transpose_lhs_hint = true} : vector<32x128xbf16>, vector<32x128xbf16>, vector<128x128xf32> -> vector<128x128xf32>
    %slice3A_527 = vector.extract_strided_slice %convert_element_type3A_521 {offsets = [0, 128], sizes = [32, 128], strides = [1, 1]} : vector<32x512xbf16> to vector<32x128xbf16>
    %slice3A_528 = vector.extract_strided_slice %get3A_7 {offsets = [1, 0, 0], sizes = [1, 32, 128], strides = [1, 1, 1]} : vector<4x32x128xbf16> to vector<1x32x128xbf16>
    %squeeze3A_529 = vector.shape_cast %slice3A_528 : vector<1x32x128xbf16> to vector<32x128xbf16>
    %dot_general3A_530 = arith.constant dense<0.000000e+00> : vector<128x128xf32>
    %dot_general3A_531 = tpu.matmul %slice3A_527, %squeeze3A_529, %dot_general3A_530 {dimension_numbers = #tpu.dot_dimension_numbers<[0], [0], [1], [1], [0, 1, 1, 1], [], []>, transpose_lhs_hint = true} : vector<32x128xbf16>, vector<32x128xbf16>, vector<128x128xf32> -> vector<128x128xf32>
    %add3A_532 = arith.addf %dot_general3A_526, %dot_general3A_531 : vector<128x128xf32>
    %slice3A_533 = vector.extract_strided_slice %convert_element_type3A_521 {offsets = [0, 256], sizes = [32, 128], strides = [1, 1]} : vector<32x512xbf16> to vector<32x128xbf16>
    %slice3A_534 = vector.extract_strided_slice %get3A_7 {offsets = [2, 0, 0], sizes = [1, 32, 128], strides = [1, 1, 1]} : vector<4x32x128xbf16> to vector<1x32x128xbf16>
    %squeeze3A_535 = vector.shape_cast %slice3A_534 : vector<1x32x128xbf16> to vector<32x128xbf16>
    %dot_general3A_536 = arith.constant dense<0.000000e+00> : vector<128x128xf32>
    %dot_general3A_537 = tpu.matmul %slice3A_533, %squeeze3A_535, %dot_general3A_536 {dimension_numbers = #tpu.dot_dimension_numbers<[0], [0], [1], [1], [0, 1, 1, 1], [], []>, transpose_lhs_hint = true} : vector<32x128xbf16>, vector<32x128xbf16>, vector<128x128xf32> -> vector<128x128xf32>
    %add3A_538 = arith.addf %add3A_532, %dot_general3A_537 : vector<128x128xf32>
    %slice3A_539 = vector.extract_strided_slice %convert_element_type3A_521 {offsets = [0, 384], sizes = [32, 128], strides = [1, 1]} : vector<32x512xbf16> to vector<32x128xbf16>
    %slice3A_540 = vector.extract_strided_slice %get3A_7 {offsets = [3, 0, 0], sizes = [1, 32, 128], strides = [1, 1, 1]} : vector<4x32x128xbf16> to vector<1x32x128xbf16>
    %squeeze3A_541 = vector.shape_cast %slice3A_540 : vector<1x32x128xbf16> to vector<32x128xbf16>
    %dot_general3A_542 = arith.constant dense<0.000000e+00> : vector<128x128xf32>
    %dot_general3A_543 = tpu.matmul %slice3A_539, %squeeze3A_541, %dot_general3A_542 {dimension_numbers = #tpu.dot_dimension_numbers<[0], [0], [1], [1], [0, 1, 1, 1], [], []>, transpose_lhs_hint = true} : vector<32x128xbf16>, vector<32x128xbf16>, vector<128x128xf32> -> vector<128x128xf32>
    %add3A_544 = arith.addf %add3A_538, %dot_general3A_543 : vector<128x128xf32>
    %swap3A_545 = arith.constant 2816 : index
    %swap3A_546 = arith.constant 0 : index
    %swap3A_547 = vector.load %arg4[%swap3A_545, %swap3A_546] : memref<6272x128xf32, #tpu.memory_space<vmem>>, vector<128x128xf32>
    tpu.vector_store %arg4[%swap3A_545, %swap3A_546], %add3A_544 {strides = array<i32>} : memref<6272x128xf32, #tpu.memory_space<vmem>>, vector<128x128xf32>,
    %slice3A_548 = vector.extract_strided_slice %get3A_3 {offsets = [0, 11776], sizes = [32, 512], strides = [1, 1]} : vector<32x25088xf32> to vector<32x512xf32>
    %convert_element_type3A_549 = arith.truncf %slice3A_548 : vector<32x512xf32> to vector<32x512xbf16>
    %slice3A_550 = vector.extract_strided_slice %convert_element_type3A_549 {offsets = [0, 0], sizes = [32, 128], strides = [1, 1]} : vector<32x512xbf16> to vector<32x128xbf16>
    %slice3A_551 = vector.extract_strided_slice %get3A_7 {offsets = [0, 0, 0], sizes = [1, 32, 128], strides = [1, 1, 1]} : vector<4x32x128xbf16> to vector<1x32x128xbf16>
    %squeeze3A_552 = vector.shape_cast %slice3A_551 : vector<1x32x128xbf16> to vector<32x128xbf16>
    %dot_general3A_553 = arith.constant dense<0.000000e+00> : vector<128x128xf32>
    %dot_general3A_554 = tpu.matmul %slice3A_550, %squeeze3A_552, %dot_general3A_553 {dimension_numbers = #tpu.dot_dimension_numbers<[0], [0], [1], [1], [0, 1, 1, 1], [], []>, transpose_lhs_hint = true} : vector<32x128xbf16>, vector<32x128xbf16>, vector<128x128xf32> -> vector<128x128xf32>
    %slice3A_555 = vector.extract_strided_slice %convert_element_type3A_549 {offsets = [0, 128], sizes = [32, 128], strides = [1, 1]} : vector<32x512xbf16> to vector<32x128xbf16>
    %slice3A_556 = vector.extract_strided_slice %get3A_7 {offsets = [1, 0, 0], sizes = [1, 32, 128], strides = [1, 1, 1]} : vector<4x32x128xbf16> to vector<1x32x128xbf16>
    %squeeze3A_557 = vector.shape_cast %slice3A_556 : vector<1x32x128xbf16> to vector<32x128xbf16>
    %dot_general3A_558 = arith.constant dense<0.000000e+00> : vector<128x128xf32>
    %dot_general3A_559 = tpu.matmul %slice3A_555, %squeeze3A_557, %dot_general3A_558 {dimension_numbers = #tpu.dot_dimension_numbers<[0], [0], [1], [1], [0, 1, 1, 1], [], []>, transpose_lhs_hint = true} : vector<32x128xbf16>, vector<32x128xbf16>, vector<128x128xf32> -> vector<128x128xf32>
    %add3A_560 = arith.addf %dot_general3A_554, %dot_general3A_559 : vector<128x128xf32>
    %slice3A_561 = vector.extract_strided_slice %convert_element_type3A_549 {offsets = [0, 256], sizes = [32, 128], strides = [1, 1]} : vector<32x512xbf16> to vector<32x128xbf16>
    %slice3A_562 = vector.extract_strided_slice %get3A_7 {offsets = [2, 0, 0], sizes = [1, 32, 128], strides = [1, 1, 1]} : vector<4x32x128xbf16> to vector<1x32x128xbf16>
    %squeeze3A_563 = vector.shape_cast %slice3A_562 : vector<1x32x128xbf16> to vector<32x128xbf16>
    %dot_general3A_564 = arith.constant dense<0.000000e+00> : vector<128x128xf32>
    %dot_general3A_565 = tpu.matmul %slice3A_561, %squeeze3A_563, %dot_general3A_564 {dimension_numbers = #tpu.dot_dimension_numbers<[0], [0], [1], [1], [0, 1, 1, 1], [], []>, transpose_lhs_hint = true} : vector<32x128xbf16>, vector<32x128xbf16>, vector<128x128xf32> -> vector<128x128xf32>
    %add3A_566 = arith.addf %add3A_560, %dot_general3A_565 : vector<128x128xf32>
    %slice3A_567 = vector.extract_strided_slice %convert_element_type3A_549 {offsets = [0, 384], sizes = [32, 128], strides = [1, 1]} : vector<32x512xbf16> to vector<32x128xbf16>
    %slice3A_568 = vector.extract_strided_slice %get3A_7 {offsets = [3, 0, 0], sizes = [1, 32, 128], strides = [1, 1, 1]} : vector<4x32x128xbf16> to vector<1x32x128xbf16>
    %squeeze3A_569 = vector.shape_cast %slice3A_568 : vector<1x32x128xbf16> to vector<32x128xbf16>
    %dot_general3A_570 = arith.constant dense<0.000000e+00> : vector<128x128xf32>
    %dot_general3A_571 = tpu.matmul %slice3A_567, %squeeze3A_569, %dot_general3A_570 {dimension_numbers = #tpu.dot_dimension_numbers<[0], [0], [1], [1], [0, 1, 1, 1], [], []>, transpose_lhs_hint = true} : vector<32x128xbf16>, vector<32x128xbf16>, vector<128x128xf32> -> vector<128x128xf32>
    %add3A_572 = arith.addf %add3A_566, %dot_general3A_571 : vector<128x128xf32>
    %swap3A_573 = arith.constant 2944 : index
    %swap3A_574 = arith.constant 0 : index
    %swap3A_575 = vector.load %arg4[%swap3A_573, %swap3A_574] : memref<6272x128xf32, #tpu.memory_space<vmem>>, vector<128x128xf32>
    tpu.vector_store %arg4[%swap3A_573, %swap3A_574], %add3A_572 {strides = array<i32>} : memref<6272x128xf32, #tpu.memory_space<vmem>>, vector<128x128xf32>,
    %slice3A_576 = vector.extract_strided_slice %get3A_3 {offsets = [0, 12288], sizes = [32, 128], strides = [1, 1]} : vector<32x25088xf32> to vector<32x128xf32>
    %transpose3A_577 = tpu.transpose %slice3A_576, [1, 0] : vector<32x128xf32> -> vector<128x32xf32>
    %slice3A_578 = vector.extract_strided_slice %get3A_3 {offsets = [0, 12416], sizes = [32, 128], strides = [1, 1]} : vector<32x25088xf32> to vector<32x128xf32>
    %transpose3A_579 = tpu.transpose %slice3A_578, [1, 0] : vector<32x128xf32> -> vector<128x32xf32>
    %slice3A_580 = vector.extract_strided_slice %get3A_3 {offsets = [0, 12544], sizes = [32, 128], strides = [1, 1]} : vector<32x25088xf32> to vector<32x128xf32>
    %transpose3A_581 = tpu.transpose %slice3A_580, [1, 0] : vector<32x128xf32> -> vector<128x32xf32>
    %slice3A_582 = vector.extract_strided_slice %get3A_3 {offsets = [0, 12672], sizes = [32, 128], strides = [1, 1]} : vector<32x25088xf32> to vector<32x128xf32>
    %transpose3A_583 = tpu.transpose %slice3A_582, [1, 0] : vector<32x128xf32> -> vector<128x32xf32>
    %concatenate3A_584 = tpu.concatenate %transpose3A_577, %transpose3A_579, %transpose3A_581, %transpose3A_583 in 1 : vector<128x32xf32>, vector<128x32xf32>, vector<128x32xf32>, vector<128x32xf32> -> vector<128x128xf32>
    %swap3A_585 = arith.constant 3072 : index
    %swap3A_586 = arith.constant 0 : index
    %swap3A_587 = vector.load %arg4[%swap3A_585, %swap3A_586] : memref<6272x128xf32, #tpu.memory_space<vmem>>, vector<128x128xf32>
    tpu.vector_store %arg4[%swap3A_585, %swap3A_586], %concatenate3A_584 {strides = array<i32>} : memref<6272x128xf32, #tpu.memory_space<vmem>>, vector<128x128xf32>,
    %slice3A_588 = vector.extract_strided_slice %get3A_3 {offsets = [0, 12800], sizes = [32, 512], strides = [1, 1]} : vector<32x25088xf32> to vector<32x512xf32>
    %convert_element_type3A_589 = arith.truncf %slice3A_588 : vector<32x512xf32> to vector<32x512xbf16>
    %slice3A_590 = vector.extract_strided_slice %convert_element_type3A_589 {offsets = [0, 0], sizes = [32, 128], strides = [1, 1]} : vector<32x512xbf16> to vector<32x128xbf16>
    %slice3A_591 = vector.extract_strided_slice %get3A_7 {offsets = [0, 0, 0], sizes = [1, 32, 128], strides = [1, 1, 1]} : vector<4x32x128xbf16> to vector<1x32x128xbf16>
    %squeeze3A_592 = vector.shape_cast %slice3A_591 : vector<1x32x128xbf16> to vector<32x128xbf16>
    %dot_general3A_593 = arith.constant dense<0.000000e+00> : vector<128x128xf32>
    %dot_general3A_594 = tpu.matmul %slice3A_590, %squeeze3A_592, %dot_general3A_593 {dimension_numbers = #tpu.dot_dimension_numbers<[0], [0], [1], [1], [0, 1, 1, 1], [], []>, transpose_lhs_hint = true} : vector<32x128xbf16>, vector<32x128xbf16>, vector<128x128xf32> -> vector<128x128xf32>
    %slice3A_595 = vector.extract_strided_slice %convert_element_type3A_589 {offsets = [0, 128], sizes = [32, 128], strides = [1, 1]} : vector<32x512xbf16> to vector<32x128xbf16>
    %slice3A_596 = vector.extract_strided_slice %get3A_7 {offsets = [1, 0, 0], sizes = [1, 32, 128], strides = [1, 1, 1]} : vector<4x32x128xbf16> to vector<1x32x128xbf16>
    %squeeze3A_597 = vector.shape_cast %slice3A_596 : vector<1x32x128xbf16> to vector<32x128xbf16>
    %dot_general3A_598 = arith.constant dense<0.000000e+00> : vector<128x128xf32>
    %dot_general3A_599 = tpu.matmul %slice3A_595, %squeeze3A_597, %dot_general3A_598 {dimension_numbers = #tpu.dot_dimension_numbers<[0], [0], [1], [1], [0, 1, 1, 1], [], []>, transpose_lhs_hint = true} : vector<32x128xbf16>, vector<32x128xbf16>, vector<128x128xf32> -> vector<128x128xf32>
    %add3A_600 = arith.addf %dot_general3A_594, %dot_general3A_599 : vector<128x128xf32>
    %slice3A_601 = vector.extract_strided_slice %convert_element_type3A_589 {offsets = [0, 256], sizes = [32, 128], strides = [1, 1]} : vector<32x512xbf16> to vector<32x128xbf16>
    %slice3A_602 = vector.extract_strided_slice %get3A_7 {offsets = [2, 0, 0], sizes = [1, 32, 128], strides = [1, 1, 1]} : vector<4x32x128xbf16> to vector<1x32x128xbf16>
    %squeeze3A_603 = vector.shape_cast %slice3A_602 : vector<1x32x128xbf16> to vector<32x128xbf16>
    %dot_general3A_604 = arith.constant dense<0.000000e+00> : vector<128x128xf32>
    %dot_general3A_605 = tpu.matmul %slice3A_601, %squeeze3A_603, %dot_general3A_604 {dimension_numbers = #tpu.dot_dimension_numbers<[0], [0], [1], [1], [0, 1, 1, 1], [], []>, transpose_lhs_hint = true} : vector<32x128xbf16>, vector<32x128xbf16>, vector<128x128xf32> -> vector<128x128xf32>
    %add3A_606 = arith.addf %add3A_600, %dot_general3A_605 : vector<128x128xf32>
    %slice3A_607 = vector.extract_strided_slice %convert_element_type3A_589 {offsets = [0, 384], sizes = [32, 128], strides = [1, 1]} : vector<32x512xbf16> to vector<32x128xbf16>
    %slice3A_608 = vector.extract_strided_slice %get3A_7 {offsets = [3, 0, 0], sizes = [1, 32, 128], strides = [1, 1, 1]} : vector<4x32x128xbf16> to vector<1x32x128xbf16>
    %squeeze3A_609 = vector.shape_cast %slice3A_608 : vector<1x32x128xbf16> to vector<32x128xbf16>
    %dot_general3A_610 = arith.constant dense<0.000000e+00> : vector<128x128xf32>
    %dot_general3A_611 = tpu.matmul %slice3A_607, %squeeze3A_609, %dot_general3A_610 {dimension_numbers = #tpu.dot_dimension_numbers<[0], [0], [1], [1], [0, 1, 1, 1], [], []>, transpose_lhs_hint = true} : vector<32x128xbf16>, vector<32x128xbf16>, vector<128x128xf32> -> vector<128x128xf32>
    %add3A_612 = arith.addf %add3A_606, %dot_general3A_611 : vector<128x128xf32>
    %swap3A_613 = arith.constant 3200 : index
    %swap3A_614 = arith.constant 0 : index
    %swap3A_615 = vector.load %arg4[%swap3A_613, %swap3A_614] : memref<6272x128xf32, #tpu.memory_space<vmem>>, vector<128x128xf32>
    tpu.vector_store %arg4[%swap3A_613, %swap3A_614], %add3A_612 {strides = array<i32>} : memref<6272x128xf32, #tpu.memory_space<vmem>>, vector<128x128xf32>,
    %slice3A_616 = vector.extract_strided_slice %get3A_3 {offsets = [0, 13312], sizes = [32, 512], strides = [1, 1]} : vector<32x25088xf32> to vector<32x512xf32>
    %convert_element_type3A_617 = arith.truncf %slice3A_616 : vector<32x512xf32> to vector<32x512xbf16>
    %slice3A_618 = vector.extract_strided_slice %convert_element_type3A_617 {offsets = [0, 0], sizes = [32, 128], strides = [1, 1]} : vector<32x512xbf16> to vector<32x128xbf16>
    %slice3A_619 = vector.extract_strided_slice %get3A_7 {offsets = [0, 0, 0], sizes = [1, 32, 128], strides = [1, 1, 1]} : vector<4x32x128xbf16> to vector<1x32x128xbf16>
    %squeeze3A_620 = vector.shape_cast %slice3A_619 : vector<1x32x128xbf16> to vector<32x128xbf16>
    %dot_general3A_621 = arith.constant dense<0.000000e+00> : vector<128x128xf32>
    %dot_general3A_622 = tpu.matmul %slice3A_618, %squeeze3A_620, %dot_general3A_621 {dimension_numbers = #tpu.dot_dimension_numbers<[0], [0], [1], [1], [0, 1, 1, 1], [], []>, transpose_lhs_hint = true} : vector<32x128xbf16>, vector<32x128xbf16>, vector<128x128xf32> -> vector<128x128xf32>
    %slice3A_623 = vector.extract_strided_slice %convert_element_type3A_617 {offsets = [0, 128], sizes = [32, 128], strides = [1, 1]} : vector<32x512xbf16> to vector<32x128xbf16>
    %slice3A_624 = vector.extract_strided_slice %get3A_7 {offsets = [1, 0, 0], sizes = [1, 32, 128], strides = [1, 1, 1]} : vector<4x32x128xbf16> to vector<1x32x128xbf16>
    %squeeze3A_625 = vector.shape_cast %slice3A_624 : vector<1x32x128xbf16> to vector<32x128xbf16>
    %dot_general3A_626 = arith.constant dense<0.000000e+00> : vector<128x128xf32>
    %dot_general3A_627 = tpu.matmul %slice3A_623, %squeeze3A_625, %dot_general3A_626 {dimension_numbers = #tpu.dot_dimension_numbers<[0], [0], [1], [1], [0, 1, 1, 1], [], []>, transpose_lhs_hint = true} : vector<32x128xbf16>, vector<32x128xbf16>, vector<128x128xf32> -> vector<128x128xf32>
    %add3A_628 = arith.addf %dot_general3A_622, %dot_general3A_627 : vector<128x128xf32>
    %slice3A_629 = vector.extract_strided_slice %convert_element_type3A_617 {offsets = [0, 256], sizes = [32, 128], strides = [1, 1]} : vector<32x512xbf16> to vector<32x128xbf16>
    %slice3A_630 = vector.extract_strided_slice %get3A_7 {offsets = [2, 0, 0], sizes = [1, 32, 128], strides = [1, 1, 1]} : vector<4x32x128xbf16> to vector<1x32x128xbf16>
    %squeeze3A_631 = vector.shape_cast %slice3A_630 : vector<1x32x128xbf16> to vector<32x128xbf16>
    %dot_general3A_632 = arith.constant dense<0.000000e+00> : vector<128x128xf32>
    %dot_general3A_633 = tpu.matmul %slice3A_629, %squeeze3A_631, %dot_general3A_632 {dimension_numbers = #tpu.dot_dimension_numbers<[0], [0], [1], [1], [0, 1, 1, 1], [], []>, transpose_lhs_hint = true} : vector<32x128xbf16>, vector<32x128xbf16>, vector<128x128xf32> -> vector<128x128xf32>
    %add3A_634 = arith.addf %add3A_628, %dot_general3A_633 : vector<128x128xf32>
    %slice3A_635 = vector.extract_strided_slice %convert_element_type3A_617 {offsets = [0, 384], sizes = [32, 128], strides = [1, 1]} : vector<32x512xbf16> to vector<32x128xbf16>
    %slice3A_636 = vector.extract_strided_slice %get3A_7 {offsets = [3, 0, 0], sizes = [1, 32, 128], strides = [1, 1, 1]} : vector<4x32x128xbf16> to vector<1x32x128xbf16>
    %squeeze3A_637 = vector.shape_cast %slice3A_636 : vector<1x32x128xbf16> to vector<32x128xbf16>
    %dot_general3A_638 = arith.constant dense<0.000000e+00> : vector<128x128xf32>
    %dot_general3A_639 = tpu.matmul %slice3A_635, %squeeze3A_637, %dot_general3A_638 {dimension_numbers = #tpu.dot_dimension_numbers<[0], [0], [1], [1], [0, 1, 1, 1], [], []>, transpose_lhs_hint = true} : vector<32x128xbf16>, vector<32x128xbf16>, vector<128x128xf32> -> vector<128x128xf32>
    %add3A_640 = arith.addf %add3A_634, %dot_general3A_639 : vector<128x128xf32>
    %swap3A_641 = arith.constant 3328 : index
    %swap3A_642 = arith.constant 0 : index
    %swap3A_643 = vector.load %arg4[%swap3A_641, %swap3A_642] : memref<6272x128xf32, #tpu.memory_space<vmem>>, vector<128x128xf32>
    tpu.vector_store %arg4[%swap3A_641, %swap3A_642], %add3A_640 {strides = array<i32>} : memref<6272x128xf32, #tpu.memory_space<vmem>>, vector<128x128xf32>,
    %slice3A_644 = vector.extract_strided_slice %get3A_3 {offsets = [0, 13824], sizes = [32, 512], strides = [1, 1]} : vector<32x25088xf32> to vector<32x512xf32>
    %convert_element_type3A_645 = arith.truncf %slice3A_644 : vector<32x512xf32> to vector<32x512xbf16>
    %slice3A_646 = vector.extract_strided_slice %convert_element_type3A_645 {offsets = [0, 0], sizes = [32, 128], strides = [1, 1]} : vector<32x512xbf16> to vector<32x128xbf16>
    %slice3A_647 = vector.extract_strided_slice %get3A_7 {offsets = [0, 0, 0], sizes = [1, 32, 128], strides = [1, 1, 1]} : vector<4x32x128xbf16> to vector<1x32x128xbf16>
    %squeeze3A_648 = vector.shape_cast %slice3A_647 : vector<1x32x128xbf16> to vector<32x128xbf16>
    %dot_general3A_649 = arith.constant dense<0.000000e+00> : vector<128x128xf32>
    %dot_general3A_650 = tpu.matmul %slice3A_646, %squeeze3A_648, %dot_general3A_649 {dimension_numbers = #tpu.dot_dimension_numbers<[0], [0], [1], [1], [0, 1, 1, 1], [], []>, transpose_lhs_hint = true} : vector<32x128xbf16>, vector<32x128xbf16>, vector<128x128xf32> -> vector<128x128xf32>
    %slice3A_651 = vector.extract_strided_slice %convert_element_type3A_645 {offsets = [0, 128], sizes = [32, 128], strides = [1, 1]} : vector<32x512xbf16> to vector<32x128xbf16>
    %slice3A_652 = vector.extract_strided_slice %get3A_7 {offsets = [1, 0, 0], sizes = [1, 32, 128], strides = [1, 1, 1]} : vector<4x32x128xbf16> to vector<1x32x128xbf16>
    %squeeze3A_653 = vector.shape_cast %slice3A_652 : vector<1x32x128xbf16> to vector<32x128xbf16>
    %dot_general3A_654 = arith.constant dense<0.000000e+00> : vector<128x128xf32>
    %dot_general3A_655 = tpu.matmul %slice3A_651, %squeeze3A_653, %dot_general3A_654 {dimension_numbers = #tpu.dot_dimension_numbers<[0], [0], [1], [1], [0, 1, 1, 1], [], []>, transpose_lhs_hint = true} : vector<32x128xbf16>, vector<32x128xbf16>, vector<128x128xf32> -> vector<128x128xf32>
    %add3A_656 = arith.addf %dot_general3A_650, %dot_general3A_655 : vector<128x128xf32>
    %slice3A_657 = vector.extract_strided_slice %convert_element_type3A_645 {offsets = [0, 256], sizes = [32, 128], strides = [1, 1]} : vector<32x512xbf16> to vector<32x128xbf16>
    %slice3A_658 = vector.extract_strided_slice %get3A_7 {offsets = [2, 0, 0], sizes = [1, 32, 128], strides = [1, 1, 1]} : vector<4x32x128xbf16> to vector<1x32x128xbf16>
    %squeeze3A_659 = vector.shape_cast %slice3A_658 : vector<1x32x128xbf16> to vector<32x128xbf16>
    %dot_general3A_660 = arith.constant dense<0.000000e+00> : vector<128x128xf32>
    %dot_general3A_661 = tpu.matmul %slice3A_657, %squeeze3A_659, %dot_general3A_660 {dimension_numbers = #tpu.dot_dimension_numbers<[0], [0], [1], [1], [0, 1, 1, 1], [], []>, transpose_lhs_hint = true} : vector<32x128xbf16>, vector<32x128xbf16>, vector<128x128xf32> -> vector<128x128xf32>
    %add3A_662 = arith.addf %add3A_656, %dot_general3A_661 : vector<128x128xf32>
    %slice3A_663 = vector.extract_strided_slice %convert_element_type3A_645 {offsets = [0, 384], sizes = [32, 128], strides = [1, 1]} : vector<32x512xbf16> to vector<32x128xbf16>
    %slice3A_664 = vector.extract_strided_slice %get3A_7 {offsets = [3, 0, 0], sizes = [1, 32, 128], strides = [1, 1, 1]} : vector<4x32x128xbf16> to vector<1x32x128xbf16>
    %squeeze3A_665 = vector.shape_cast %slice3A_664 : vector<1x32x128xbf16> to vector<32x128xbf16>
    %dot_general3A_666 = arith.constant dense<0.000000e+00> : vector<128x128xf32>
    %dot_general3A_667 = tpu.matmul %slice3A_663, %squeeze3A_665, %dot_general3A_666 {dimension_numbers = #tpu.dot_dimension_numbers<[0], [0], [1], [1], [0, 1, 1, 1], [], []>, transpose_lhs_hint = true} : vector<32x128xbf16>, vector<32x128xbf16>, vector<128x128xf32> -> vector<128x128xf32>
    %add3A_668 = arith.addf %add3A_662, %dot_general3A_667 : vector<128x128xf32>
    %swap3A_669 = arith.constant 3456 : index
    %swap3A_670 = arith.constant 0 : index
    %swap3A_671 = vector.load %arg4[%swap3A_669, %swap3A_670] : memref<6272x128xf32, #tpu.memory_space<vmem>>, vector<128x128xf32>
    tpu.vector_store %arg4[%swap3A_669, %swap3A_670], %add3A_668 {strides = array<i32>} : memref<6272x128xf32, #tpu.memory_space<vmem>>, vector<128x128xf32>,
    %slice3A_672 = vector.extract_strided_slice %get3A_3 {offsets = [0, 14336], sizes = [32, 128], strides = [1, 1]} : vector<32x25088xf32> to vector<32x128xf32>
    %transpose3A_673 = tpu.transpose %slice3A_672, [1, 0] : vector<32x128xf32> -> vector<128x32xf32>
    %slice3A_674 = vector.extract_strided_slice %get3A_3 {offsets = [0, 14464], sizes = [32, 128], strides = [1, 1]} : vector<32x25088xf32> to vector<32x128xf32>
    %transpose3A_675 = tpu.transpose %slice3A_674, [1, 0] : vector<32x128xf32> -> vector<128x32xf32>
    %slice3A_676 = vector.extract_strided_slice %get3A_3 {offsets = [0, 14592], sizes = [32, 128], strides = [1, 1]} : vector<32x25088xf32> to vector<32x128xf32>
    %transpose3A_677 = tpu.transpose %slice3A_676, [1, 0] : vector<32x128xf32> -> vector<128x32xf32>
    %slice3A_678 = vector.extract_strided_slice %get3A_3 {offsets = [0, 14720], sizes = [32, 128], strides = [1, 1]} : vector<32x25088xf32> to vector<32x128xf32>
    %transpose3A_679 = tpu.transpose %slice3A_678, [1, 0] : vector<32x128xf32> -> vector<128x32xf32>
    %concatenate3A_680 = tpu.concatenate %transpose3A_673, %transpose3A_675, %transpose3A_677, %transpose3A_679 in 1 : vector<128x32xf32>, vector<128x32xf32>, vector<128x32xf32>, vector<128x32xf32> -> vector<128x128xf32>
    %swap3A_681 = arith.constant 3584 : index
    %swap3A_682 = arith.constant 0 : index
    %swap3A_683 = vector.load %arg4[%swap3A_681, %swap3A_682] : memref<6272x128xf32, #tpu.memory_space<vmem>>, vector<128x128xf32>
    tpu.vector_store %arg4[%swap3A_681, %swap3A_682], %concatenate3A_680 {strides = array<i32>} : memref<6272x128xf32, #tpu.memory_space<vmem>>, vector<128x128xf32>,
    %slice3A_684 = vector.extract_strided_slice %get3A_3 {offsets = [0, 14848], sizes = [32, 512], strides = [1, 1]} : vector<32x25088xf32> to vector<32x512xf32>
    %convert_element_type3A_685 = arith.truncf %slice3A_684 : vector<32x512xf32> to vector<32x512xbf16>
    %slice3A_686 = vector.extract_strided_slice %convert_element_type3A_685 {offsets = [0, 0], sizes = [32, 128], strides = [1, 1]} : vector<32x512xbf16> to vector<32x128xbf16>
    %slice3A_687 = vector.extract_strided_slice %get3A_7 {offsets = [0, 0, 0], sizes = [1, 32, 128], strides = [1, 1, 1]} : vector<4x32x128xbf16> to vector<1x32x128xbf16>
    %squeeze3A_688 = vector.shape_cast %slice3A_687 : vector<1x32x128xbf16> to vector<32x128xbf16>
    %dot_general3A_689 = arith.constant dense<0.000000e+00> : vector<128x128xf32>
    %dot_general3A_690 = tpu.matmul %slice3A_686, %squeeze3A_688, %dot_general3A_689 {dimension_numbers = #tpu.dot_dimension_numbers<[0], [0], [1], [1], [0, 1, 1, 1], [], []>, transpose_lhs_hint = true} : vector<32x128xbf16>, vector<32x128xbf16>, vector<128x128xf32> -> vector<128x128xf32>
    %slice3A_691 = vector.extract_strided_slice %convert_element_type3A_685 {offsets = [0, 128], sizes = [32, 128], strides = [1, 1]} : vector<32x512xbf16> to vector<32x128xbf16>
    %slice3A_692 = vector.extract_strided_slice %get3A_7 {offsets = [1, 0, 0], sizes = [1, 32, 128], strides = [1, 1, 1]} : vector<4x32x128xbf16> to vector<1x32x128xbf16>
    %squeeze3A_693 = vector.shape_cast %slice3A_692 : vector<1x32x128xbf16> to vector<32x128xbf16>
    %dot_general3A_694 = arith.constant dense<0.000000e+00> : vector<128x128xf32>
    %dot_general3A_695 = tpu.matmul %slice3A_691, %squeeze3A_693, %dot_general3A_694 {dimension_numbers = #tpu.dot_dimension_numbers<[0], [0], [1], [1], [0, 1, 1, 1], [], []>, transpose_lhs_hint = true} : vector<32x128xbf16>, vector<32x128xbf16>, vector<128x128xf32> -> vector<128x128xf32>
    %add3A_696 = arith.addf %dot_general3A_690, %dot_general3A_695 : vector<128x128xf32>
    %slice3A_697 = vector.extract_strided_slice %convert_element_type3A_685 {offsets = [0, 256], sizes = [32, 128], strides = [1, 1]} : vector<32x512xbf16> to vector<32x128xbf16>
    %slice3A_698 = vector.extract_strided_slice %get3A_7 {offsets = [2, 0, 0], sizes = [1, 32, 128], strides = [1, 1, 1]} : vector<4x32x128xbf16> to vector<1x32x128xbf16>
    %squeeze3A_699 = vector.shape_cast %slice3A_698 : vector<1x32x128xbf16> to vector<32x128xbf16>
    %dot_general3A_700 = arith.constant dense<0.000000e+00> : vector<128x128xf32>
    %dot_general3A_701 = tpu.matmul %slice3A_697, %squeeze3A_699, %dot_general3A_700 {dimension_numbers = #tpu.dot_dimension_numbers<[0], [0], [1], [1], [0, 1, 1, 1], [], []>, transpose_lhs_hint = true} : vector<32x128xbf16>, vector<32x128xbf16>, vector<128x128xf32> -> vector<128x128xf32>
    %add3A_702 = arith.addf %add3A_696, %dot_general3A_701 : vector<128x128xf32>
    %slice3A_703 = vector.extract_strided_slice %convert_element_type3A_685 {offsets = [0, 384], sizes = [32, 128], strides = [1, 1]} : vector<32x512xbf16> to vector<32x128xbf16>
    %slice3A_704 = vector.extract_strided_slice %get3A_7 {offsets = [3, 0, 0], sizes = [1, 32, 128], strides = [1, 1, 1]} : vector<4x32x128xbf16> to vector<1x32x128xbf16>
    %squeeze3A_705 = vector.shape_cast %slice3A_704 : vector<1x32x128xbf16> to vector<32x128xbf16>
    %dot_general3A_706 = arith.constant dense<0.000000e+00> : vector<128x128xf32>
    %dot_general3A_707 = tpu.matmul %slice3A_703, %squeeze3A_705, %dot_general3A_706 {dimension_numbers = #tpu.dot_dimension_numbers<[0], [0], [1], [1], [0, 1, 1, 1], [], []>, transpose_lhs_hint = true} : vector<32x128xbf16>, vector<32x128xbf16>, vector<128x128xf32> -> vector<128x128xf32>
    %add3A_708 = arith.addf %add3A_702, %dot_general3A_707 : vector<128x128xf32>
    %swap3A_709 = arith.constant 3712 : index
    %swap3A_710 = arith.constant 0 : index
    %swap3A_711 = vector.load %arg4[%swap3A_709, %swap3A_710] : memref<6272x128xf32, #tpu.memory_space<vmem>>, vector<128x128xf32>
    tpu.vector_store %arg4[%swap3A_709, %swap3A_710], %add3A_708 {strides = array<i32>} : memref<6272x128xf32, #tpu.memory_space<vmem>>, vector<128x128xf32>,
    %slice3A_712 = vector.extract_strided_slice %get3A_3 {offsets = [0, 15360], sizes = [32, 512], strides = [1, 1]} : vector<32x25088xf32> to vector<32x512xf32>
    %convert_element_type3A_713 = arith.truncf %slice3A_712 : vector<32x512xf32> to vector<32x512xbf16>
    %slice3A_714 = vector.extract_strided_slice %convert_element_type3A_713 {offsets = [0, 0], sizes = [32, 128], strides = [1, 1]} : vector<32x512xbf16> to vector<32x128xbf16>
    %slice3A_715 = vector.extract_strided_slice %get3A_7 {offsets = [0, 0, 0], sizes = [1, 32, 128], strides = [1, 1, 1]} : vector<4x32x128xbf16> to vector<1x32x128xbf16>
    %squeeze3A_716 = vector.shape_cast %slice3A_715 : vector<1x32x128xbf16> to vector<32x128xbf16>
    %dot_general3A_717 = arith.constant dense<0.000000e+00> : vector<128x128xf32>
    %dot_general3A_718 = tpu.matmul %slice3A_714, %squeeze3A_716, %dot_general3A_717 {dimension_numbers = #tpu.dot_dimension_numbers<[0], [0], [1], [1], [0, 1, 1, 1], [], []>, transpose_lhs_hint = true} : vector<32x128xbf16>, vector<32x128xbf16>, vector<128x128xf32> -> vector<128x128xf32>
    %slice3A_719 = vector.extract_strided_slice %convert_element_type3A_713 {offsets = [0, 128], sizes = [32, 128], strides = [1, 1]} : vector<32x512xbf16> to vector<32x128xbf16>
    %slice3A_720 = vector.extract_strided_slice %get3A_7 {offsets = [1, 0, 0], sizes = [1, 32, 128], strides = [1, 1, 1]} : vector<4x32x128xbf16> to vector<1x32x128xbf16>
    %squeeze3A_721 = vector.shape_cast %slice3A_720 : vector<1x32x128xbf16> to vector<32x128xbf16>
    %dot_general3A_722 = arith.constant dense<0.000000e+00> : vector<128x128xf32>
    %dot_general3A_723 = tpu.matmul %slice3A_719, %squeeze3A_721, %dot_general3A_722 {dimension_numbers = #tpu.dot_dimension_numbers<[0], [0], [1], [1], [0, 1, 1, 1], [], []>, transpose_lhs_hint = true} : vector<32x128xbf16>, vector<32x128xbf16>, vector<128x128xf32> -> vector<128x128xf32>
    %add3A_724 = arith.addf %dot_general3A_718, %dot_general3A_723 : vector<128x128xf32>
    %slice3A_725 = vector.extract_strided_slice %convert_element_type3A_713 {offsets = [0, 256], sizes = [32, 128], strides = [1, 1]} : vector<32x512xbf16> to vector<32x128xbf16>
    %slice3A_726 = vector.extract_strided_slice %get3A_7 {offsets = [2, 0, 0], sizes = [1, 32, 128], strides = [1, 1, 1]} : vector<4x32x128xbf16> to vector<1x32x128xbf16>
    %squeeze3A_727 = vector.shape_cast %slice3A_726 : vector<1x32x128xbf16> to vector<32x128xbf16>
    %dot_general3A_728 = arith.constant dense<0.000000e+00> : vector<128x128xf32>
    %dot_general3A_729 = tpu.matmul %slice3A_725, %squeeze3A_727, %dot_general3A_728 {dimension_numbers = #tpu.dot_dimension_numbers<[0], [0], [1], [1], [0, 1, 1, 1], [], []>, transpose_lhs_hint = true} : vector<32x128xbf16>, vector<32x128xbf16>, vector<128x128xf32> -> vector<128x128xf32>
    %add3A_730 = arith.addf %add3A_724, %dot_general3A_729 : vector<128x128xf32>
    %slice3A_731 = vector.extract_strided_slice %convert_element_type3A_713 {offsets = [0, 384], sizes = [32, 128], strides = [1, 1]} : vector<32x512xbf16> to vector<32x128xbf16>
    %slice3A_732 = vector.extract_strided_slice %get3A_7 {offsets = [3, 0, 0], sizes = [1, 32, 128], strides = [1, 1, 1]} : vector<4x32x128xbf16> to vector<1x32x128xbf16>
    %squeeze3A_733 = vector.shape_cast %slice3A_732 : vector<1x32x128xbf16> to vector<32x128xbf16>
    %dot_general3A_734 = arith.constant dense<0.000000e+00> : vector<128x128xf32>
    %dot_general3A_735 = tpu.matmul %slice3A_731, %squeeze3A_733, %dot_general3A_734 {dimension_numbers = #tpu.dot_dimension_numbers<[0], [0], [1], [1], [0, 1, 1, 1], [], []>, transpose_lhs_hint = true} : vector<32x128xbf16>, vector<32x128xbf16>, vector<128x128xf32> -> vector<128x128xf32>
    %add3A_736 = arith.addf %add3A_730, %dot_general3A_735 : vector<128x128xf32>
    %swap3A_737 = arith.constant 3840 : index
    %swap3A_738 = arith.constant 0 : index
    %swap3A_739 = vector.load %arg4[%swap3A_737, %swap3A_738] : memref<6272x128xf32, #tpu.memory_space<vmem>>, vector<128x128xf32>
    tpu.vector_store %arg4[%swap3A_737, %swap3A_738], %add3A_736 {strides = array<i32>} : memref<6272x128xf32, #tpu.memory_space<vmem>>, vector<128x128xf32>,
    %slice3A_740 = vector.extract_strided_slice %get3A_3 {offsets = [0, 15872], sizes = [32, 512], strides = [1, 1]} : vector<32x25088xf32> to vector<32x512xf32>
    %convert_element_type3A_741 = arith.truncf %slice3A_740 : vector<32x512xf32> to vector<32x512xbf16>
    %slice3A_742 = vector.extract_strided_slice %convert_element_type3A_741 {offsets = [0, 0], sizes = [32, 128], strides = [1, 1]} : vector<32x512xbf16> to vector<32x128xbf16>
    %slice3A_743 = vector.extract_strided_slice %get3A_7 {offsets = [0, 0, 0], sizes = [1, 32, 128], strides = [1, 1, 1]} : vector<4x32x128xbf16> to vector<1x32x128xbf16>
    %squeeze3A_744 = vector.shape_cast %slice3A_743 : vector<1x32x128xbf16> to vector<32x128xbf16>
    %dot_general3A_745 = arith.constant dense<0.000000e+00> : vector<128x128xf32>
    %dot_general3A_746 = tpu.matmul %slice3A_742, %squeeze3A_744, %dot_general3A_745 {dimension_numbers = #tpu.dot_dimension_numbers<[0], [0], [1], [1], [0, 1, 1, 1], [], []>, transpose_lhs_hint = true} : vector<32x128xbf16>, vector<32x128xbf16>, vector<128x128xf32> -> vector<128x128xf32>
    %slice3A_747 = vector.extract_strided_slice %convert_element_type3A_741 {offsets = [0, 128], sizes = [32, 128], strides = [1, 1]} : vector<32x512xbf16> to vector<32x128xbf16>
    %slice3A_748 = vector.extract_strided_slice %get3A_7 {offsets = [1, 0, 0], sizes = [1, 32, 128], strides = [1, 1, 1]} : vector<4x32x128xbf16> to vector<1x32x128xbf16>
    %squeeze3A_749 = vector.shape_cast %slice3A_748 : vector<1x32x128xbf16> to vector<32x128xbf16>
    %dot_general3A_750 = arith.constant dense<0.000000e+00> : vector<128x128xf32>
    %dot_general3A_751 = tpu.matmul %slice3A_747, %squeeze3A_749, %dot_general3A_750 {dimension_numbers = #tpu.dot_dimension_numbers<[0], [0], [1], [1], [0, 1, 1, 1], [], []>, transpose_lhs_hint = true} : vector<32x128xbf16>, vector<32x128xbf16>, vector<128x128xf32> -> vector<128x128xf32>
    %add3A_752 = arith.addf %dot_general3A_746, %dot_general3A_751 : vector<128x128xf32>
    %slice3A_753 = vector.extract_strided_slice %convert_element_type3A_741 {offsets = [0, 256], sizes = [32, 128], strides = [1, 1]} : vector<32x512xbf16> to vector<32x128xbf16>
    %slice3A_754 = vector.extract_strided_slice %get3A_7 {offsets = [2, 0, 0], sizes = [1, 32, 128], strides = [1, 1, 1]} : vector<4x32x128xbf16> to vector<1x32x128xbf16>
    %squeeze3A_755 = vector.shape_cast %slice3A_754 : vector<1x32x128xbf16> to vector<32x128xbf16>
    %dot_general3A_756 = arith.constant dense<0.000000e+00> : vector<128x128xf32>
    %dot_general3A_757 = tpu.matmul %slice3A_753, %squeeze3A_755, %dot_general3A_756 {dimension_numbers = #tpu.dot_dimension_numbers<[0], [0], [1], [1], [0, 1, 1, 1], [], []>, transpose_lhs_hint = true} : vector<32x128xbf16>, vector<32x128xbf16>, vector<128x128xf32> -> vector<128x128xf32>
    %add3A_758 = arith.addf %add3A_752, %dot_general3A_757 : vector<128x128xf32>
    %slice3A_759 = vector.extract_strided_slice %convert_element_type3A_741 {offsets = [0, 384], sizes = [32, 128], strides = [1, 1]} : vector<32x512xbf16> to vector<32x128xbf16>
    %slice3A_760 = vector.extract_strided_slice %get3A_7 {offsets = [3, 0, 0], sizes = [1, 32, 128], strides = [1, 1, 1]} : vector<4x32x128xbf16> to vector<1x32x128xbf16>
    %squeeze3A_761 = vector.shape_cast %slice3A_760 : vector<1x32x128xbf16> to vector<32x128xbf16>
    %dot_general3A_762 = arith.constant dense<0.000000e+00> : vector<128x128xf32>
    %dot_general3A_763 = tpu.matmul %slice3A_759, %squeeze3A_761, %dot_general3A_762 {dimension_numbers = #tpu.dot_dimension_numbers<[0], [0], [1], [1], [0, 1, 1, 1], [], []>, transpose_lhs_hint = true} : vector<32x128xbf16>, vector<32x128xbf16>, vector<128x128xf32> -> vector<128x128xf32>
    %add3A_764 = arith.addf %add3A_758, %dot_general3A_763 : vector<128x128xf32>
    %swap3A_765 = arith.constant 3968 : index
    %swap3A_766 = arith.constant 0 : index
    %swap3A_767 = vector.load %arg4[%swap3A_765, %swap3A_766] : memref<6272x128xf32, #tpu.memory_space<vmem>>, vector<128x128xf32>
    tpu.vector_store %arg4[%swap3A_765, %swap3A_766], %add3A_764 {strides = array<i32>} : memref<6272x128xf32, #tpu.memory_space<vmem>>, vector<128x128xf32>,
    %slice3A_768 = vector.extract_strided_slice %get3A_3 {offsets = [0, 16384], sizes = [32, 128], strides = [1, 1]} : vector<32x25088xf32> to vector<32x128xf32>
    %transpose3A_769 = tpu.transpose %slice3A_768, [1, 0] : vector<32x128xf32> -> vector<128x32xf32>
    %slice3A_770 = vector.extract_strided_slice %get3A_3 {offsets = [0, 16512], sizes = [32, 128], strides = [1, 1]} : vector<32x25088xf32> to vector<32x128xf32>
    %transpose3A_771 = tpu.transpose %slice3A_770, [1, 0] : vector<32x128xf32> -> vector<128x32xf32>
    %slice3A_772 = vector.extract_strided_slice %get3A_3 {offsets = [0, 16640], sizes = [32, 128], strides = [1, 1]} : vector<32x25088xf32> to vector<32x128xf32>
    %transpose3A_773 = tpu.transpose %slice3A_772, [1, 0] : vector<32x128xf32> -> vector<128x32xf32>
    %slice3A_774 = vector.extract_strided_slice %get3A_3 {offsets = [0, 16768], sizes = [32, 128], strides = [1, 1]} : vector<32x25088xf32> to vector<32x128xf32>
    %transpose3A_775 = tpu.transpose %slice3A_774, [1, 0] : vector<32x128xf32> -> vector<128x32xf32>
    %concatenate3A_776 = tpu.concatenate %transpose3A_769, %transpose3A_771, %transpose3A_773, %transpose3A_775 in 1 : vector<128x32xf32>, vector<128x32xf32>, vector<128x32xf32>, vector<128x32xf32> -> vector<128x128xf32>
    %swap3A_777 = arith.constant 4096 : index
    %swap3A_778 = arith.constant 0 : index
    %swap3A_779 = vector.load %arg4[%swap3A_777, %swap3A_778] : memref<6272x128xf32, #tpu.memory_space<vmem>>, vector<128x128xf32>
    tpu.vector_store %arg4[%swap3A_777, %swap3A_778], %concatenate3A_776 {strides = array<i32>} : memref<6272x128xf32, #tpu.memory_space<vmem>>, vector<128x128xf32>,
    %slice3A_780 = vector.extract_strided_slice %get3A_3 {offsets = [0, 16896], sizes = [32, 512], strides = [1, 1]} : vector<32x25088xf32> to vector<32x512xf32>
    %convert_element_type3A_781 = arith.truncf %slice3A_780 : vector<32x512xf32> to vector<32x512xbf16>
    %slice3A_782 = vector.extract_strided_slice %convert_element_type3A_781 {offsets = [0, 0], sizes = [32, 128], strides = [1, 1]} : vector<32x512xbf16> to vector<32x128xbf16>
    %slice3A_783 = vector.extract_strided_slice %get3A_7 {offsets = [0, 0, 0], sizes = [1, 32, 128], strides = [1, 1, 1]} : vector<4x32x128xbf16> to vector<1x32x128xbf16>
    %squeeze3A_784 = vector.shape_cast %slice3A_783 : vector<1x32x128xbf16> to vector<32x128xbf16>
    %dot_general3A_785 = arith.constant dense<0.000000e+00> : vector<128x128xf32>
    %dot_general3A_786 = tpu.matmul %slice3A_782, %squeeze3A_784, %dot_general3A_785 {dimension_numbers = #tpu.dot_dimension_numbers<[0], [0], [1], [1], [0, 1, 1, 1], [], []>, transpose_lhs_hint = true} : vector<32x128xbf16>, vector<32x128xbf16>, vector<128x128xf32> -> vector<128x128xf32>
    %slice3A_787 = vector.extract_strided_slice %convert_element_type3A_781 {offsets = [0, 128], sizes = [32, 128], strides = [1, 1]} : vector<32x512xbf16> to vector<32x128xbf16>
    %slice3A_788 = vector.extract_strided_slice %get3A_7 {offsets = [1, 0, 0], sizes = [1, 32, 128], strides = [1, 1, 1]} : vector<4x32x128xbf16> to vector<1x32x128xbf16>
    %squeeze3A_789 = vector.shape_cast %slice3A_788 : vector<1x32x128xbf16> to vector<32x128xbf16>
    %dot_general3A_790 = arith.constant dense<0.000000e+00> : vector<128x128xf32>
    %dot_general3A_791 = tpu.matmul %slice3A_787, %squeeze3A_789, %dot_general3A_790 {dimension_numbers = #tpu.dot_dimension_numbers<[0], [0], [1], [1], [0, 1, 1, 1], [], []>, transpose_lhs_hint = true} : vector<32x128xbf16>, vector<32x128xbf16>, vector<128x128xf32> -> vector<128x128xf32>
    %add3A_792 = arith.addf %dot_general3A_786, %dot_general3A_791 : vector<128x128xf32>
    %slice3A_793 = vector.extract_strided_slice %convert_element_type3A_781 {offsets = [0, 256], sizes = [32, 128], strides = [1, 1]} : vector<32x512xbf16> to vector<32x128xbf16>
    %slice3A_794 = vector.extract_strided_slice %get3A_7 {offsets = [2, 0, 0], sizes = [1, 32, 128], strides = [1, 1, 1]} : vector<4x32x128xbf16> to vector<1x32x128xbf16>
    %squeeze3A_795 = vector.shape_cast %slice3A_794 : vector<1x32x128xbf16> to vector<32x128xbf16>
    %dot_general3A_796 = arith.constant dense<0.000000e+00> : vector<128x128xf32>
    %dot_general3A_797 = tpu.matmul %slice3A_793, %squeeze3A_795, %dot_general3A_796 {dimension_numbers = #tpu.dot_dimension_numbers<[0], [0], [1], [1], [0, 1, 1, 1], [], []>, transpose_lhs_hint = true} : vector<32x128xbf16>, vector<32x128xbf16>, vector<128x128xf32> -> vector<128x128xf32>
    %add3A_798 = arith.addf %add3A_792, %dot_general3A_797 : vector<128x128xf32>
    %slice3A_799 = vector.extract_strided_slice %convert_element_type3A_781 {offsets = [0, 384], sizes = [32, 128], strides = [1, 1]} : vector<32x512xbf16> to vector<32x128xbf16>
    %slice3A_800 = vector.extract_strided_slice %get3A_7 {offsets = [3, 0, 0], sizes = [1, 32, 128], strides = [1, 1, 1]} : vector<4x32x128xbf16> to vector<1x32x128xbf16>
    %squeeze3A_801 = vector.shape_cast %slice3A_800 : vector<1x32x128xbf16> to vector<32x128xbf16>
    %dot_general3A_802 = arith.constant dense<0.000000e+00> : vector<128x128xf32>
    %dot_general3A_803 = tpu.matmul %slice3A_799, %squeeze3A_801, %dot_general3A_802 {dimension_numbers = #tpu.dot_dimension_numbers<[0], [0], [1], [1], [0, 1, 1, 1], [], []>, transpose_lhs_hint = true} : vector<32x128xbf16>, vector<32x128xbf16>, vector<128x128xf32> -> vector<128x128xf32>
    %add3A_804 = arith.addf %add3A_798, %dot_general3A_803 : vector<128x128xf32>
    %swap3A_805 = arith.constant 4224 : index
    %swap3A_806 = arith.constant 0 : index
    %swap3A_807 = vector.load %arg4[%swap3A_805, %swap3A_806] : memref<6272x128xf32, #tpu.memory_space<vmem>>, vector<128x128xf32>
    tpu.vector_store %arg4[%swap3A_805, %swap3A_806], %add3A_804 {strides = array<i32>} : memref<6272x128xf32, #tpu.memory_space<vmem>>, vector<128x128xf32>,
    %slice3A_808 = vector.extract_strided_slice %get3A_3 {offsets = [0, 17408], sizes = [32, 512], strides = [1, 1]} : vector<32x25088xf32> to vector<32x512xf32>
    %convert_element_type3A_809 = arith.truncf %slice3A_808 : vector<32x512xf32> to vector<32x512xbf16>
    %slice3A_810 = vector.extract_strided_slice %convert_element_type3A_809 {offsets = [0, 0], sizes = [32, 128], strides = [1, 1]} : vector<32x512xbf16> to vector<32x128xbf16>
    %slice3A_811 = vector.extract_strided_slice %get3A_7 {offsets = [0, 0, 0], sizes = [1, 32, 128], strides = [1, 1, 1]} : vector<4x32x128xbf16> to vector<1x32x128xbf16>
    %squeeze3A_812 = vector.shape_cast %slice3A_811 : vector<1x32x128xbf16> to vector<32x128xbf16>
    %dot_general3A_813 = arith.constant dense<0.000000e+00> : vector<128x128xf32>
    %dot_general3A_814 = tpu.matmul %slice3A_810, %squeeze3A_812, %dot_general3A_813 {dimension_numbers = #tpu.dot_dimension_numbers<[0], [0], [1], [1], [0, 1, 1, 1], [], []>, transpose_lhs_hint = true} : vector<32x128xbf16>, vector<32x128xbf16>, vector<128x128xf32> -> vector<128x128xf32>
    %slice3A_815 = vector.extract_strided_slice %convert_element_type3A_809 {offsets = [0, 128], sizes = [32, 128], strides = [1, 1]} : vector<32x512xbf16> to vector<32x128xbf16>
    %slice3A_816 = vector.extract_strided_slice %get3A_7 {offsets = [1, 0, 0], sizes = [1, 32, 128], strides = [1, 1, 1]} : vector<4x32x128xbf16> to vector<1x32x128xbf16>
    %squeeze3A_817 = vector.shape_cast %slice3A_816 : vector<1x32x128xbf16> to vector<32x128xbf16>
    %dot_general3A_818 = arith.constant dense<0.000000e+00> : vector<128x128xf32>
    %dot_general3A_819 = tpu.matmul %slice3A_815, %squeeze3A_817, %dot_general3A_818 {dimension_numbers = #tpu.dot_dimension_numbers<[0], [0], [1], [1], [0, 1, 1, 1], [], []>, transpose_lhs_hint = true} : vector<32x128xbf16>, vector<32x128xbf16>, vector<128x128xf32> -> vector<128x128xf32>
    %add3A_820 = arith.addf %dot_general3A_814, %dot_general3A_819 : vector<128x128xf32>
    %slice3A_821 = vector.extract_strided_slice %convert_element_type3A_809 {offsets = [0, 256], sizes = [32, 128], strides = [1, 1]} : vector<32x512xbf16> to vector<32x128xbf16>
    %slice3A_822 = vector.extract_strided_slice %get3A_7 {offsets = [2, 0, 0], sizes = [1, 32, 128], strides = [1, 1, 1]} : vector<4x32x128xbf16> to vector<1x32x128xbf16>
    %squeeze3A_823 = vector.shape_cast %slice3A_822 : vector<1x32x128xbf16> to vector<32x128xbf16>
    %dot_general3A_824 = arith.constant dense<0.000000e+00> : vector<128x128xf32>
    %dot_general3A_825 = tpu.matmul %slice3A_821, %squeeze3A_823, %dot_general3A_824 {dimension_numbers = #tpu.dot_dimension_numbers<[0], [0], [1], [1], [0, 1, 1, 1], [], []>, transpose_lhs_hint = true} : vector<32x128xbf16>, vector<32x128xbf16>, vector<128x128xf32> -> vector<128x128xf32>
    %add3A_826 = arith.addf %add3A_820, %dot_general3A_825 : vector<128x128xf32>
    %slice3A_827 = vector.extract_strided_slice %convert_element_type3A_809 {offsets = [0, 384], sizes = [32, 128], strides = [1, 1]} : vector<32x512xbf16> to vector<32x128xbf16>
    %slice3A_828 = vector.extract_strided_slice %get3A_7 {offsets = [3, 0, 0], sizes = [1, 32, 128], strides = [1, 1, 1]} : vector<4x32x128xbf16> to vector<1x32x128xbf16>
    %squeeze3A_829 = vector.shape_cast %slice3A_828 : vector<1x32x128xbf16> to vector<32x128xbf16>
    %dot_general3A_830 = arith.constant dense<0.000000e+00> : vector<128x128xf32>
    %dot_general3A_831 = tpu.matmul %slice3A_827, %squeeze3A_829, %dot_general3A_830 {dimension_numbers = #tpu.dot_dimension_numbers<[0], [0], [1], [1], [0, 1, 1, 1], [], []>, transpose_lhs_hint = true} : vector<32x128xbf16>, vector<32x128xbf16>, vector<128x128xf32> -> vector<128x128xf32>
    %add3A_832 = arith.addf %add3A_826, %dot_general3A_831 : vector<128x128xf32>
    %swap3A_833 = arith.constant 4352 : index
    %swap3A_834 = arith.constant 0 : index
    %swap3A_835 = vector.load %arg4[%swap3A_833, %swap3A_834] : memref<6272x128xf32, #tpu.memory_space<vmem>>, vector<128x128xf32>
    tpu.vector_store %arg4[%swap3A_833, %swap3A_834], %add3A_832 {strides = array<i32>} : memref<6272x128xf32, #tpu.memory_space<vmem>>, vector<128x128xf32>,
    %slice3A_836 = vector.extract_strided_slice %get3A_3 {offsets = [0, 17920], sizes = [32, 512], strides = [1, 1]} : vector<32x25088xf32> to vector<32x512xf32>
    %convert_element_type3A_837 = arith.truncf %slice3A_836 : vector<32x512xf32> to vector<32x512xbf16>
    %slice3A_838 = vector.extract_strided_slice %convert_element_type3A_837 {offsets = [0, 0], sizes = [32, 128], strides = [1, 1]} : vector<32x512xbf16> to vector<32x128xbf16>
    %slice3A_839 = vector.extract_strided_slice %get3A_7 {offsets = [0, 0, 0], sizes = [1, 32, 128], strides = [1, 1, 1]} : vector<4x32x128xbf16> to vector<1x32x128xbf16>
    %squeeze3A_840 = vector.shape_cast %slice3A_839 : vector<1x32x128xbf16> to vector<32x128xbf16>
    %dot_general3A_841 = arith.constant dense<0.000000e+00> : vector<128x128xf32>
    %dot_general3A_842 = tpu.matmul %slice3A_838, %squeeze3A_840, %dot_general3A_841 {dimension_numbers = #tpu.dot_dimension_numbers<[0], [0], [1], [1], [0, 1, 1, 1], [], []>, transpose_lhs_hint = true} : vector<32x128xbf16>, vector<32x128xbf16>, vector<128x128xf32> -> vector<128x128xf32>
    %slice3A_843 = vector.extract_strided_slice %convert_element_type3A_837 {offsets = [0, 128], sizes = [32, 128], strides = [1, 1]} : vector<32x512xbf16> to vector<32x128xbf16>
    %slice3A_844 = vector.extract_strided_slice %get3A_7 {offsets = [1, 0, 0], sizes = [1, 32, 128], strides = [1, 1, 1]} : vector<4x32x128xbf16> to vector<1x32x128xbf16>
    %squeeze3A_845 = vector.shape_cast %slice3A_844 : vector<1x32x128xbf16> to vector<32x128xbf16>
    %dot_general3A_846 = arith.constant dense<0.000000e+00> : vector<128x128xf32>
    %dot_general3A_847 = tpu.matmul %slice3A_843, %squeeze3A_845, %dot_general3A_846 {dimension_numbers = #tpu.dot_dimension_numbers<[0], [0], [1], [1], [0, 1, 1, 1], [], []>, transpose_lhs_hint = true} : vector<32x128xbf16>, vector<32x128xbf16>, vector<128x128xf32> -> vector<128x128xf32>
    %add3A_848 = arith.addf %dot_general3A_842, %dot_general3A_847 : vector<128x128xf32>
    %slice3A_849 = vector.extract_strided_slice %convert_element_type3A_837 {offsets = [0, 256], sizes = [32, 128], strides = [1, 1]} : vector<32x512xbf16> to vector<32x128xbf16>
    %slice3A_850 = vector.extract_strided_slice %get3A_7 {offsets = [2, 0, 0], sizes = [1, 32, 128], strides = [1, 1, 1]} : vector<4x32x128xbf16> to vector<1x32x128xbf16>
    %squeeze3A_851 = vector.shape_cast %slice3A_850 : vector<1x32x128xbf16> to vector<32x128xbf16>
    %dot_general3A_852 = arith.constant dense<0.000000e+00> : vector<128x128xf32>
    %dot_general3A_853 = tpu.matmul %slice3A_849, %squeeze3A_851, %dot_general3A_852 {dimension_numbers = #tpu.dot_dimension_numbers<[0], [0], [1], [1], [0, 1, 1, 1], [], []>, transpose_lhs_hint = true} : vector<32x128xbf16>, vector<32x128xbf16>, vector<128x128xf32> -> vector<128x128xf32>
    %add3A_854 = arith.addf %add3A_848, %dot_general3A_853 : vector<128x128xf32>
    %slice3A_855 = vector.extract_strided_slice %convert_element_type3A_837 {offsets = [0, 384], sizes = [32, 128], strides = [1, 1]} : vector<32x512xbf16> to vector<32x128xbf16>
    %slice3A_856 = vector.extract_strided_slice %get3A_7 {offsets = [3, 0, 0], sizes = [1, 32, 128], strides = [1, 1, 1]} : vector<4x32x128xbf16> to vector<1x32x128xbf16>
    %squeeze3A_857 = vector.shape_cast %slice3A_856 : vector<1x32x128xbf16> to vector<32x128xbf16>
    %dot_general3A_858 = arith.constant dense<0.000000e+00> : vector<128x128xf32>
    %dot_general3A_859 = tpu.matmul %slice3A_855, %squeeze3A_857, %dot_general3A_858 {dimension_numbers = #tpu.dot_dimension_numbers<[0], [0], [1], [1], [0, 1, 1, 1], [], []>, transpose_lhs_hint = true} : vector<32x128xbf16>, vector<32x128xbf16>, vector<128x128xf32> -> vector<128x128xf32>
    %add3A_860 = arith.addf %add3A_854, %dot_general3A_859 : vector<128x128xf32>
    %swap3A_861 = arith.constant 4480 : index
    %swap3A_862 = arith.constant 0 : index
    %swap3A_863 = vector.load %arg4[%swap3A_861, %swap3A_862] : memref<6272x128xf32, #tpu.memory_space<vmem>>, vector<128x128xf32>
    tpu.vector_store %arg4[%swap3A_861, %swap3A_862], %add3A_860 {strides = array<i32>} : memref<6272x128xf32, #tpu.memory_space<vmem>>, vector<128x128xf32>,
    %slice3A_864 = vector.extract_strided_slice %get3A_3 {offsets = [0, 18432], sizes = [32, 128], strides = [1, 1]} : vector<32x25088xf32> to vector<32x128xf32>
    %transpose3A_865 = tpu.transpose %slice3A_864, [1, 0] : vector<32x128xf32> -> vector<128x32xf32>
    %slice3A_866 = vector.extract_strided_slice %get3A_3 {offsets = [0, 18560], sizes = [32, 128], strides = [1, 1]} : vector<32x25088xf32> to vector<32x128xf32>
    %transpose3A_867 = tpu.transpose %slice3A_866, [1, 0] : vector<32x128xf32> -> vector<128x32xf32>
    %slice3A_868 = vector.extract_strided_slice %get3A_3 {offsets = [0, 18688], sizes = [32, 128], strides = [1, 1]} : vector<32x25088xf32> to vector<32x128xf32>
    %transpose3A_869 = tpu.transpose %slice3A_868, [1, 0] : vector<32x128xf32> -> vector<128x32xf32>
    %slice3A_870 = vector.extract_strided_slice %get3A_3 {offsets = [0, 18816], sizes = [32, 128], strides = [1, 1]} : vector<32x25088xf32> to vector<32x128xf32>
    %transpose3A_871 = tpu.transpose %slice3A_870, [1, 0] : vector<32x128xf32> -> vector<128x32xf32>
    %concatenate3A_872 = tpu.concatenate %transpose3A_865, %transpose3A_867, %transpose3A_869, %transpose3A_871 in 1 : vector<128x32xf32>, vector<128x32xf32>, vector<128x32xf32>, vector<128x32xf32> -> vector<128x128xf32>
    %swap3A_873 = arith.constant 4608 : index
    %swap3A_874 = arith.constant 0 : index
    %swap3A_875 = vector.load %arg4[%swap3A_873, %swap3A_874] : memref<6272x128xf32, #tpu.memory_space<vmem>>, vector<128x128xf32>
    tpu.vector_store %arg4[%swap3A_873, %swap3A_874], %concatenate3A_872 {strides = array<i32>} : memref<6272x128xf32, #tpu.memory_space<vmem>>, vector<128x128xf32>,
    %slice3A_876 = vector.extract_strided_slice %get3A_3 {offsets = [0, 18944], sizes = [32, 512], strides = [1, 1]} : vector<32x25088xf32> to vector<32x512xf32>
    %convert_element_type3A_877 = arith.truncf %slice3A_876 : vector<32x512xf32> to vector<32x512xbf16>
    %slice3A_878 = vector.extract_strided_slice %convert_element_type3A_877 {offsets = [0, 0], sizes = [32, 128], strides = [1, 1]} : vector<32x512xbf16> to vector<32x128xbf16>
    %slice3A_879 = vector.extract_strided_slice %get3A_7 {offsets = [0, 0, 0], sizes = [1, 32, 128], strides = [1, 1, 1]} : vector<4x32x128xbf16> to vector<1x32x128xbf16>
    %squeeze3A_880 = vector.shape_cast %slice3A_879 : vector<1x32x128xbf16> to vector<32x128xbf16>
    %dot_general3A_881 = arith.constant dense<0.000000e+00> : vector<128x128xf32>
    %dot_general3A_882 = tpu.matmul %slice3A_878, %squeeze3A_880, %dot_general3A_881 {dimension_numbers = #tpu.dot_dimension_numbers<[0], [0], [1], [1], [0, 1, 1, 1], [], []>, transpose_lhs_hint = true} : vector<32x128xbf16>, vector<32x128xbf16>, vector<128x128xf32> -> vector<128x128xf32>
    %slice3A_883 = vector.extract_strided_slice %convert_element_type3A_877 {offsets = [0, 128], sizes = [32, 128], strides = [1, 1]} : vector<32x512xbf16> to vector<32x128xbf16>
    %slice3A_884 = vector.extract_strided_slice %get3A_7 {offsets = [1, 0, 0], sizes = [1, 32, 128], strides = [1, 1, 1]} : vector<4x32x128xbf16> to vector<1x32x128xbf16>
    %squeeze3A_885 = vector.shape_cast %slice3A_884 : vector<1x32x128xbf16> to vector<32x128xbf16>
    %dot_general3A_886 = arith.constant dense<0.000000e+00> : vector<128x128xf32>
    %dot_general3A_887 = tpu.matmul %slice3A_883, %squeeze3A_885, %dot_general3A_886 {dimension_numbers = #tpu.dot_dimension_numbers<[0], [0], [1], [1], [0, 1, 1, 1], [], []>, transpose_lhs_hint = true} : vector<32x128xbf16>, vector<32x128xbf16>, vector<128x128xf32> -> vector<128x128xf32>
    %add3A_888 = arith.addf %dot_general3A_882, %dot_general3A_887 : vector<128x128xf32>
    %slice3A_889 = vector.extract_strided_slice %convert_element_type3A_877 {offsets = [0, 256], sizes = [32, 128], strides = [1, 1]} : vector<32x512xbf16> to vector<32x128xbf16>
    %slice3A_890 = vector.extract_strided_slice %get3A_7 {offsets = [2, 0, 0], sizes = [1, 32, 128], strides = [1, 1, 1]} : vector<4x32x128xbf16> to vector<1x32x128xbf16>
    %squeeze3A_891 = vector.shape_cast %slice3A_890 : vector<1x32x128xbf16> to vector<32x128xbf16>
    %dot_general3A_892 = arith.constant dense<0.000000e+00> : vector<128x128xf32>
    %dot_general3A_893 = tpu.matmul %slice3A_889, %squeeze3A_891, %dot_general3A_892 {dimension_numbers = #tpu.dot_dimension_numbers<[0], [0], [1], [1], [0, 1, 1, 1], [], []>, transpose_lhs_hint = true} : vector<32x128xbf16>, vector<32x128xbf16>, vector<128x128xf32> -> vector<128x128xf32>
    %add3A_894 = arith.addf %add3A_888, %dot_general3A_893 : vector<128x128xf32>
    %slice3A_895 = vector.extract_strided_slice %convert_element_type3A_877 {offsets = [0, 384], sizes = [32, 128], strides = [1, 1]} : vector<32x512xbf16> to vector<32x128xbf16>
    %slice3A_896 = vector.extract_strided_slice %get3A_7 {offsets = [3, 0, 0], sizes = [1, 32, 128], strides = [1, 1, 1]} : vector<4x32x128xbf16> to vector<1x32x128xbf16>
    %squeeze3A_897 = vector.shape_cast %slice3A_896 : vector<1x32x128xbf16> to vector<32x128xbf16>
    %dot_general3A_898 = arith.constant dense<0.000000e+00> : vector<128x128xf32>
    %dot_general3A_899 = tpu.matmul %slice3A_895, %squeeze3A_897, %dot_general3A_898 {dimension_numbers = #tpu.dot_dimension_numbers<[0], [0], [1], [1], [0, 1, 1, 1], [], []>, transpose_lhs_hint = true} : vector<32x128xbf16>, vector<32x128xbf16>, vector<128x128xf32> -> vector<128x128xf32>
    %add3A_900 = arith.addf %add3A_894, %dot_general3A_899 : vector<128x128xf32>
    %swap3A_901 = arith.constant 4736 : index
    %swap3A_902 = arith.constant 0 : index
    %swap3A_903 = vector.load %arg4[%swap3A_901, %swap3A_902] : memref<6272x128xf32, #tpu.memory_space<vmem>>, vector<128x128xf32>
    tpu.vector_store %arg4[%swap3A_901, %swap3A_902], %add3A_900 {strides = array<i32>} : memref<6272x128xf32, #tpu.memory_space<vmem>>, vector<128x128xf32>,
    %slice3A_904 = vector.extract_strided_slice %get3A_3 {offsets = [0, 19456], sizes = [32, 512], strides = [1, 1]} : vector<32x25088xf32> to vector<32x512xf32>
    %convert_element_type3A_905 = arith.truncf %slice3A_904 : vector<32x512xf32> to vector<32x512xbf16>
    %slice3A_906 = vector.extract_strided_slice %convert_element_type3A_905 {offsets = [0, 0], sizes = [32, 128], strides = [1, 1]} : vector<32x512xbf16> to vector<32x128xbf16>
    %slice3A_907 = vector.extract_strided_slice %get3A_7 {offsets = [0, 0, 0], sizes = [1, 32, 128], strides = [1, 1, 1]} : vector<4x32x128xbf16> to vector<1x32x128xbf16>
    %squeeze3A_908 = vector.shape_cast %slice3A_907 : vector<1x32x128xbf16> to vector<32x128xbf16>
    %dot_general3A_909 = arith.constant dense<0.000000e+00> : vector<128x128xf32>
    %dot_general3A_910 = tpu.matmul %slice3A_906, %squeeze3A_908, %dot_general3A_909 {dimension_numbers = #tpu.dot_dimension_numbers<[0], [0], [1], [1], [0, 1, 1, 1], [], []>, transpose_lhs_hint = true} : vector<32x128xbf16>, vector<32x128xbf16>, vector<128x128xf32> -> vector<128x128xf32>
    %slice3A_911 = vector.extract_strided_slice %convert_element_type3A_905 {offsets = [0, 128], sizes = [32, 128], strides = [1, 1]} : vector<32x512xbf16> to vector<32x128xbf16>
    %slice3A_912 = vector.extract_strided_slice %get3A_7 {offsets = [1, 0, 0], sizes = [1, 32, 128], strides = [1, 1, 1]} : vector<4x32x128xbf16> to vector<1x32x128xbf16>
    %squeeze3A_913 = vector.shape_cast %slice3A_912 : vector<1x32x128xbf16> to vector<32x128xbf16>
    %dot_general3A_914 = arith.constant dense<0.000000e+00> : vector<128x128xf32>
    %dot_general3A_915 = tpu.matmul %slice3A_911, %squeeze3A_913, %dot_general3A_914 {dimension_numbers = #tpu.dot_dimension_numbers<[0], [0], [1], [1], [0, 1, 1, 1], [], []>, transpose_lhs_hint = true} : vector<32x128xbf16>, vector<32x128xbf16>, vector<128x128xf32> -> vector<128x128xf32>
    %add3A_916 = arith.addf %dot_general3A_910, %dot_general3A_915 : vector<128x128xf32>
    %slice3A_917 = vector.extract_strided_slice %convert_element_type3A_905 {offsets = [0, 256], sizes = [32, 128], strides = [1, 1]} : vector<32x512xbf16> to vector<32x128xbf16>
    %slice3A_918 = vector.extract_strided_slice %get3A_7 {offsets = [2, 0, 0], sizes = [1, 32, 128], strides = [1, 1, 1]} : vector<4x32x128xbf16> to vector<1x32x128xbf16>
    %squeeze3A_919 = vector.shape_cast %slice3A_918 : vector<1x32x128xbf16> to vector<32x128xbf16>
    %dot_general3A_920 = arith.constant dense<0.000000e+00> : vector<128x128xf32>
    %dot_general3A_921 = tpu.matmul %slice3A_917, %squeeze3A_919, %dot_general3A_920 {dimension_numbers = #tpu.dot_dimension_numbers<[0], [0], [1], [1], [0, 1, 1, 1], [], []>, transpose_lhs_hint = true} : vector<32x128xbf16>, vector<32x128xbf16>, vector<128x128xf32> -> vector<128x128xf32>
    %add3A_922 = arith.addf %add3A_916, %dot_general3A_921 : vector<128x128xf32>
    %slice3A_923 = vector.extract_strided_slice %convert_element_type3A_905 {offsets = [0, 384], sizes = [32, 128], strides = [1, 1]} : vector<32x512xbf16> to vector<32x128xbf16>
    %slice3A_924 = vector.extract_strided_slice %get3A_7 {offsets = [3, 0, 0], sizes = [1, 32, 128], strides = [1, 1, 1]} : vector<4x32x128xbf16> to vector<1x32x128xbf16>
    %squeeze3A_925 = vector.shape_cast %slice3A_924 : vector<1x32x128xbf16> to vector<32x128xbf16>
    %dot_general3A_926 = arith.constant dense<0.000000e+00> : vector<128x128xf32>
    %dot_general3A_927 = tpu.matmul %slice3A_923, %squeeze3A_925, %dot_general3A_926 {dimension_numbers = #tpu.dot_dimension_numbers<[0], [0], [1], [1], [0, 1, 1, 1], [], []>, transpose_lhs_hint = true} : vector<32x128xbf16>, vector<32x128xbf16>, vector<128x128xf32> -> vector<128x128xf32>
    %add3A_928 = arith.addf %add3A_922, %dot_general3A_927 : vector<128x128xf32>
    %swap3A_929 = arith.constant 4864 : index
    %swap3A_930 = arith.constant 0 : index
    %swap3A_931 = vector.load %arg4[%swap3A_929, %swap3A_930] : memref<6272x128xf32, #tpu.memory_space<vmem>>, vector<128x128xf32>
    tpu.vector_store %arg4[%swap3A_929, %swap3A_930], %add3A_928 {strides = array<i32>} : memref<6272x128xf32, #tpu.memory_space<vmem>>, vector<128x128xf32>,
    %slice3A_932 = vector.extract_strided_slice %get3A_3 {offsets = [0, 19968], sizes = [32, 512], strides = [1, 1]} : vector<32x25088xf32> to vector<32x512xf32>
    %convert_element_type3A_933 = arith.truncf %slice3A_932 : vector<32x512xf32> to vector<32x512xbf16>
    %slice3A_934 = vector.extract_strided_slice %convert_element_type3A_933 {offsets = [0, 0], sizes = [32, 128], strides = [1, 1]} : vector<32x512xbf16> to vector<32x128xbf16>
    %slice3A_935 = vector.extract_strided_slice %get3A_7 {offsets = [0, 0, 0], sizes = [1, 32, 128], strides = [1, 1, 1]} : vector<4x32x128xbf16> to vector<1x32x128xbf16>
    %squeeze3A_936 = vector.shape_cast %slice3A_935 : vector<1x32x128xbf16> to vector<32x128xbf16>
    %dot_general3A_937 = arith.constant dense<0.000000e+00> : vector<128x128xf32>
    %dot_general3A_938 = tpu.matmul %slice3A_934, %squeeze3A_936, %dot_general3A_937 {dimension_numbers = #tpu.dot_dimension_numbers<[0], [0], [1], [1], [0, 1, 1, 1], [], []>, transpose_lhs_hint = true} : vector<32x128xbf16>, vector<32x128xbf16>, vector<128x128xf32> -> vector<128x128xf32>
    %slice3A_939 = vector.extract_strided_slice %convert_element_type3A_933 {offsets = [0, 128], sizes = [32, 128], strides = [1, 1]} : vector<32x512xbf16> to vector<32x128xbf16>
    %slice3A_940 = vector.extract_strided_slice %get3A_7 {offsets = [1, 0, 0], sizes = [1, 32, 128], strides = [1, 1, 1]} : vector<4x32x128xbf16> to vector<1x32x128xbf16>
    %squeeze3A_941 = vector.shape_cast %slice3A_940 : vector<1x32x128xbf16> to vector<32x128xbf16>
    %dot_general3A_942 = arith.constant dense<0.000000e+00> : vector<128x128xf32>
    %dot_general3A_943 = tpu.matmul %slice3A_939, %squeeze3A_941, %dot_general3A_942 {dimension_numbers = #tpu.dot_dimension_numbers<[0], [0], [1], [1], [0, 1, 1, 1], [], []>, transpose_lhs_hint = true} : vector<32x128xbf16>, vector<32x128xbf16>, vector<128x128xf32> -> vector<128x128xf32>
    %add3A_944 = arith.addf %dot_general3A_938, %dot_general3A_943 : vector<128x128xf32>
    %slice3A_945 = vector.extract_strided_slice %convert_element_type3A_933 {offsets = [0, 256], sizes = [32, 128], strides = [1, 1]} : vector<32x512xbf16> to vector<32x128xbf16>
    %slice3A_946 = vector.extract_strided_slice %get3A_7 {offsets = [2, 0, 0], sizes = [1, 32, 128], strides = [1, 1, 1]} : vector<4x32x128xbf16> to vector<1x32x128xbf16>
    %squeeze3A_947 = vector.shape_cast %slice3A_946 : vector<1x32x128xbf16> to vector<32x128xbf16>
    %dot_general3A_948 = arith.constant dense<0.000000e+00> : vector<128x128xf32>
    %dot_general3A_949 = tpu.matmul %slice3A_945, %squeeze3A_947, %dot_general3A_948 {dimension_numbers = #tpu.dot_dimension_numbers<[0], [0], [1], [1], [0, 1, 1, 1], [], []>, transpose_lhs_hint = true} : vector<32x128xbf16>, vector<32x128xbf16>, vector<128x128xf32> -> vector<128x128xf32>
    %add3A_950 = arith.addf %add3A_944, %dot_general3A_949 : vector<128x128xf32>
    %slice3A_951 = vector.extract_strided_slice %convert_element_type3A_933 {offsets = [0, 384], sizes = [32, 128], strides = [1, 1]} : vector<32x512xbf16> to vector<32x128xbf16>
    %slice3A_952 = vector.extract_strided_slice %get3A_7 {offsets = [3, 0, 0], sizes = [1, 32, 128], strides = [1, 1, 1]} : vector<4x32x128xbf16> to vector<1x32x128xbf16>
    %squeeze3A_953 = vector.shape_cast %slice3A_952 : vector<1x32x128xbf16> to vector<32x128xbf16>
    %dot_general3A_954 = arith.constant dense<0.000000e+00> : vector<128x128xf32>
    %dot_general3A_955 = tpu.matmul %slice3A_951, %squeeze3A_953, %dot_general3A_954 {dimension_numbers = #tpu.dot_dimension_numbers<[0], [0], [1], [1], [0, 1, 1, 1], [], []>, transpose_lhs_hint = true} : vector<32x128xbf16>, vector<32x128xbf16>, vector<128x128xf32> -> vector<128x128xf32>
    %add3A_956 = arith.addf %add3A_950, %dot_general3A_955 : vector<128x128xf32>
    %swap3A_957 = arith.constant 4992 : index
    %swap3A_958 = arith.constant 0 : index
    %swap3A_959 = vector.load %arg4[%swap3A_957, %swap3A_958] : memref<6272x128xf32, #tpu.memory_space<vmem>>, vector<128x128xf32>
    tpu.vector_store %arg4[%swap3A_957, %swap3A_958], %add3A_956 {strides = array<i32>} : memref<6272x128xf32, #tpu.memory_space<vmem>>, vector<128x128xf32>,
    %slice3A_960 = vector.extract_strided_slice %get3A_3 {offsets = [0, 20480], sizes = [32, 128], strides = [1, 1]} : vector<32x25088xf32> to vector<32x128xf32>
    %transpose3A_961 = tpu.transpose %slice3A_960, [1, 0] : vector<32x128xf32> -> vector<128x32xf32>
    %slice3A_962 = vector.extract_strided_slice %get3A_3 {offsets = [0, 20608], sizes = [32, 128], strides = [1, 1]} : vector<32x25088xf32> to vector<32x128xf32>
    %transpose3A_963 = tpu.transpose %slice3A_962, [1, 0] : vector<32x128xf32> -> vector<128x32xf32>
    %slice3A_964 = vector.extract_strided_slice %get3A_3 {offsets = [0, 20736], sizes = [32, 128], strides = [1, 1]} : vector<32x25088xf32> to vector<32x128xf32>
    %transpose3A_965 = tpu.transpose %slice3A_964, [1, 0] : vector<32x128xf32> -> vector<128x32xf32>
    %slice3A_966 = vector.extract_strided_slice %get3A_3 {offsets = [0, 20864], sizes = [32, 128], strides = [1, 1]} : vector<32x25088xf32> to vector<32x128xf32>
    %transpose3A_967 = tpu.transpose %slice3A_966, [1, 0] : vector<32x128xf32> -> vector<128x32xf32>
    %concatenate3A_968 = tpu.concatenate %transpose3A_961, %transpose3A_963, %transpose3A_965, %transpose3A_967 in 1 : vector<128x32xf32>, vector<128x32xf32>, vector<128x32xf32>, vector<128x32xf32> -> vector<128x128xf32>
    %swap3A_969 = arith.constant 5120 : index
    %swap3A_970 = arith.constant 0 : index
    %swap3A_971 = vector.load %arg4[%swap3A_969, %swap3A_970] : memref<6272x128xf32, #tpu.memory_space<vmem>>, vector<128x128xf32>
    tpu.vector_store %arg4[%swap3A_969, %swap3A_970], %concatenate3A_968 {strides = array<i32>} : memref<6272x128xf32, #tpu.memory_space<vmem>>, vector<128x128xf32>,
    %slice3A_972 = vector.extract_strided_slice %get3A_3 {offsets = [0, 20992], sizes = [32, 512], strides = [1, 1]} : vector<32x25088xf32> to vector<32x512xf32>
    %convert_element_type3A_973 = arith.truncf %slice3A_972 : vector<32x512xf32> to vector<32x512xbf16>
    %slice3A_974 = vector.extract_strided_slice %convert_element_type3A_973 {offsets = [0, 0], sizes = [32, 128], strides = [1, 1]} : vector<32x512xbf16> to vector<32x128xbf16>
    %slice3A_975 = vector.extract_strided_slice %get3A_7 {offsets = [0, 0, 0], sizes = [1, 32, 128], strides = [1, 1, 1]} : vector<4x32x128xbf16> to vector<1x32x128xbf16>
    %squeeze3A_976 = vector.shape_cast %slice3A_975 : vector<1x32x128xbf16> to vector<32x128xbf16>
    %dot_general3A_977 = arith.constant dense<0.000000e+00> : vector<128x128xf32>
    %dot_general3A_978 = tpu.matmul %slice3A_974, %squeeze3A_976, %dot_general3A_977 {dimension_numbers = #tpu.dot_dimension_numbers<[0], [0], [1], [1], [0, 1, 1, 1], [], []>, transpose_lhs_hint = true} : vector<32x128xbf16>, vector<32x128xbf16>, vector<128x128xf32> -> vector<128x128xf32>
    %slice3A_979 = vector.extract_strided_slice %convert_element_type3A_973 {offsets = [0, 128], sizes = [32, 128], strides = [1, 1]} : vector<32x512xbf16> to vector<32x128xbf16>
    %slice3A_980 = vector.extract_strided_slice %get3A_7 {offsets = [1, 0, 0], sizes = [1, 32, 128], strides = [1, 1, 1]} : vector<4x32x128xbf16> to vector<1x32x128xbf16>
    %squeeze3A_981 = vector.shape_cast %slice3A_980 : vector<1x32x128xbf16> to vector<32x128xbf16>
    %dot_general3A_982 = arith.constant dense<0.000000e+00> : vector<128x128xf32>
    %dot_general3A_983 = tpu.matmul %slice3A_979, %squeeze3A_981, %dot_general3A_982 {dimension_numbers = #tpu.dot_dimension_numbers<[0], [0], [1], [1], [0, 1, 1, 1], [], []>, transpose_lhs_hint = true} : vector<32x128xbf16>, vector<32x128xbf16>, vector<128x128xf32> -> vector<128x128xf32>
    %add3A_984 = arith.addf %dot_general3A_978, %dot_general3A_983 : vector<128x128xf32>
    %slice3A_985 = vector.extract_strided_slice %convert_element_type3A_973 {offsets = [0, 256], sizes = [32, 128], strides = [1, 1]} : vector<32x512xbf16> to vector<32x128xbf16>
    %slice3A_986 = vector.extract_strided_slice %get3A_7 {offsets = [2, 0, 0], sizes = [1, 32, 128], strides = [1, 1, 1]} : vector<4x32x128xbf16> to vector<1x32x128xbf16>
    %squeeze3A_987 = vector.shape_cast %slice3A_986 : vector<1x32x128xbf16> to vector<32x128xbf16>
    %dot_general3A_988 = arith.constant dense<0.000000e+00> : vector<128x128xf32>
    %dot_general3A_989 = tpu.matmul %slice3A_985, %squeeze3A_987, %dot_general3A_988 {dimension_numbers = #tpu.dot_dimension_numbers<[0], [0], [1], [1], [0, 1, 1, 1], [], []>, transpose_lhs_hint = true} : vector<32x128xbf16>, vector<32x128xbf16>, vector<128x128xf32> -> vector<128x128xf32>
    %add3A_990 = arith.addf %add3A_984, %dot_general3A_989 : vector<128x128xf32>
    %slice3A_991 = vector.extract_strided_slice %convert_element_type3A_973 {offsets = [0, 384], sizes = [32, 128], strides = [1, 1]} : vector<32x512xbf16> to vector<32x128xbf16>
    %slice3A_992 = vector.extract_strided_slice %get3A_7 {offsets = [3, 0, 0], sizes = [1, 32, 128], strides = [1, 1, 1]} : vector<4x32x128xbf16> to vector<1x32x128xbf16>
    %squeeze3A_993 = vector.shape_cast %slice3A_992 : vector<1x32x128xbf16> to vector<32x128xbf16>
    %dot_general3A_994 = arith.constant dense<0.000000e+00> : vector<128x128xf32>
    %dot_general3A_995 = tpu.matmul %slice3A_991, %squeeze3A_993, %dot_general3A_994 {dimension_numbers = #tpu.dot_dimension_numbers<[0], [0], [1], [1], [0, 1, 1, 1], [], []>, transpose_lhs_hint = true} : vector<32x128xbf16>, vector<32x128xbf16>, vector<128x128xf32> -> vector<128x128xf32>
    %add3A_996 = arith.addf %add3A_990, %dot_general3A_995 : vector<128x128xf32>
    %swap3A_997 = arith.constant 5248 : index
    %swap3A_998 = arith.constant 0 : index
    %swap3A_999 = vector.load %arg4[%swap3A_997, %swap3A_998] : memref<6272x128xf32, #tpu.memory_space<vmem>>, vector<128x128xf32>
    tpu.vector_store %arg4[%swap3A_997, %swap3A_998], %add3A_996 {strides = array<i32>} : memref<6272x128xf32, #tpu.memory_space<vmem>>, vector<128x128xf32>,
    %slice3A_1000 = vector.extract_strided_slice %get3A_3 {offsets = [0, 21504], sizes = [32, 512], strides = [1, 1]} : vector<32x25088xf32> to vector<32x512xf32>
    %convert_element_type3A_1001 = arith.truncf %slice3A_1000 : vector<32x512xf32> to vector<32x512xbf16>
    %slice3A_1002 = vector.extract_strided_slice %convert_element_type3A_1001 {offsets = [0, 0], sizes = [32, 128], strides = [1, 1]} : vector<32x512xbf16> to vector<32x128xbf16>
    %slice3A_1003 = vector.extract_strided_slice %get3A_7 {offsets = [0, 0, 0], sizes = [1, 32, 128], strides = [1, 1, 1]} : vector<4x32x128xbf16> to vector<1x32x128xbf16>
    %squeeze3A_1004 = vector.shape_cast %slice3A_1003 : vector<1x32x128xbf16> to vector<32x128xbf16>
    %dot_general3A_1005 = arith.constant dense<0.000000e+00> : vector<128x128xf32>
    %dot_general3A_1006 = tpu.matmul %slice3A_1002, %squeeze3A_1004, %dot_general3A_1005 {dimension_numbers = #tpu.dot_dimension_numbers<[0], [0], [1], [1], [0, 1, 1, 1], [], []>, transpose_lhs_hint = true} : vector<32x128xbf16>, vector<32x128xbf16>, vector<128x128xf32> -> vector<128x128xf32>
    %slice3A_1007 = vector.extract_strided_slice %convert_element_type3A_1001 {offsets = [0, 128], sizes = [32, 128], strides = [1, 1]} : vector<32x512xbf16> to vector<32x128xbf16>
    %slice3A_1008 = vector.extract_strided_slice %get3A_7 {offsets = [1, 0, 0], sizes = [1, 32, 128], strides = [1, 1, 1]} : vector<4x32x128xbf16> to vector<1x32x128xbf16>
    %squeeze3A_1009 = vector.shape_cast %slice3A_1008 : vector<1x32x128xbf16> to vector<32x128xbf16>
    %dot_general3A_1010 = arith.constant dense<0.000000e+00> : vector<128x128xf32>
    %dot_general3A_1011 = tpu.matmul %slice3A_1007, %squeeze3A_1009, %dot_general3A_1010 {dimension_numbers = #tpu.dot_dimension_numbers<[0], [0], [1], [1], [0, 1, 1, 1], [], []>, transpose_lhs_hint = true} : vector<32x128xbf16>, vector<32x128xbf16>, vector<128x128xf32> -> vector<128x128xf32>
    %add3A_1012 = arith.addf %dot_general3A_1006, %dot_general3A_1011 : vector<128x128xf32>
    %slice3A_1013 = vector.extract_strided_slice %convert_element_type3A_1001 {offsets = [0, 256], sizes = [32, 128], strides = [1, 1]} : vector<32x512xbf16> to vector<32x128xbf16>
    %slice3A_1014 = vector.extract_strided_slice %get3A_7 {offsets = [2, 0, 0], sizes = [1, 32, 128], strides = [1, 1, 1]} : vector<4x32x128xbf16> to vector<1x32x128xbf16>
    %squeeze3A_1015 = vector.shape_cast %slice3A_1014 : vector<1x32x128xbf16> to vector<32x128xbf16>
    %dot_general3A_1016 = arith.constant dense<0.000000e+00> : vector<128x128xf32>
    %dot_general3A_1017 = tpu.matmul %slice3A_1013, %squeeze3A_1015, %dot_general3A_1016 {dimension_numbers = #tpu.dot_dimension_numbers<[0], [0], [1], [1], [0, 1, 1, 1], [], []>, transpose_lhs_hint = true} : vector<32x128xbf16>, vector<32x128xbf16>, vector<128x128xf32> -> vector<128x128xf32>
    %add3A_1018 = arith.addf %add3A_1012, %dot_general3A_1017 : vector<128x128xf32>
    %slice3A_1019 = vector.extract_strided_slice %convert_element_type3A_1001 {offsets = [0, 384], sizes = [32, 128], strides = [1, 1]} : vector<32x512xbf16> to vector<32x128xbf16>
    %slice3A_1020 = vector.extract_strided_slice %get3A_7 {offsets = [3, 0, 0], sizes = [1, 32, 128], strides = [1, 1, 1]} : vector<4x32x128xbf16> to vector<1x32x128xbf16>
    %squeeze3A_1021 = vector.shape_cast %slice3A_1020 : vector<1x32x128xbf16> to vector<32x128xbf16>
    %dot_general3A_1022 = arith.constant dense<0.000000e+00> : vector<128x128xf32>
    %dot_general3A_1023 = tpu.matmul %slice3A_1019, %squeeze3A_1021, %dot_general3A_1022 {dimension_numbers = #tpu.dot_dimension_numbers<[0], [0], [1], [1], [0, 1, 1, 1], [], []>, transpose_lhs_hint = true} : vector<32x128xbf16>, vector<32x128xbf16>, vector<128x128xf32> -> vector<128x128xf32>
    %add3A_1024 = arith.addf %add3A_1018, %dot_general3A_1023 : vector<128x128xf32>
    %swap3A_1025 = arith.constant 5376 : index
    %swap3A_1026 = arith.constant 0 : index
    %swap3A_1027 = vector.load %arg4[%swap3A_1025, %swap3A_1026] : memref<6272x128xf32, #tpu.memory_space<vmem>>, vector<128x128xf32>
    tpu.vector_store %arg4[%swap3A_1025, %swap3A_1026], %add3A_1024 {strides = array<i32>} : memref<6272x128xf32, #tpu.memory_space<vmem>>, vector<128x128xf32>,
    %slice3A_1028 = vector.extract_strided_slice %get3A_3 {offsets = [0, 22016], sizes = [32, 512], strides = [1, 1]} : vector<32x25088xf32> to vector<32x512xf32>
    %convert_element_type3A_1029 = arith.truncf %slice3A_1028 : vector<32x512xf32> to vector<32x512xbf16>
    %slice3A_1030 = vector.extract_strided_slice %convert_element_type3A_1029 {offsets = [0, 0], sizes = [32, 128], strides = [1, 1]} : vector<32x512xbf16> to vector<32x128xbf16>
    %slice3A_1031 = vector.extract_strided_slice %get3A_7 {offsets = [0, 0, 0], sizes = [1, 32, 128], strides = [1, 1, 1]} : vector<4x32x128xbf16> to vector<1x32x128xbf16>
    %squeeze3A_1032 = vector.shape_cast %slice3A_1031 : vector<1x32x128xbf16> to vector<32x128xbf16>
    %dot_general3A_1033 = arith.constant dense<0.000000e+00> : vector<128x128xf32>
    %dot_general3A_1034 = tpu.matmul %slice3A_1030, %squeeze3A_1032, %dot_general3A_1033 {dimension_numbers = #tpu.dot_dimension_numbers<[0], [0], [1], [1], [0, 1, 1, 1], [], []>, transpose_lhs_hint = true} : vector<32x128xbf16>, vector<32x128xbf16>, vector<128x128xf32> -> vector<128x128xf32>
    %slice3A_1035 = vector.extract_strided_slice %convert_element_type3A_1029 {offsets = [0, 128], sizes = [32, 128], strides = [1, 1]} : vector<32x512xbf16> to vector<32x128xbf16>
    %slice3A_1036 = vector.extract_strided_slice %get3A_7 {offsets = [1, 0, 0], sizes = [1, 32, 128], strides = [1, 1, 1]} : vector<4x32x128xbf16> to vector<1x32x128xbf16>
    %squeeze3A_1037 = vector.shape_cast %slice3A_1036 : vector<1x32x128xbf16> to vector<32x128xbf16>
    %dot_general3A_1038 = arith.constant dense<0.000000e+00> : vector<128x128xf32>
    %dot_general3A_1039 = tpu.matmul %slice3A_1035, %squeeze3A_1037, %dot_general3A_1038 {dimension_numbers = #tpu.dot_dimension_numbers<[0], [0], [1], [1], [0, 1, 1, 1], [], []>, transpose_lhs_hint = true} : vector<32x128xbf16>, vector<32x128xbf16>, vector<128x128xf32> -> vector<128x128xf32>
    %add3A_1040 = arith.addf %dot_general3A_1034, %dot_general3A_1039 : vector<128x128xf32>
    %slice3A_1041 = vector.extract_strided_slice %convert_element_type3A_1029 {offsets = [0, 256], sizes = [32, 128], strides = [1, 1]} : vector<32x512xbf16> to vector<32x128xbf16>
    %slice3A_1042 = vector.extract_strided_slice %get3A_7 {offsets = [2, 0, 0], sizes = [1, 32, 128], strides = [1, 1, 1]} : vector<4x32x128xbf16> to vector<1x32x128xbf16>
    %squeeze3A_1043 = vector.shape_cast %slice3A_1042 : vector<1x32x128xbf16> to vector<32x128xbf16>
    %dot_general3A_1044 = arith.constant dense<0.000000e+00> : vector<128x128xf32>
    %dot_general3A_1045 = tpu.matmul %slice3A_1041, %squeeze3A_1043, %dot_general3A_1044 {dimension_numbers = #tpu.dot_dimension_numbers<[0], [0], [1], [1], [0, 1, 1, 1], [], []>, transpose_lhs_hint = true} : vector<32x128xbf16>, vector<32x128xbf16>, vector<128x128xf32> -> vector<128x128xf32>
    %add3A_1046 = arith.addf %add3A_1040, %dot_general3A_1045 : vector<128x128xf32>
    %slice3A_1047 = vector.extract_strided_slice %convert_element_type3A_1029 {offsets = [0, 384], sizes = [32, 128], strides = [1, 1]} : vector<32x512xbf16> to vector<32x128xbf16>
    %slice3A_1048 = vector.extract_strided_slice %get3A_7 {offsets = [3, 0, 0], sizes = [1, 32, 128], strides = [1, 1, 1]} : vector<4x32x128xbf16> to vector<1x32x128xbf16>
    %squeeze3A_1049 = vector.shape_cast %slice3A_1048 : vector<1x32x128xbf16> to vector<32x128xbf16>
    %dot_general3A_1050 = arith.constant dense<0.000000e+00> : vector<128x128xf32>
    %dot_general3A_1051 = tpu.matmul %slice3A_1047, %squeeze3A_1049, %dot_general3A_1050 {dimension_numbers = #tpu.dot_dimension_numbers<[0], [0], [1], [1], [0, 1, 1, 1], [], []>, transpose_lhs_hint = true} : vector<32x128xbf16>, vector<32x128xbf16>, vector<128x128xf32> -> vector<128x128xf32>
    %add3A_1052 = arith.addf %add3A_1046, %dot_general3A_1051 : vector<128x128xf32>
    %swap3A_1053 = arith.constant 5504 : index
    %swap3A_1054 = arith.constant 0 : index
    %swap3A_1055 = vector.load %arg4[%swap3A_1053, %swap3A_1054] : memref<6272x128xf32, #tpu.memory_space<vmem>>, vector<128x128xf32>
    tpu.vector_store %arg4[%swap3A_1053, %swap3A_1054], %add3A_1052 {strides = array<i32>} : memref<6272x128xf32, #tpu.memory_space<vmem>>, vector<128x128xf32>,
    %slice3A_1056 = vector.extract_strided_slice %get3A_3 {offsets = [0, 22528], sizes = [32, 128], strides = [1, 1]} : vector<32x25088xf32> to vector<32x128xf32>
    %transpose3A_1057 = tpu.transpose %slice3A_1056, [1, 0] : vector<32x128xf32> -> vector<128x32xf32>
    %slice3A_1058 = vector.extract_strided_slice %get3A_3 {offsets = [0, 22656], sizes = [32, 128], strides = [1, 1]} : vector<32x25088xf32> to vector<32x128xf32>
    %transpose3A_1059 = tpu.transpose %slice3A_1058, [1, 0] : vector<32x128xf32> -> vector<128x32xf32>
    %slice3A_1060 = vector.extract_strided_slice %get3A_3 {offsets = [0, 22784], sizes = [32, 128], strides = [1, 1]} : vector<32x25088xf32> to vector<32x128xf32>
    %transpose3A_1061 = tpu.transpose %slice3A_1060, [1, 0] : vector<32x128xf32> -> vector<128x32xf32>
    %slice3A_1062 = vector.extract_strided_slice %get3A_3 {offsets = [0, 22912], sizes = [32, 128], strides = [1, 1]} : vector<32x25088xf32> to vector<32x128xf32>
    %transpose3A_1063 = tpu.transpose %slice3A_1062, [1, 0] : vector<32x128xf32> -> vector<128x32xf32>
    %concatenate3A_1064 = tpu.concatenate %transpose3A_1057, %transpose3A_1059, %transpose3A_1061, %transpose3A_1063 in 1 : vector<128x32xf32>, vector<128x32xf32>, vector<128x32xf32>, vector<128x32xf32> -> vector<128x128xf32>
    %swap3A_1065 = arith.constant 5632 : index
    %swap3A_1066 = arith.constant 0 : index
    %swap3A_1067 = vector.load %arg4[%swap3A_1065, %swap3A_1066] : memref<6272x128xf32, #tpu.memory_space<vmem>>, vector<128x128xf32>
    tpu.vector_store %arg4[%swap3A_1065, %swap3A_1066], %concatenate3A_1064 {strides = array<i32>} : memref<6272x128xf32, #tpu.memory_space<vmem>>, vector<128x128xf32>,
    %slice3A_1068 = vector.extract_strided_slice %get3A_3 {offsets = [0, 23040], sizes = [32, 512], strides = [1, 1]} : vector<32x25088xf32> to vector<32x512xf32>
    %convert_element_type3A_1069 = arith.truncf %slice3A_1068 : vector<32x512xf32> to vector<32x512xbf16>
    %slice3A_1070 = vector.extract_strided_slice %convert_element_type3A_1069 {offsets = [0, 0], sizes = [32, 128], strides = [1, 1]} : vector<32x512xbf16> to vector<32x128xbf16>
    %slice3A_1071 = vector.extract_strided_slice %get3A_7 {offsets = [0, 0, 0], sizes = [1, 32, 128], strides = [1, 1, 1]} : vector<4x32x128xbf16> to vector<1x32x128xbf16>
    %squeeze3A_1072 = vector.shape_cast %slice3A_1071 : vector<1x32x128xbf16> to vector<32x128xbf16>
    %dot_general3A_1073 = arith.constant dense<0.000000e+00> : vector<128x128xf32>
    %dot_general3A_1074 = tpu.matmul %slice3A_1070, %squeeze3A_1072, %dot_general3A_1073 {dimension_numbers = #tpu.dot_dimension_numbers<[0], [0], [1], [1], [0, 1, 1, 1], [], []>, transpose_lhs_hint = true} : vector<32x128xbf16>, vector<32x128xbf16>, vector<128x128xf32> -> vector<128x128xf32>
    %slice3A_1075 = vector.extract_strided_slice %convert_element_type3A_1069 {offsets = [0, 128], sizes = [32, 128], strides = [1, 1]} : vector<32x512xbf16> to vector<32x128xbf16>
    %slice3A_1076 = vector.extract_strided_slice %get3A_7 {offsets = [1, 0, 0], sizes = [1, 32, 128], strides = [1, 1, 1]} : vector<4x32x128xbf16> to vector<1x32x128xbf16>
    %squeeze3A_1077 = vector.shape_cast %slice3A_1076 : vector<1x32x128xbf16> to vector<32x128xbf16>
    %dot_general3A_1078 = arith.constant dense<0.000000e+00> : vector<128x128xf32>
    %dot_general3A_1079 = tpu.matmul %slice3A_1075, %squeeze3A_1077, %dot_general3A_1078 {dimension_numbers = #tpu.dot_dimension_numbers<[0], [0], [1], [1], [0, 1, 1, 1], [], []>, transpose_lhs_hint = true} : vector<32x128xbf16>, vector<32x128xbf16>, vector<128x128xf32> -> vector<128x128xf32>
    %add3A_1080 = arith.addf %dot_general3A_1074, %dot_general3A_1079 : vector<128x128xf32>
    %slice3A_1081 = vector.extract_strided_slice %convert_element_type3A_1069 {offsets = [0, 256], sizes = [32, 128], strides = [1, 1]} : vector<32x512xbf16> to vector<32x128xbf16>
    %slice3A_1082 = vector.extract_strided_slice %get3A_7 {offsets = [2, 0, 0], sizes = [1, 32, 128], strides = [1, 1, 1]} : vector<4x32x128xbf16> to vector<1x32x128xbf16>
    %squeeze3A_1083 = vector.shape_cast %slice3A_1082 : vector<1x32x128xbf16> to vector<32x128xbf16>
    %dot_general3A_1084 = arith.constant dense<0.000000e+00> : vector<128x128xf32>
    %dot_general3A_1085 = tpu.matmul %slice3A_1081, %squeeze3A_1083, %dot_general3A_1084 {dimension_numbers = #tpu.dot_dimension_numbers<[0], [0], [1], [1], [0, 1, 1, 1], [], []>, transpose_lhs_hint = true} : vector<32x128xbf16>, vector<32x128xbf16>, vector<128x128xf32> -> vector<128x128xf32>
    %add3A_1086 = arith.addf %add3A_1080, %dot_general3A_1085 : vector<128x128xf32>
    %slice3A_1087 = vector.extract_strided_slice %convert_element_type3A_1069 {offsets = [0, 384], sizes = [32, 128], strides = [1, 1]} : vector<32x512xbf16> to vector<32x128xbf16>
    %slice3A_1088 = vector.extract_strided_slice %get3A_7 {offsets = [3, 0, 0], sizes = [1, 32, 128], strides = [1, 1, 1]} : vector<4x32x128xbf16> to vector<1x32x128xbf16>
    %squeeze3A_1089 = vector.shape_cast %slice3A_1088 : vector<1x32x128xbf16> to vector<32x128xbf16>
    %dot_general3A_1090 = arith.constant dense<0.000000e+00> : vector<128x128xf32>
    %dot_general3A_1091 = tpu.matmul %slice3A_1087, %squeeze3A_1089, %dot_general3A_1090 {dimension_numbers = #tpu.dot_dimension_numbers<[0], [0], [1], [1], [0, 1, 1, 1], [], []>, transpose_lhs_hint = true} : vector<32x128xbf16>, vector<32x128xbf16>, vector<128x128xf32> -> vector<128x128xf32>
    %add3A_1092 = arith.addf %add3A_1086, %dot_general3A_1091 : vector<128x128xf32>
    %swap3A_1093 = arith.constant 5760 : index
    %swap3A_1094 = arith.constant 0 : index
    %swap3A_1095 = vector.load %arg4[%swap3A_1093, %swap3A_1094] : memref<6272x128xf32, #tpu.memory_space<vmem>>, vector<128x128xf32>
    tpu.vector_store %arg4[%swap3A_1093, %swap3A_1094], %add3A_1092 {strides = array<i32>} : memref<6272x128xf32, #tpu.memory_space<vmem>>, vector<128x128xf32>,
    %slice3A_1096 = vector.extract_strided_slice %get3A_3 {offsets = [0, 23552], sizes = [32, 512], strides = [1, 1]} : vector<32x25088xf32> to vector<32x512xf32>
    %convert_element_type3A_1097 = arith.truncf %slice3A_1096 : vector<32x512xf32> to vector<32x512xbf16>
    %slice3A_1098 = vector.extract_strided_slice %convert_element_type3A_1097 {offsets = [0, 0], sizes = [32, 128], strides = [1, 1]} : vector<32x512xbf16> to vector<32x128xbf16>
    %slice3A_1099 = vector.extract_strided_slice %get3A_7 {offsets = [0, 0, 0], sizes = [1, 32, 128], strides = [1, 1, 1]} : vector<4x32x128xbf16> to vector<1x32x128xbf16>
    %squeeze3A_1100 = vector.shape_cast %slice3A_1099 : vector<1x32x128xbf16> to vector<32x128xbf16>
    %dot_general3A_1101 = arith.constant dense<0.000000e+00> : vector<128x128xf32>
    %dot_general3A_1102 = tpu.matmul %slice3A_1098, %squeeze3A_1100, %dot_general3A_1101 {dimension_numbers = #tpu.dot_dimension_numbers<[0], [0], [1], [1], [0, 1, 1, 1], [], []>, transpose_lhs_hint = true} : vector<32x128xbf16>, vector<32x128xbf16>, vector<128x128xf32> -> vector<128x128xf32>
    %slice3A_1103 = vector.extract_strided_slice %convert_element_type3A_1097 {offsets = [0, 128], sizes = [32, 128], strides = [1, 1]} : vector<32x512xbf16> to vector<32x128xbf16>
    %slice3A_1104 = vector.extract_strided_slice %get3A_7 {offsets = [1, 0, 0], sizes = [1, 32, 128], strides = [1, 1, 1]} : vector<4x32x128xbf16> to vector<1x32x128xbf16>
    %squeeze3A_1105 = vector.shape_cast %slice3A_1104 : vector<1x32x128xbf16> to vector<32x128xbf16>
    %dot_general3A_1106 = arith.constant dense<0.000000e+00> : vector<128x128xf32>
    %dot_general3A_1107 = tpu.matmul %slice3A_1103, %squeeze3A_1105, %dot_general3A_1106 {dimension_numbers = #tpu.dot_dimension_numbers<[0], [0], [1], [1], [0, 1, 1, 1], [], []>, transpose_lhs_hint = true} : vector<32x128xbf16>, vector<32x128xbf16>, vector<128x128xf32> -> vector<128x128xf32>
    %add3A_1108 = arith.addf %dot_general3A_1102, %dot_general3A_1107 : vector<128x128xf32>
    %slice3A_1109 = vector.extract_strided_slice %convert_element_type3A_1097 {offsets = [0, 256], sizes = [32, 128], strides = [1, 1]} : vector<32x512xbf16> to vector<32x128xbf16>
    %slice3A_1110 = vector.extract_strided_slice %get3A_7 {offsets = [2, 0, 0], sizes = [1, 32, 128], strides = [1, 1, 1]} : vector<4x32x128xbf16> to vector<1x32x128xbf16>
    %squeeze3A_1111 = vector.shape_cast %slice3A_1110 : vector<1x32x128xbf16> to vector<32x128xbf16>
    %dot_general3A_1112 = arith.constant dense<0.000000e+00> : vector<128x128xf32>
    %dot_general3A_1113 = tpu.matmul %slice3A_1109, %squeeze3A_1111, %dot_general3A_1112 {dimension_numbers = #tpu.dot_dimension_numbers<[0], [0], [1], [1], [0, 1, 1, 1], [], []>, transpose_lhs_hint = true} : vector<32x128xbf16>, vector<32x128xbf16>, vector<128x128xf32> -> vector<128x128xf32>
    %add3A_1114 = arith.addf %add3A_1108, %dot_general3A_1113 : vector<128x128xf32>
    %slice3A_1115 = vector.extract_strided_slice %convert_element_type3A_1097 {offsets = [0, 384], sizes = [32, 128], strides = [1, 1]} : vector<32x512xbf16> to vector<32x128xbf16>
    %slice3A_1116 = vector.extract_strided_slice %get3A_7 {offsets = [3, 0, 0], sizes = [1, 32, 128], strides = [1, 1, 1]} : vector<4x32x128xbf16> to vector<1x32x128xbf16>
    %squeeze3A_1117 = vector.shape_cast %slice3A_1116 : vector<1x32x128xbf16> to vector<32x128xbf16>
    %dot_general3A_1118 = arith.constant dense<0.000000e+00> : vector<128x128xf32>
    %dot_general3A_1119 = tpu.matmul %slice3A_1115, %squeeze3A_1117, %dot_general3A_1118 {dimension_numbers = #tpu.dot_dimension_numbers<[0], [0], [1], [1], [0, 1, 1, 1], [], []>, transpose_lhs_hint = true} : vector<32x128xbf16>, vector<32x128xbf16>, vector<128x128xf32> -> vector<128x128xf32>
    %add3A_1120 = arith.addf %add3A_1114, %dot_general3A_1119 : vector<128x128xf32>
    %swap3A_1121 = arith.constant 5888 : index
    %swap3A_1122 = arith.constant 0 : index
    %swap3A_1123 = vector.load %arg4[%swap3A_1121, %swap3A_1122] : memref<6272x128xf32, #tpu.memory_space<vmem>>, vector<128x128xf32>
    tpu.vector_store %arg4[%swap3A_1121, %swap3A_1122], %add3A_1120 {strides = array<i32>} : memref<6272x128xf32, #tpu.memory_space<vmem>>, vector<128x128xf32>,
    %slice3A_1124 = vector.extract_strided_slice %get3A_3 {offsets = [0, 24064], sizes = [32, 512], strides = [1, 1]} : vector<32x25088xf32> to vector<32x512xf32>
    %convert_element_type3A_1125 = arith.truncf %slice3A_1124 : vector<32x512xf32> to vector<32x512xbf16>
    %slice3A_1126 = vector.extract_strided_slice %convert_element_type3A_1125 {offsets = [0, 0], sizes = [32, 128], strides = [1, 1]} : vector<32x512xbf16> to vector<32x128xbf16>
    %slice3A_1127 = vector.extract_strided_slice %get3A_7 {offsets = [0, 0, 0], sizes = [1, 32, 128], strides = [1, 1, 1]} : vector<4x32x128xbf16> to vector<1x32x128xbf16>
    %squeeze3A_1128 = vector.shape_cast %slice3A_1127 : vector<1x32x128xbf16> to vector<32x128xbf16>
    %dot_general3A_1129 = arith.constant dense<0.000000e+00> : vector<128x128xf32>
    %dot_general3A_1130 = tpu.matmul %slice3A_1126, %squeeze3A_1128, %dot_general3A_1129 {dimension_numbers = #tpu.dot_dimension_numbers<[0], [0], [1], [1], [0, 1, 1, 1], [], []>, transpose_lhs_hint = true} : vector<32x128xbf16>, vector<32x128xbf16>, vector<128x128xf32> -> vector<128x128xf32>
    %slice3A_1131 = vector.extract_strided_slice %convert_element_type3A_1125 {offsets = [0, 128], sizes = [32, 128], strides = [1, 1]} : vector<32x512xbf16> to vector<32x128xbf16>
    %slice3A_1132 = vector.extract_strided_slice %get3A_7 {offsets = [1, 0, 0], sizes = [1, 32, 128], strides = [1, 1, 1]} : vector<4x32x128xbf16> to vector<1x32x128xbf16>
    %squeeze3A_1133 = vector.shape_cast %slice3A_1132 : vector<1x32x128xbf16> to vector<32x128xbf16>
    %dot_general3A_1134 = arith.constant dense<0.000000e+00> : vector<128x128xf32>
    %dot_general3A_1135 = tpu.matmul %slice3A_1131, %squeeze3A_1133, %dot_general3A_1134 {dimension_numbers = #tpu.dot_dimension_numbers<[0], [0], [1], [1], [0, 1, 1, 1], [], []>, transpose_lhs_hint = true} : vector<32x128xbf16>, vector<32x128xbf16>, vector<128x128xf32> -> vector<128x128xf32>
    %add3A_1136 = arith.addf %dot_general3A_1130, %dot_general3A_1135 : vector<128x128xf32>
    %slice3A_1137 = vector.extract_strided_slice %convert_element_type3A_1125 {offsets = [0, 256], sizes = [32, 128], strides = [1, 1]} : vector<32x512xbf16> to vector<32x128xbf16>
    %slice3A_1138 = vector.extract_strided_slice %get3A_7 {offsets = [2, 0, 0], sizes = [1, 32, 128], strides = [1, 1, 1]} : vector<4x32x128xbf16> to vector<1x32x128xbf16>
    %squeeze3A_1139 = vector.shape_cast %slice3A_1138 : vector<1x32x128xbf16> to vector<32x128xbf16>
    %dot_general3A_1140 = arith.constant dense<0.000000e+00> : vector<128x128xf32>
    %dot_general3A_1141 = tpu.matmul %slice3A_1137, %squeeze3A_1139, %dot_general3A_1140 {dimension_numbers = #tpu.dot_dimension_numbers<[0], [0], [1], [1], [0, 1, 1, 1], [], []>, transpose_lhs_hint = true} : vector<32x128xbf16>, vector<32x128xbf16>, vector<128x128xf32> -> vector<128x128xf32>
    %add3A_1142 = arith.addf %add3A_1136, %dot_general3A_1141 : vector<128x128xf32>
    %slice3A_1143 = vector.extract_strided_slice %convert_element_type3A_1125 {offsets = [0, 384], sizes = [32, 128], strides = [1, 1]} : vector<32x512xbf16> to vector<32x128xbf16>
    %slice3A_1144 = vector.extract_strided_slice %get3A_7 {offsets = [3, 0, 0], sizes = [1, 32, 128], strides = [1, 1, 1]} : vector<4x32x128xbf16> to vector<1x32x128xbf16>
    %squeeze3A_1145 = vector.shape_cast %slice3A_1144 : vector<1x32x128xbf16> to vector<32x128xbf16>
    %dot_general3A_1146 = arith.constant dense<0.000000e+00> : vector<128x128xf32>
    %dot_general3A_1147 = tpu.matmul %slice3A_1143, %squeeze3A_1145, %dot_general3A_1146 {dimension_numbers = #tpu.dot_dimension_numbers<[0], [0], [1], [1], [0, 1, 1, 1], [], []>, transpose_lhs_hint = true} : vector<32x128xbf16>, vector<32x128xbf16>, vector<128x128xf32> -> vector<128x128xf32>
    %add3A_1148 = arith.addf %add3A_1142, %dot_general3A_1147 : vector<128x128xf32>
    %swap3A_1149 = arith.constant 6016 : index
    %swap3A_1150 = arith.constant 0 : index
    %swap3A_1151 = vector.load %arg4[%swap3A_1149, %swap3A_1150] : memref<6272x128xf32, #tpu.memory_space<vmem>>, vector<128x128xf32>
    tpu.vector_store %arg4[%swap3A_1149, %swap3A_1150], %add3A_1148 {strides = array<i32>} : memref<6272x128xf32, #tpu.memory_space<vmem>>, vector<128x128xf32>,
    %slice3A_1152 = vector.extract_strided_slice %get3A_3 {offsets = [0, 24576], sizes = [32, 128], strides = [1, 1]} : vector<32x25088xf32> to vector<32x128xf32>
    %transpose3A_1153 = tpu.transpose %slice3A_1152, [1, 0] : vector<32x128xf32> -> vector<128x32xf32>
    %slice3A_1154 = vector.extract_strided_slice %get3A_3 {offsets = [0, 24704], sizes = [32, 128], strides = [1, 1]} : vector<32x25088xf32> to vector<32x128xf32>
    %transpose3A_1155 = tpu.transpose %slice3A_1154, [1, 0] : vector<32x128xf32> -> vector<128x32xf32>
    %slice3A_1156 = vector.extract_strided_slice %get3A_3 {offsets = [0, 24832], sizes = [32, 128], strides = [1, 1]} : vector<32x25088xf32> to vector<32x128xf32>
    %transpose3A_1157 = tpu.transpose %slice3A_1156, [1, 0] : vector<32x128xf32> -> vector<128x32xf32>
    %slice3A_1158 = vector.extract_strided_slice %get3A_3 {offsets = [0, 24960], sizes = [32, 128], strides = [1, 1]} : vector<32x25088xf32> to vector<32x128xf32>
    %transpose3A_1159 = tpu.transpose %slice3A_1158, [1, 0] : vector<32x128xf32> -> vector<128x32xf32>
    %concatenate3A_1160 = tpu.concatenate %transpose3A_1153, %transpose3A_1155, %transpose3A_1157, %transpose3A_1159 in 1 : vector<128x32xf32>, vector<128x32xf32>, vector<128x32xf32>, vector<128x32xf32> -> vector<128x128xf32>
    %swap3A_1161 = arith.constant 6144 : index
    %swap3A_1162 = arith.constant 0 : index
    %swap3A_1163 = vector.load %arg4[%swap3A_1161, %swap3A_1162] : memref<6272x128xf32, #tpu.memory_space<vmem>>, vector<128x128xf32>
    tpu.vector_store %arg4[%swap3A_1161, %swap3A_1162], %concatenate3A_1160 {strides = array<i32>} : memref<6272x128xf32, #tpu.memory_space<vmem>>, vector<128x128xf32>,
    return
  }
  func.func @transform_0(%arg0: i32, %arg1: i32) -> (i32, i32, i32) {
    %c0_i32 = arith.constant 0 : i32
    %c0_i32_0 = arith.constant 0 : i32
    return %arg0, %c0_i32, %arg1 : i32, i32, i32
  }
  func.func @transform_1(%arg0: i32, %arg1: i32) -> (i32, i32, i32) {
    %c0_i32 = arith.constant 0 : i32
    %c0_i32_0 = arith.constant 0 : i32
    %c0_i32_1 = arith.constant 0 : i32
    %c0_i32_2 = arith.constant 0 : i32
    return %c0_i32, %c0_i32_0, %c0_i32_1 : i32, i32, i32
  }
  func.func @transform_2(%arg0: i32, %arg1: i32) -> (i32, i32) {
    %mul3A = arith.constant 4 : i32
    %mul3A_0 = arith.muli %arg0, %mul3A : i32
    %add3A = arith.addi %mul3A_0, %arg1 : i32
    %c0_i32 = arith.constant 0 : i32
    %c0_i32_1 = arith.constant 0 : i32
    return %add3A, %c0_i32 : i32, i32
  }
}

module attributes {stable_mosaic.version = 14 : i64} {
  func.func @_mlp1_body(%arg0: i32, %arg1: memref<1024x13xf32, #tpu.memory_space<vmem>>, %arg2: memref<128x7x8x128xf32, #tpu.memory_space<vmem>>, %arg3: memref<13x128xf32, #tpu.memory_space<vmem>>, %arg4: memref<7x128x128xf32, #tpu.memory_space<vmem>>, %arg5: memref<1x128xf32, #tpu.memory_space<vmem>>, %arg6: memref<1024x128xf32, #tpu.memory_space<vmem>>, %arg7: memref<2x128xf32, #tpu.memory_space<vmem>>) attributes {dimension_semantics = [#tpu.dimension_semantics<arbitrary>], iteration_bounds = array<i64: 16>, scalar_prefetch = 0 : i64, scratch_operands = 0 : i64, tpu.core_type = #tpu.core_type<tc>, window_params = [{transform_indices = @transform_0, window_bounds = array<i64: 1024, 13>}, {transform_indices = @transform_1, window_bounds = array<i64: 128, 7, 8, 128>}, {pipeline_mode = #tpu.pipeline_mode<synchronous>, transform_indices = @transform_2, window_bounds = array<i64: 13, 128>}, {pipeline_mode = #tpu.pipeline_mode<synchronous>, transform_indices = @transform_3, window_bounds = array<i64: 7, 128, 128>}, {pipeline_mode = #tpu.pipeline_mode<synchronous>, transform_indices = @transform_4, window_bounds = array<i64: 1, 128>}, {transform_indices = @transform_5, window_bounds = array<i64: 1024, 128>}, {pipeline_mode = #tpu.pipeline_mode<synchronous>, transform_indices = @transform_6, window_bounds = array<i64: 2, 128>}]} {
    %get3A = arith.constant 0 : index
    %get3A_0 = arith.constant 0 : index
    %get3A_1 = vector.load %arg1[%get3A, %get3A_0] : memref<1024x13xf32, #tpu.memory_space<vmem>>, vector<1024x13xf32>
    %get3A_2 = arith.constant 0 : index
    %get3A_3 = arith.constant 0 : index
    %get3A_4 = vector.load %arg3[%get3A_2, %get3A_3] : memref<13x128xf32, #tpu.memory_space<vmem>>, vector<13x128xf32>
    %dot_general3A = arith.constant dense<0.000000e+00> : vector<1024x128xf32>
    %dot_general3A_5 = tpu.matmul %get3A_1, %get3A_4, %dot_general3A {dimension_numbers = #tpu.dot_dimension_numbers<[1], [0], [0], [1], [0, 0, 1, 1], [], []>, transpose_lhs_hint = false} : vector<1024x13xf32>, vector<13x128xf32>, vector<1024x128xf32> -> vector<1024x128xf32>
    %get3A_6 = arith.constant 0 : index
    %get3A_7 = arith.constant 0 : index
    %get3A_8 = arith.constant 0 : index
    %get3A_9 = arith.constant 0 : index
    %get3A_10 = vector.load %arg2[%get3A_6, %get3A_7, %get3A_8, %get3A_9] : memref<128x7x8x128xf32, #tpu.memory_space<vmem>>, vector<128x1x8x128xf32>
    %get3A_11 = vector.shape_cast %get3A_10 : vector<128x1x8x128xf32> to vector<128x8x128xf32>
    %reshape3A = vector.shape_cast %get3A_11 : vector<128x8x128xf32> to vector<1024x128xf32>
    %get3A_12 = arith.constant 0 : index
    %get3A_13 = arith.constant 0 : index
    %get3A_14 = arith.constant 0 : index
    %get3A_15 = vector.load %arg4[%get3A_12, %get3A_13, %get3A_14] : memref<7x128x128xf32, #tpu.memory_space<vmem>>, vector<1x128x128xf32>
    %get3A_16 = vector.shape_cast %get3A_15 : vector<1x128x128xf32> to vector<128x128xf32>
    %dot_general3A_17 = arith.constant dense<0.000000e+00> : vector<1024x128xf32>
    %dot_general3A_18 = tpu.matmul %reshape3A, %get3A_16, %dot_general3A_17 {dimension_numbers = #tpu.dot_dimension_numbers<[1], [0], [0], [1], [0, 0, 1, 1], [], []>, transpose_lhs_hint = false} : vector<1024x128xf32>, vector<128x128xf32>, vector<1024x128xf32> -> vector<1024x128xf32>
    %add3A = arith.addf %dot_general3A_5, %dot_general3A_18 : vector<1024x128xf32>
    %get3A_19 = arith.constant 0 : index
    %get3A_20 = arith.constant 1 : index
    %get3A_21 = arith.constant 0 : index
    %get3A_22 = arith.constant 0 : index
    %get3A_23 = vector.load %arg2[%get3A_19, %get3A_20, %get3A_21, %get3A_22] : memref<128x7x8x128xf32, #tpu.memory_space<vmem>>, vector<128x1x8x128xf32>
    %get3A_24 = vector.shape_cast %get3A_23 : vector<128x1x8x128xf32> to vector<128x8x128xf32>
    %reshape3A_25 = vector.shape_cast %get3A_24 : vector<128x8x128xf32> to vector<1024x128xf32>
    %get3A_26 = arith.constant 1 : index
    %get3A_27 = arith.constant 0 : index
    %get3A_28 = arith.constant 0 : index
    %get3A_29 = vector.load %arg4[%get3A_26, %get3A_27, %get3A_28] : memref<7x128x128xf32, #tpu.memory_space<vmem>>, vector<1x128x128xf32>
    %get3A_30 = vector.shape_cast %get3A_29 : vector<1x128x128xf32> to vector<128x128xf32>
    %dot_general3A_31 = arith.constant dense<0.000000e+00> : vector<1024x128xf32>
    %dot_general3A_32 = tpu.matmul %reshape3A_25, %get3A_30, %dot_general3A_31 {dimension_numbers = #tpu.dot_dimension_numbers<[1], [0], [0], [1], [0, 0, 1, 1], [], []>, transpose_lhs_hint = false} : vector<1024x128xf32>, vector<128x128xf32>, vector<1024x128xf32> -> vector<1024x128xf32>
    %add3A_33 = arith.addf %add3A, %dot_general3A_32 : vector<1024x128xf32>
    %get3A_34 = arith.constant 0 : index
    %get3A_35 = arith.constant 2 : index
    %get3A_36 = arith.constant 0 : index
    %get3A_37 = arith.constant 0 : index
    %get3A_38 = vector.load %arg2[%get3A_34, %get3A_35, %get3A_36, %get3A_37] : memref<128x7x8x128xf32, #tpu.memory_space<vmem>>, vector<128x1x8x128xf32>
    %get3A_39 = vector.shape_cast %get3A_38 : vector<128x1x8x128xf32> to vector<128x8x128xf32>
    %reshape3A_40 = vector.shape_cast %get3A_39 : vector<128x8x128xf32> to vector<1024x128xf32>
    %get3A_41 = arith.constant 2 : index
    %get3A_42 = arith.constant 0 : index
    %get3A_43 = arith.constant 0 : index
    %get3A_44 = vector.load %arg4[%get3A_41, %get3A_42, %get3A_43] : memref<7x128x128xf32, #tpu.memory_space<vmem>>, vector<1x128x128xf32>
    %get3A_45 = vector.shape_cast %get3A_44 : vector<1x128x128xf32> to vector<128x128xf32>
    %dot_general3A_46 = arith.constant dense<0.000000e+00> : vector<1024x128xf32>
    %dot_general3A_47 = tpu.matmul %reshape3A_40, %get3A_45, %dot_general3A_46 {dimension_numbers = #tpu.dot_dimension_numbers<[1], [0], [0], [1], [0, 0, 1, 1], [], []>, transpose_lhs_hint = false} : vector<1024x128xf32>, vector<128x128xf32>, vector<1024x128xf32> -> vector<1024x128xf32>
    %add3A_48 = arith.addf %add3A_33, %dot_general3A_47 : vector<1024x128xf32>
    %get3A_49 = arith.constant 0 : index
    %get3A_50 = arith.constant 3 : index
    %get3A_51 = arith.constant 0 : index
    %get3A_52 = arith.constant 0 : index
    %get3A_53 = vector.load %arg2[%get3A_49, %get3A_50, %get3A_51, %get3A_52] : memref<128x7x8x128xf32, #tpu.memory_space<vmem>>, vector<128x1x8x128xf32>
    %get3A_54 = vector.shape_cast %get3A_53 : vector<128x1x8x128xf32> to vector<128x8x128xf32>
    %reshape3A_55 = vector.shape_cast %get3A_54 : vector<128x8x128xf32> to vector<1024x128xf32>
    %get3A_56 = arith.constant 3 : index
    %get3A_57 = arith.constant 0 : index
    %get3A_58 = arith.constant 0 : index
    %get3A_59 = vector.load %arg4[%get3A_56, %get3A_57, %get3A_58] : memref<7x128x128xf32, #tpu.memory_space<vmem>>, vector<1x128x128xf32>
    %get3A_60 = vector.shape_cast %get3A_59 : vector<1x128x128xf32> to vector<128x128xf32>
    %dot_general3A_61 = arith.constant dense<0.000000e+00> : vector<1024x128xf32>
    %dot_general3A_62 = tpu.matmul %reshape3A_55, %get3A_60, %dot_general3A_61 {dimension_numbers = #tpu.dot_dimension_numbers<[1], [0], [0], [1], [0, 0, 1, 1], [], []>, transpose_lhs_hint = false} : vector<1024x128xf32>, vector<128x128xf32>, vector<1024x128xf32> -> vector<1024x128xf32>
    %add3A_63 = arith.addf %add3A_48, %dot_general3A_62 : vector<1024x128xf32>
    %get3A_64 = arith.constant 0 : index
    %get3A_65 = arith.constant 4 : index
    %get3A_66 = arith.constant 0 : index
    %get3A_67 = arith.constant 0 : index
    %get3A_68 = vector.load %arg2[%get3A_64, %get3A_65, %get3A_66, %get3A_67] : memref<128x7x8x128xf32, #tpu.memory_space<vmem>>, vector<128x1x8x128xf32>
    %get3A_69 = vector.shape_cast %get3A_68 : vector<128x1x8x128xf32> to vector<128x8x128xf32>
    %reshape3A_70 = vector.shape_cast %get3A_69 : vector<128x8x128xf32> to vector<1024x128xf32>
    %get3A_71 = arith.constant 4 : index
    %get3A_72 = arith.constant 0 : index
    %get3A_73 = arith.constant 0 : index
    %get3A_74 = vector.load %arg4[%get3A_71, %get3A_72, %get3A_73] : memref<7x128x128xf32, #tpu.memory_space<vmem>>, vector<1x128x128xf32>
    %get3A_75 = vector.shape_cast %get3A_74 : vector<1x128x128xf32> to vector<128x128xf32>
    %dot_general3A_76 = arith.constant dense<0.000000e+00> : vector<1024x128xf32>
    %dot_general3A_77 = tpu.matmul %reshape3A_70, %get3A_75, %dot_general3A_76 {dimension_numbers = #tpu.dot_dimension_numbers<[1], [0], [0], [1], [0, 0, 1, 1], [], []>, transpose_lhs_hint = false} : vector<1024x128xf32>, vector<128x128xf32>, vector<1024x128xf32> -> vector<1024x128xf32>
    %add3A_78 = arith.addf %add3A_63, %dot_general3A_77 : vector<1024x128xf32>
    %get3A_79 = arith.constant 0 : index
    %get3A_80 = arith.constant 5 : index
    %get3A_81 = arith.constant 0 : index
    %get3A_82 = arith.constant 0 : index
    %get3A_83 = vector.load %arg2[%get3A_79, %get3A_80, %get3A_81, %get3A_82] : memref<128x7x8x128xf32, #tpu.memory_space<vmem>>, vector<128x1x8x128xf32>
    %get3A_84 = vector.shape_cast %get3A_83 : vector<128x1x8x128xf32> to vector<128x8x128xf32>
    %reshape3A_85 = vector.shape_cast %get3A_84 : vector<128x8x128xf32> to vector<1024x128xf32>
    %get3A_86 = arith.constant 5 : index
    %get3A_87 = arith.constant 0 : index
    %get3A_88 = arith.constant 0 : index
    %get3A_89 = vector.load %arg4[%get3A_86, %get3A_87, %get3A_88] : memref<7x128x128xf32, #tpu.memory_space<vmem>>, vector<1x128x128xf32>
    %get3A_90 = vector.shape_cast %get3A_89 : vector<1x128x128xf32> to vector<128x128xf32>
    %dot_general3A_91 = arith.constant dense<0.000000e+00> : vector<1024x128xf32>
    %dot_general3A_92 = tpu.matmul %reshape3A_85, %get3A_90, %dot_general3A_91 {dimension_numbers = #tpu.dot_dimension_numbers<[1], [0], [0], [1], [0, 0, 1, 1], [], []>, transpose_lhs_hint = false} : vector<1024x128xf32>, vector<128x128xf32>, vector<1024x128xf32> -> vector<1024x128xf32>
    %add3A_93 = arith.addf %add3A_78, %dot_general3A_92 : vector<1024x128xf32>
    %get3A_94 = arith.constant 0 : index
    %get3A_95 = arith.constant 6 : index
    %get3A_96 = arith.constant 0 : index
    %get3A_97 = arith.constant 0 : index
    %get3A_98 = vector.load %arg2[%get3A_94, %get3A_95, %get3A_96, %get3A_97] : memref<128x7x8x128xf32, #tpu.memory_space<vmem>>, vector<128x1x8x128xf32>
    %get3A_99 = vector.shape_cast %get3A_98 : vector<128x1x8x128xf32> to vector<128x8x128xf32>
    %reshape3A_100 = vector.shape_cast %get3A_99 : vector<128x8x128xf32> to vector<1024x128xf32>
    %get3A_101 = arith.constant 6 : index
    %get3A_102 = arith.constant 0 : index
    %get3A_103 = arith.constant 0 : index
    %get3A_104 = vector.load %arg4[%get3A_101, %get3A_102, %get3A_103] : memref<7x128x128xf32, #tpu.memory_space<vmem>>, vector<1x128x128xf32>
    %get3A_105 = vector.shape_cast %get3A_104 : vector<1x128x128xf32> to vector<128x128xf32>
    %dot_general3A_106 = arith.constant dense<0.000000e+00> : vector<1024x128xf32>
    %dot_general3A_107 = tpu.matmul %reshape3A_100, %get3A_105, %dot_general3A_106 {dimension_numbers = #tpu.dot_dimension_numbers<[1], [0], [0], [1], [0, 0, 1, 1], [], []>, transpose_lhs_hint = false} : vector<1024x128xf32>, vector<128x128xf32>, vector<1024x128xf32> -> vector<1024x128xf32>
    %add3A_108 = arith.addf %add3A_93, %dot_general3A_107 : vector<1024x128xf32>
    %get3A_109 = arith.constant 0 : index
    %get3A_110 = arith.constant 0 : index
    %get3A_111 = vector.load %arg5[%get3A_109, %get3A_110] : memref<1x128xf32, #tpu.memory_space<vmem>>, vector<1x128xf32>
    %add3A_112 = vector.broadcast %get3A_111 : vector<1x128xf32> to vector<1024x128xf32>
    %add3A_113 = arith.addf %add3A_108, %add3A_112 : vector<1024x128xf32>
    %max3A = arith.constant 0.000000e+00 : f32
    %max3A_114 = vector.broadcast %max3A : f32 to vector<1024x128xf32>
    %max3A_115 = arith.maximumf %add3A_113, %max3A_114 : vector<1024x128xf32>
    %swap3A = arith.constant 0 : index
    %swap3A_116 = arith.constant 0 : index
    %swap3A_117 = vector.load %arg6[%swap3A, %swap3A_116] : memref<1024x128xf32, #tpu.memory_space<vmem>>, vector<1024x128xf32>
    tpu.vector_store %arg6[%swap3A, %swap3A_116], %max3A_115 {strides = array<i32>} : memref<1024x128xf32, #tpu.memory_space<vmem>>, vector<1024x128xf32>,
    %eq3A = arith.constant 0 : i32
    %eq3A_118 = arith.cmpi eq, %arg0, %eq3A : i32
    %convert_element_type3A = arith.extui %eq3A_118 : i1 to i32
    %cond3A = arith.constant 0 : i32
    %cond3A_119 = arith.cmpi ne, %convert_element_type3A, %cond3A : i32
    scf.if %cond3A_119 {
      %broadcast_in_dim3A_138 = arith.constant 0.000000e+00 : f32
      %broadcast_in_dim3A_139 = vector.broadcast %broadcast_in_dim3A_138 : f32 to vector<2x128xf32>
      %swap3A_140 = arith.constant 0 : index
      %swap3A_141 = arith.constant 0 : index
      %swap3A_142 = vector.load %arg7[%swap3A_140, %swap3A_141] : memref<2x128xf32, #tpu.memory_space<vmem>>, vector<2x128xf32>
      tpu.vector_store %arg7[%swap3A_140, %swap3A_141], %broadcast_in_dim3A_139 {strides = array<i32>} : memref<2x128xf32, #tpu.memory_space<vmem>>, vector<2x128xf32>,
    } else {
    }
    %get3A_120 = arith.constant 0 : index
    %get3A_121 = arith.constant 0 : index
    %get3A_122 = vector.load %arg7[%get3A_120, %get3A_121] : memref<2x128xf32, #tpu.memory_space<vmem>>, vector<1x128xf32>
    %reduce_sum3A = arith.constant dense<0.000000e+00> : vector<128xf32>
    %reduce_sum3A_123 = vector.multi_reduction <add>, %max3A_115, %reduce_sum3A [0] : vector<1024x128xf32> to vector<128xf32>
    %broadcast_in_dim3A = vector.shape_cast %reduce_sum3A_123 : vector<128xf32> to vector<1x128xf32>
    %add3A_124 = arith.addf %get3A_122, %broadcast_in_dim3A : vector<1x128xf32>
    %swap3A_125 = arith.constant 0 : index
    %swap3A_126 = arith.constant 0 : index
    %swap3A_127 = vector.load %arg7[%swap3A_125, %swap3A_126] : memref<2x128xf32, #tpu.memory_space<vmem>>, vector<1x128xf32>
    tpu.vector_store %arg7[%swap3A_125, %swap3A_126], %add3A_124 {strides = array<i32>} : memref<2x128xf32, #tpu.memory_space<vmem>>, vector<1x128xf32>,
    %get3A_128 = arith.constant 1 : index
    %get3A_129 = arith.constant 0 : index
    %get3A_130 = vector.load %arg7[%get3A_128, %get3A_129] : memref<2x128xf32, #tpu.memory_space<vmem>>, vector<1x128xf32>
    %mul3A = arith.mulf %max3A_115, %max3A_115 : vector<1024x128xf32>
    %reduce_sum3A_131 = arith.constant dense<0.000000e+00> : vector<128xf32>
    %reduce_sum3A_132 = vector.multi_reduction <add>, %mul3A, %reduce_sum3A_131 [0] : vector<1024x128xf32> to vector<128xf32>
    %broadcast_in_dim3A_133 = vector.shape_cast %reduce_sum3A_132 : vector<128xf32> to vector<1x128xf32>
    %add3A_134 = arith.addf %get3A_130, %broadcast_in_dim3A_133 : vector<1x128xf32>
    %swap3A_135 = arith.constant 1 : index
    %swap3A_136 = arith.constant 0 : index
    %swap3A_137 = vector.load %arg7[%swap3A_135, %swap3A_136] : memref<2x128xf32, #tpu.memory_space<vmem>>, vector<1x128xf32>
    tpu.vector_store %arg7[%swap3A_135, %swap3A_136], %add3A_134 {strides = array<i32>} : memref<2x128xf32, #tpu.memory_space<vmem>>, vector<1x128xf32>,
    return
  }
  func.func @transform_0(%arg0: i32) -> (i32, i32) {
    %c0_i32 = arith.constant 0 : i32
    %c0_i32_0 = arith.constant 0 : i32
    return %arg0, %c0_i32 : i32, i32
  }
  func.func @transform_1(%arg0: i32) -> (i32, i32, i32, i32) {
    %c0_i32 = arith.constant 0 : i32
    %c0_i32_0 = arith.constant 0 : i32
    %c0_i32_1 = arith.constant 0 : i32
    %c0_i32_2 = arith.constant 0 : i32
    return %arg0, %c0_i32, %c0_i32_0, %c0_i32_1 : i32, i32, i32, i32
  }
  func.func @transform_2(%arg0: i32) -> (i32, i32) {
    %c0_i32 = arith.constant 0 : i32
    %c0_i32_0 = arith.constant 0 : i32
    %c0_i32_1 = arith.constant 0 : i32
    return %c0_i32, %c0_i32_0 : i32, i32
  }
  func.func @transform_3(%arg0: i32) -> (i32, i32, i32) {
    %c0_i32 = arith.constant 0 : i32
    %c0_i32_0 = arith.constant 0 : i32
    %c0_i32_1 = arith.constant 0 : i32
    %c0_i32_2 = arith.constant 0 : i32
    return %c0_i32, %c0_i32_0, %c0_i32_1 : i32, i32, i32
  }
  func.func @transform_4(%arg0: i32) -> (i32, i32) {
    %c0_i32 = arith.constant 0 : i32
    %c0_i32_0 = arith.constant 0 : i32
    %c0_i32_1 = arith.constant 0 : i32
    return %c0_i32, %c0_i32_0 : i32, i32
  }
  func.func @transform_5(%arg0: i32) -> (i32, i32) {
    %c0_i32 = arith.constant 0 : i32
    %c0_i32_0 = arith.constant 0 : i32
    return %arg0, %c0_i32 : i32, i32
  }
  func.func @transform_6(%arg0: i32) -> (i32, i32) {
    %c0_i32 = arith.constant 0 : i32
    %c0_i32_0 = arith.constant 0 : i32
    %c0_i32_1 = arith.constant 0 : i32
    return %c0_i32, %c0_i32_0 : i32, i32
  }
}

module attributes {stable_mosaic.version = 14 : i64} {
  func.func @_mlp2_body(%arg0: i32, %arg1: memref<1024x128xf32, #tpu.memory_space<vmem>>, %arg2: memref<2x128xf32, #tpu.memory_space<vmem>>, %arg3: memref<1x128xf32, #tpu.memory_space<vmem>>, %arg4: memref<1x128xf32, #tpu.memory_space<vmem>>, %arg5: memref<128x64xf32, #tpu.memory_space<vmem>>, %arg6: memref<64x1xf32, #tpu.memory_space<vmem>>, %arg7: memref<64x1024xf32, #tpu.memory_space<vmem>>) attributes {dimension_semantics = [#tpu.dimension_semantics<arbitrary>], iteration_bounds = array<i64: 16>, scalar_prefetch = 0 : i64, scratch_operands = 0 : i64, tpu.core_type = #tpu.core_type<tc>, window_params = [{transform_indices = @transform_0, window_bounds = array<i64: 1024, 128>}, {pipeline_mode = #tpu.pipeline_mode<synchronous>, transform_indices = @transform_1, window_bounds = array<i64: 2, 128>}, {pipeline_mode = #tpu.pipeline_mode<synchronous>, transform_indices = @transform_2, window_bounds = array<i64: 1, 128>}, {pipeline_mode = #tpu.pipeline_mode<synchronous>, transform_indices = @transform_3, window_bounds = array<i64: 1, 128>}, {pipeline_mode = #tpu.pipeline_mode<synchronous>, transform_indices = @transform_4, window_bounds = array<i64: 128, 64>}, {pipeline_mode = #tpu.pipeline_mode<synchronous>, transform_indices = @transform_5, window_bounds = array<i64: 64, 1>}, {transform_indices = @transform_6, window_bounds = array<i64: 64, 1024>}]} {
    %get3A = arith.constant 0 : index
    %get3A_0 = arith.constant 0 : index
    %get3A_1 = vector.load %arg2[%get3A, %get3A_0] : memref<2x128xf32, #tpu.memory_space<vmem>>, vector<2x128xf32>
    %slice3A = vector.extract_strided_slice %get3A_1 {offsets = [0, 0], sizes = [1, 128], strides = [1, 1]} : vector<2x128xf32> to vector<1x128xf32>
    %mul3A = arith.constant 6.10351563E-5 : f32
    %mul3A_2 = vector.broadcast %mul3A : f32 to vector<1x128xf32>
    %mul3A_3 = arith.mulf %slice3A, %mul3A_2 : vector<1x128xf32>
    %slice3A_4 = vector.extract_strided_slice %get3A_1 {offsets = [1, 0], sizes = [1, 128], strides = [1, 1]} : vector<2x128xf32> to vector<1x128xf32>
    %mul3A_5 = arith.constant 6.10351563E-5 : f32
    %mul3A_6 = vector.broadcast %mul3A_5 : f32 to vector<1x128xf32>
    %mul3A_7 = arith.mulf %slice3A_4, %mul3A_6 : vector<1x128xf32>
    %mul3A_8 = arith.mulf %mul3A_3, %mul3A_3 : vector<1x128xf32>
    %sub3A = arith.subf %mul3A_7, %mul3A_8 : vector<1x128xf32>
    %add3A = arith.constant 9.99999974E-6 : f32
    %add3A_9 = vector.broadcast %add3A : f32 to vector<1x128xf32>
    %add3A_10 = arith.addf %sub3A, %add3A_9 : vector<1x128xf32>
    %rsqrt3A = math.rsqrt %add3A_10 : vector<1x128xf32>
    %get3A_11 = arith.constant 0 : index
    %get3A_12 = arith.constant 0 : index
    %get3A_13 = vector.load %arg3[%get3A_11, %get3A_12] : memref<1x128xf32, #tpu.memory_space<vmem>>, vector<1x128xf32>
    %mul3A_14 = arith.mulf %get3A_13, %rsqrt3A : vector<1x128xf32>
    %get3A_15 = arith.constant 0 : index
    %get3A_16 = arith.constant 0 : index
    %get3A_17 = vector.load %arg4[%get3A_15, %get3A_16] : memref<1x128xf32, #tpu.memory_space<vmem>>, vector<1x128xf32>
    %mul3A_18 = arith.mulf %mul3A_3, %mul3A_14 : vector<1x128xf32>
    %sub3A_19 = arith.subf %get3A_17, %mul3A_18 : vector<1x128xf32>
    %get3A_20 = arith.constant 0 : index
    %get3A_21 = arith.constant 0 : index
    %get3A_22 = vector.load %arg1[%get3A_20, %get3A_21] : memref<1024x128xf32, #tpu.memory_space<vmem>>, vector<1024x128xf32>
    %mul3A_23 = vector.broadcast %mul3A_14 : vector<1x128xf32> to vector<1024x128xf32>
    %mul3A_24 = arith.mulf %get3A_22, %mul3A_23 : vector<1024x128xf32>
    %add3A_25 = vector.broadcast %sub3A_19 : vector<1x128xf32> to vector<1024x128xf32>
    %add3A_26 = arith.addf %mul3A_24, %add3A_25 : vector<1024x128xf32>
    %get3A_27 = arith.constant 0 : index
    %get3A_28 = arith.constant 0 : index
    %get3A_29 = vector.load %arg5[%get3A_27, %get3A_28] : memref<128x64xf32, #tpu.memory_space<vmem>>, vector<128x64xf32>
    %dot_general3A = arith.constant dense<0.000000e+00> : vector<64x1024xf32>
    %dot_general3A_30 = tpu.matmul %get3A_29, %add3A_26, %dot_general3A {dimension_numbers = #tpu.dot_dimension_numbers<[0], [1], [1], [0], [0, 1, 1, 0], [], []>, transpose_lhs_hint = false} : vector<128x64xf32>, vector<1024x128xf32>, vector<64x1024xf32> -> vector<64x1024xf32>
    %get3A_31 = arith.constant 0 : index
    %get3A_32 = arith.constant 0 : index
    %get3A_33 = vector.load %arg6[%get3A_31, %get3A_32] : memref<64x1xf32, #tpu.memory_space<vmem>>, vector<64x1xf32>
    %add3A_34 = vector.broadcast %get3A_33 : vector<64x1xf32> to vector<64x1024xf32>
    %add3A_35 = arith.addf %dot_general3A_30, %add3A_34 : vector<64x1024xf32>
    %swap3A = arith.constant 0 : index
    %swap3A_36 = arith.constant 0 : index
    %swap3A_37 = vector.load %arg7[%swap3A, %swap3A_36] : memref<64x1024xf32, #tpu.memory_space<vmem>>, vector<64x1024xf32>
    tpu.vector_store %arg7[%swap3A, %swap3A_36], %add3A_35 {strides = array<i32>} : memref<64x1024xf32, #tpu.memory_space<vmem>>, vector<64x1024xf32>,
    return
  }
  func.func @transform_0(%arg0: i32) -> (i32, i32) {
    %c0_i32 = arith.constant 0 : i32
    %c0_i32_0 = arith.constant 0 : i32
    return %arg0, %c0_i32 : i32, i32
  }
  func.func @transform_1(%arg0: i32) -> (i32, i32) {
    %c0_i32 = arith.constant 0 : i32
    %c0_i32_0 = arith.constant 0 : i32
    %c0_i32_1 = arith.constant 0 : i32
    return %c0_i32, %c0_i32_0 : i32, i32
  }
  func.func @transform_2(%arg0: i32) -> (i32, i32) {
    %c0_i32 = arith.constant 0 : i32
    %c0_i32_0 = arith.constant 0 : i32
    %c0_i32_1 = arith.constant 0 : i32
    return %c0_i32, %c0_i32_0 : i32, i32
  }
  func.func @transform_3(%arg0: i32) -> (i32, i32) {
    %c0_i32 = arith.constant 0 : i32
    %c0_i32_0 = arith.constant 0 : i32
    %c0_i32_1 = arith.constant 0 : i32
    return %c0_i32, %c0_i32_0 : i32, i32
  }
  func.func @transform_4(%arg0: i32) -> (i32, i32) {
    %c0_i32 = arith.constant 0 : i32
    %c0_i32_0 = arith.constant 0 : i32
    %c0_i32_1 = arith.constant 0 : i32
    return %c0_i32, %c0_i32_0 : i32, i32
  }
  func.func @transform_5(%arg0: i32) -> (i32, i32) {
    %c0_i32 = arith.constant 0 : i32
    %c0_i32_0 = arith.constant 0 : i32
    %c0_i32_1 = arith.constant 0 : i32
    return %c0_i32, %c0_i32_0 : i32, i32
  }
  func.func @transform_6(%arg0: i32) -> (i32, i32) {
    %c0_i32 = arith.constant 0 : i32
    %c0_i32_0 = arith.constant 0 : i32
    return %c0_i32, %arg0 : i32, i32
  }
}

</mosaic_0001>

<sc_bundles>
// kernel: kernel.6.cloned.1.call-start
scs
__scs_entry_jumppad:
0x0: {  	(pc) =	sbr.rel $0x88, $3  }
0x1: {  	(tag) =	ssettag $0x0;
	lr =	simm.s32 $0x1  }
0x2: {  	[smem:$0x3F98] =	sst lr;
	_ =	strace $0xD0000000  }
0x3: {  	_ = 	snop  }
0x4: {  	_ = 	snop  }
0x5: {  	_ = 	snop  }
0x6: {  	_ = 	snop  }
0x7: {  	_ = 	snop  }
__scs_overlays_trampoline_lowered:
0x8: {  	[smem:$0x3FA7] =	sst s0  }
0x9: {  	[smem:$0x3FA8] =	sst s1  }
0xa: {  	[smem:$0x3FA9] =	sst s2  }
0xb: {  	[smem:$0x3FAA] =	sst s3  }
0xc: {  	[smem:$0x3FAB] =	sst s4  }
0xd: {  	[smem:$0x3FAC] =	sst s5  }
0xe: {  	[smem:$0x3FAD] =	sst s6  }
0xf: {  	[smem:$0x3FAE] =	sst s7  }
0x10: {  	[smem:$0x3FAF] =	sst s8  }
0x11: {  	[smem:$0x3FB0] =	sst s9;
	s0 =	simm.s32 @!p0 $0x0  }
0x12: {  	s1 =	sld [smem:$0x3F96];
	s0 =	simm.s32 @p0 $0x1  }
0x13: {  	[smem:$0x3FB1] =	sst s0;
	s0 =	simm.s32 @!p1 $0x0  }
0x14: {  	s2 =	sld [smem:$0x3F95];
	s0 =	simm.s32 @p1 $0x1  }
0x15: {  	[smem:$0x3FB2] =	sst s0;
	s0 =	simm.s32 @!p2 $0x0  }
0x16: {  	s3 =	sld [smem:$0x3FDB];
	s0 =	simm.s32 @p2 $0x1  }
0x17: {  	s4 =	simm.s32 $0x1BF5;
	[smem:$0x3FB4] =	sst s0  }
0x18: {  	s0 =	sld [smem:$0x3F97];
	_ =	swait.ge [sflag:s4], $0x0  }
0x19: {  	s7 =	sld [smem:$0x3F98]  }
0x1a: {  	s8 =	sadd.s32 $0xFFFFE003, lr  }
0x1b: {  	s9 =	sadd.s32 $0xFFFFFEF7, lr;
	s5 =	simm.s32 $0xFFFFFFFF;
	p2 =	slt.u32 s8, $0xFFFFF086  }
0x1c: {  	p1 =	slt.u32 s9, $0xF7A;
	s5 =	simm.s32 @!p2 $0x0  }
0x1d: {  	s5 =	simm.s32 @p1 $0x1;
	p0 =	seq.s32 s7, s2  }
0x1e: {  	s7 =	smul.u32 @!p0 $0xF7A, s2;
	p2 =	seq.s32 @!p0 s5, $0x0  }
0x1f: {  	s9 =	smul.u32 $0xF7A, s1;
	s8 =	simm.s32 @!p0 $0x1BF5;
	p2 =	por !p2, p0  }
0x20: {  	[sflag:s8] =	ssyncset.s32 @!p0 $0xFFFFF086;
	s6 =	sadd.s32 @!p0 s3, s7;
	s7 =	simm.s32 @!p0 $0x108  }
0x21: {  	s3 =	sadd.s32 s3, s9;
	s6 =	sadd.s32 @!p0 $0x88, s6;
	s7 =	simm.s32 @p2 $0x1082  }
0x22: {  	[simem:s7], [sflag:s8] =	dma.local @!p0 [hbm:s6], $0xF7A  }
0x23: {  	s9 =	sor.u32 $0xD0000000, s2;
	s6 =	simm.s32 $0x108;
	_ =	swait.ge @!p0 [sflag:s8], $0x0  }
0x24: {  	s3 =	sadd.s32 $0x88, s3;
	s6 =	simm.s32 @!p1 $0x1082;
	[sflag:s4] =	ssyncset.s32 $0xFFFFF086  }
0x25: {  	[simem:s6], [sflag:s4] =	dma.local [hbm:s3], $0xF7A  }
0x26: {  	[smem:$0x3F98] =	sst s1;
	(tag) =	ssettag s2;
	_ =	strace s9  }
0x27: {  	s1 =	sld [smem:$0x3FA8]  }
0x28: {  	s2 =	sld [smem:$0x3FA9]  }
0x29: {  	s4 =	sld [smem:$0x3FAB]  }
0x2a: {  	p0 =	seq.s32 s5, $0x0;
	s5 =	sld [smem:$0x3FAC]  }
0x2b: {  	s6 =	sld [smem:$0x3FAD]  }
0x2c: {  	s7 =	sld [smem:$0x3FAE]  }
0x2d: {  	s3 =	simm.s32 $0x108;
	s8 =	sld [smem:$0x3FAF]  }
0x2e: {  	s3 =	simm.s32 @!p0 $0x1082;
	s9 =	sld [smem:$0x3FB0]  }
0x2f: {  	lr =	sadd.s32 s0, s3;
	s0 =	sld [smem:$0x3FA7]  }
0x30: {  	s3 =	sld [smem:$0x3FAA]  }
0x31: {  	[smem:$0x3FB3] =	sst s10  }
0x32: {  	s10 =	sld [smem:$0x3FB1];
	_ =	sdelay $0x3  }
0x33: {  	p0 =	seq.s32 s10, $0x1;
	s10 =	sld [smem:$0x3FB3];
	_ =	sdelay $0x3  }
0x34: {  	[smem:$0x3FB3] =	sst s10  }
0x35: {  	s10 =	sld [smem:$0x3FB2];
	_ =	sdelay $0x3  }
0x36: {  	p1 =	seq.s32 s10, $0x1;
	s10 =	sld [smem:$0x3FB3];
	_ =	sdelay $0x3  }
0x37: {  	[smem:$0x3FB3] =	sst s10  }
0x38: {  	s10 =	sld [smem:$0x3FB4]  }
0x39: {  	_ = 	snop;
	(pc) =	sbr.ind lr, $3  }
0x3a: {  	_ = 	snop  }
0x3b: {  	_ = 	snop  }
0x3c: {  	p2 =	seq.s32 s10, $0x1;
	s10 =	sld [smem:$0x3FB3]  }
0x3d: {  	_ =	shalt  }
0x3e: {  	_ =	shalt  }
0x3f: {  	_ =	shalt  }
0x40: {  	_ =	shalt  }
0x41: {  	_ =	shalt  }
0x42: {  	_ =	shalt  }
0x43: {  	_ =	shalt  }
0x44: {  	_ =	shalt  }
0x45: {  	_ =	shalt  }
0x46: {  	_ =	shalt  }
0x47: {  	_ =	shalt  }
0x48: {  	_ =	shalt  }
0x49: {  	_ =	shalt  }
0x4a: {  	_ =	shalt  }
0x4b: {  	_ =	shalt  }
0x4c: {  	_ =	shalt  }
0x4d: {  	_ =	shalt  }
0x4e: {  	_ =	shalt  }
0x4f: {  	_ =	shalt  }
0x50: {  	_ =	shalt  }
0x51: {  	_ =	shalt  }
0x52: {  	_ =	shalt  }
0x53: {  	_ =	shalt  }
0x54: {  	_ =	shalt  }
0x55: {  	_ =	shalt  }
0x56: {  	_ =	shalt  }
0x57: {  	_ =	shalt  }
0x58: {  	_ =	shalt  }
0x59: {  	_ =	shalt  }
0x5a: {  	_ =	shalt  }
0x5b: {  	_ =	shalt  }
0x5c: {  	_ =	shalt  }
0x5d: {  	_ =	shalt  }
0x5e: {  	_ =	shalt  }
0x5f: {  	_ =	shalt  }
0x60: {  	_ =	shalt  }
0x61: {  	_ =	shalt  }
0x62: {  	_ =	shalt  }
0x63: {  	_ =	shalt  }
0x64: {  	_ =	shalt  }
0x65: {  	_ =	shalt  }
0x66: {  	_ =	shalt  }
0x67: {  	_ =	shalt  }
0x68: {  	_ =	shalt  }
0x69: {  	_ =	shalt  }
0x6a: {  	_ =	shalt  }
0x6b: {  	_ =	shalt  }
0x6c: {  	_ =	shalt  }
0x6d: {  	_ =	shalt  }
0x6e: {  	_ =	shalt  }
0x6f: {  	_ =	shalt  }
0x70: {  	_ =	shalt  }
0x71: {  	_ =	shalt  }
0x72: {  	_ =	shalt  }
0x73: {  	_ =	shalt  }
0x74: {  	_ =	shalt  }
0x75: {  	_ =	shalt  }
0x76: {  	_ =	shalt  }
0x77: {  	_ =	shalt  }
0x78: {  	_ =	shalt  }
0x79: {  	_ =	shalt  }
0x7a: {  	_ =	shalt  }
0x7b: {  	_ =	shalt  }
0x7c: {  	_ =	shalt  }
0x7d: {  	_ =	shalt  }
0x7e: {  	_ =	shalt  }
0x7f: {  	_ =	shalt  }
0x80: {  	_ =	shalt  }
0x81: {  	_ =	shalt  }
0x82: {  	_ =	shalt  }
0x83: {  	_ =	shalt  }
0x84: {  	_ =	shalt  }
0x85: {  	_ =	shalt  }
0x86: {  	_ =	shalt  }
0x87: {  	_ =	shalt  }
.Lfunc_end0:
.L_simem_size_0:
called_computation_lowered:
.L_overlay_start_0:
0x88: {  	s2 =	sld [smem:$0x3FD9]  }
0x89: {  	s3 =	sld [smem:$0x3FFE];
	_ =	sdelay $0x1  }
0x8a: {  	s1 =	srdreg.scid  }
0x8b: {  	s0 =	sand.u32 $0x1, s1  }
0x8c: {  	s17 =	sshll.u32 s0, $0xA;
	s2 =	sadd.s32 s3, s2  }
0x8d: {  	s2 =	sadd.s32 s2, s17  }
0x8e: {  	[smem:$0x3FBF] =	sst s2  }
0x8f: {  	_ = 	snop  }
0x90: {  	s2 =	sld [smem:$0x3FD0];
	(tm) =	ssettm $0x1  }
0x91: {  	s18 =	sld [smem:$0x3FFB];
	_ =	sdelay $0x3  }
0x92: {  	_ =	strace s18  }
0x93: {  	s3 =	sld [smem:$0x3FFC];
	_ =	sdelay $0x3  }
0x94: {  	_ =	strace s3  }
0x95: {  	s3 =	sld [smem:$0x3FFD];
	_ =	sdelay $0x3  }
0x96: {  	_ =	strace s3  }
0x97: {  	_ =	strace $0x8FFFFFFF  }
0x98: {  	s19 =	sld [smem:$0x3FDB];
	_ =	sdelay $0x1  }
0x99: {  	s4 =	simm.s32 $_scs_section_size  }
0x9a: {  	s5 =	simm.s32 $_size__tile_overlayer_lowered;
	s6 =	simm.s32 $_tile_overlayer_lowered  }
0x9b: {  	s22 =	simm.s32 $0x1BFF;
	s21 =	sshll.u32 s6, $0x1;
	s3 =	sadd.s32 s4, s19  }
0x9c: {  	s7 =	simm.s32 $0x0;
	s20 =	sshll.u32 s5, $0x1;
	s5 =	sadd.s32 s21, s3  }
0x9d: {  	[timem:s7], [sflag:s22] =	dma.local [hbm:s5], s20  }
0x9e: {  	_ =	swait.ge [sflag:s22], s20  }
0x9f: {  	s4 =	ssub.s32 $0x0, s20;
	[sflag:s22] =	ssyncset.done $0x0  }
0xa0: {  	[sflag:s22] =	ssyncadd.s32 s4;
	_ =	sdelay $0x1  }
0xa1: {  	s23 =	simm.s32 $0x1B8B  }
0xa2: {  	_ =	swait.ge [sflag:s23], $0x1  }
0xa3: {  	[sflag:s23] =	ssyncset.done $0x0  }
0xa4: {  	s25 =	simm.s32 $0x1B8E;
	s24 =	sld [smem:$0x3FFE];
	[sflag:s23] =	ssyncadd.s32 $0xFFFFFFFF  }
0xa5: {  	s26 =	simm.s32 $execute0_lowered;
	[smem:$0x3FD2] =	sst s25  }
0xa6: {  	s5 =	sshll.u32 s26, $0x1;
	_ =	strace $0x80000046;
	[dreg:$0x1] =	wrdreg $0xFFFFFFFF  }
0xa7: {  	s28 =	simm.s32 $_size_execute0_lowered;
	s3 =	sadd.s32 s3, s5;
	[dreg:$0x0] =	wrdreg $0x0  }
0xa8: {  	s5 =	sshll.u32 s28, $0x1;
	[dreg:$0x2] =	wrdreg s3  }
0xa9: {  	[dreg:$0x3] =	wrdreg s5  }
0xaa: {  	[dreg:$0x4] =	wrdreg $0xC0  }
0xab: {  	_ =	task [dreg:s7], $0x5FFFF  }
0xac: {  	[dreg:$0x1] =	wrdreg $0xFFFFFFFF  }
0xad: {  	[dreg:$0x0] =	wrdreg $0x60  }
0xae: {  	[dreg:$0x2] =	wrdreg s24  }
0xaf: {  	[dreg:$0x3] =	wrdreg s2  }
0xb0: {  	[dreg:$0x4] =	wrdreg $0x9  }
0xb1: {  	_ =	task.clear_ibuf [dreg:s7], $0x5FFFF;
	_ =	strace $0x90000046  }
0xb2: {  	s29 =	simm.s32 $0x9;
	_ =	strace $0x80000048  }
0xb3: {  	_ =	swait.ge [sflag:s29], $0x1  }
0xb4: {  	[sflag:s29] =	ssyncadd.s32 $0xFFFFFFFF  }
0xb5: {  	_ =	strace $0x90000048  }
0xb6: {  	_ =	sfence  }
0xb7: {  	s30 =	sld [smem:$0x0];
	_ =	sdelay $0x2  }
0xb8: {  	s31 =	sshll.u32 s1, $0xD;
	s1 =	sshrl.u32 s1, $0x2  }
0xb9: {  	s3 =	sand.u32 $0x4000, s31;
	s1 =	sadd.s32 s1, s30  }
0xba: {  	s0 =	sor.u32 s3, s0;
	s1 =	sshll.u32 s1, $0x11  }
0xbb: {  	s0 =	sor.u32 s1, s0  }
0xbc: {  	s0 =	sadd.s32 $0x8F2B, s0  }
0xbd: {  	[sflag:s0] =	ssyncadd.remote.s32 $0x1  }
0xbe: {  	_ =	sfence.sel $0xFFFF  }
0xbf: {  	[dreg:$0x0] =	wrdreg $0xFFFFFFFF;
	(pc) =	sbr.abs _section_cstart, $3  }
0xc0: {  	[dreg:$0x1] =	wrdreg $0xFFFFFFFF  }
0xc1: {  	_ =	task.clear_ibuf [dreg:s7], $0x2FFFF;
	_ =	strace $0x9FFFFFFF  }
0xc2: {  	(tm) =	ssettm $0x7FFFFFFF  }
0xc3: {  	_ =	shalt  }
tec
execute0_lowered:
.L_overlay_start_1:
0x0: {  	(tag) =	ssettag $0x1  }
0x1: {  	v0 =	vimm.s32 $0x603;
	vm14 =	vcmask $0x300  }
0x2: {  	v1 =	vimm.s32 $0x607;
	vm13 =	vcmask $0x704;
	vm12 =	vcmask $0xB08  }
0x3: {  	vm11 =	vcmask $0xF0C;
	vm10 =	vcmask $0x1310;
	vm9 =	vcmask $0x1714  }
0x4: {  	vm8 =	vcmask $0x1B18;
	vm7 =	vcmask $0x1F1C;
	vm6 =	vcmask $0x2320  }
0x5: {  	vm5 =	vcmask $0x2724;
	vm4 =	vcmask $0x2B28;
	vm3 =	vcmask $0x2F2C  }
0x6: {  	vm2 =	vcmask $0x3330;
	vm1 =	vcmask $0x3734;
	vm0 =	vcmask $0x3B38  }
0x7: {  	v2 =	vimm.s32 $0xE03;
	v3 =	vimm.s32 $0xE07;
	v4 =	vimm.s32 $0x1603  }
0x8: {  	v5 =	vimm.s32 $0x1607;
	v6 =	vimm.s32 $0x1E03;
	v7 =	vimm.s32 $0x1E07  }
0x9: {  	v8 =	vimm.s32 $0x2603;
	v9 =	vimm.s32 $0x2607;
	v10 =	vimm.s32 $0x2E03  }
0xa: {  	v11 =	vimm.s32 $0x2E07;
	v12 =	vimm.s32 $0x3603;
	v13 =	vimm.s32 $0x3607  }
0xb: {  	v0 =	vsel vm14, $0x0, v0;
	v1 =	vsel vm14, $0x4, v1;
	v2 =	vsel vm14, $0x800, v2  }
0xc: {  	v3 =	vsel vm14, $0x804, v3;
	v4 =	vsel vm14, $0x1000, v4;
	v5 =	vsel vm14, $0x1004, v5  }
0xd: {  	v6 =	vsel vm14, $0x1800, v6;
	v7 =	vsel vm14, $0x1804, v7;
	v8 =	vsel vm14, $0x2000, v8  }
0xe: {  	v9 =	vsel vm14, $0x2004, v9;
	v10 =	vsel vm14, $0x2800, v10;
	v11 =	vsel vm14, $0x2804, v11  }
0xf: {  	v12 =	vsel vm14, $0x3000, v12;
	v13 =	vsel vm14, $0x3004, v13;
	v0 =	vsel vm13, $0x200, v0  }
0x10: {  	v1 =	vsel vm13, $0x204, v1;
	v2 =	vsel vm13, $0xA00, v2;
	v3 =	vsel vm13, $0xA04, v3  }
0x11: {  	v4 =	vsel vm13, $0x1200, v4;
	v5 =	vsel vm13, $0x1204, v5;
	v6 =	vsel vm13, $0x1A00, v6  }
0x12: {  	v7 =	vsel vm13, $0x1A04, v7;
	v8 =	vsel vm13, $0x2200, v8;
	v9 =	vsel vm13, $0x2204, v9  }
0x13: {  	v10 =	vsel vm13, $0x2A00, v10;
	v11 =	vsel vm13, $0x2A04, v11;
	v12 =	vsel vm13, $0x3200, v12  }
0x14: {  	v13 =	vsel vm13, $0x3204, v13;
	v0 =	vsel vm12, $0x400, v0;
	v1 =	vsel vm12, $0x404, v1  }
0x15: {  	v2 =	vsel vm12, $0xC00, v2;
	v3 =	vsel vm12, $0xC04, v3;
	v4 =	vsel vm12, $0x1400, v4  }
0x16: {  	v5 =	vsel vm12, $0x1404, v5;
	v6 =	vsel vm12, $0x1C00, v6;
	v7 =	vsel vm12, $0x1C04, v7  }
0x17: {  	v8 =	vsel vm12, $0x2400, v8;
	v9 =	vsel vm12, $0x2404, v9;
	v10 =	vsel vm12, $0x2C00, v10  }
0x18: {  	v11 =	vsel vm12, $0x2C04, v11;
	v12 =	vsel vm12, $0x3400, v12;
	v13 =	vsel vm12, $0x3404, v13  }
0x19: {  	v0 =	vsel vm11, $0x600, v0;
	v1 =	vsel vm11, $0x604, v1;
	v2 =	vsel vm11, $0xE00, v2  }
0x1a: {  	v3 =	vsel vm11, $0xE04, v3;
	v4 =	vsel vm11, $0x1600, v4;
	v5 =	vsel vm11, $0x1604, v5  }
0x1b: {  	v6 =	vsel vm11, $0x1E00, v6;
	v7 =	vsel vm11, $0x1E04, v7;
	v8 =	vsel vm11, $0x2600, v8  }
0x1c: {  	v9 =	vsel vm11, $0x2604, v9;
	v10 =	vsel vm11, $0x2E00, v10;
	v11 =	vsel vm11, $0x2E04, v11  }
0x1d: {  	v12 =	vsel vm11, $0x3600, v12;
	v13 =	vsel vm11, $0x3604, v13;
	v0 =	vsel vm10, $0x1, v0  }
0x1e: {  	v1 =	vsel vm10, $0x5, v1;
	v2 =	vsel vm10, $0x801, v2;
	v3 =	vsel vm10, $0x805, v3  }
0x1f: {  	v4 =	vsel vm10, $0x1001, v4;
	v5 =	vsel vm10, $0x1005, v5;
	v6 =	vsel vm10, $0x1801, v6  }
0x20: {  	v7 =	vsel vm10, $0x1805, v7;
	v8 =	vsel vm10, $0x2001, v8;
	v9 =	vsel vm10, $0x2005, v9  }
0x21: {  	v10 =	vsel vm10, $0x2801, v10;
	v11 =	vsel vm10, $0x2805, v11;
	v12 =	vsel vm10, $0x3001, v12  }
0x22: {  	v13 =	vsel vm10, $0x3005, v13;
	v0 =	vsel vm9, $0x201, v0;
	v1 =	vsel vm9, $0x205, v1  }
0x23: {  	v2 =	vsel vm9, $0xA01, v2;
	v3 =	vsel vm9, $0xA05, v3;
	v4 =	vsel vm9, $0x1201, v4  }
0x24: {  	v5 =	vsel vm9, $0x1205, v5;
	v6 =	vsel vm9, $0x1A01, v6;
	v7 =	vsel vm9, $0x1A05, v7  }
0x25: {  	v8 =	vsel vm9, $0x2201, v8;
	v9 =	vsel vm9, $0x2205, v9;
	v10 =	vsel vm9, $0x2A01, v10  }
0x26: {  	v11 =	vsel vm9, $0x2A05, v11;
	v12 =	vsel vm9, $0x3201, v12;
	v13 =	vsel vm9, $0x3205, v13  }
0x27: {  	v0 =	vsel vm8, $0x401, v0;
	v1 =	vsel vm8, $0x405, v1;
	v2 =	vsel vm8, $0xC01, v2  }
0x28: {  	v3 =	vsel vm8, $0xC05, v3;
	v4 =	vsel vm8, $0x1401, v4;
	v5 =	vsel vm8, $0x1405, v5  }
0x29: {  	v6 =	vsel vm8, $0x1C01, v6;
	v7 =	vsel vm8, $0x1C05, v7;
	v8 =	vsel vm8, $0x2401, v8  }
0x2a: {  	v9 =	vsel vm8, $0x2405, v9;
	v10 =	vsel vm8, $0x2C01, v10;
	v11 =	vsel vm8, $0x2C05, v11  }
0x2b: {  	v12 =	vsel vm8, $0x3401, v12;
	v13 =	vsel vm8, $0x3405, v13;
	v0 =	vsel vm7, $0x601, v0  }
0x2c: {  	v1 =	vsel vm7, $0x605, v1;
	v2 =	vsel vm7, $0xE01, v2;
	v3 =	vsel vm7, $0xE05, v3  }
0x2d: {  	v4 =	vsel vm7, $0x1601, v4;
	v5 =	vsel vm7, $0x1605, v5;
	v6 =	vsel vm7, $0x1E01, v6  }
0x2e: {  	v7 =	vsel vm7, $0x1E05, v7;
	v8 =	vsel vm7, $0x2601, v8;
	v9 =	vsel vm7, $0x2605, v9  }
0x2f: {  	v10 =	vsel vm7, $0x2E01, v10;
	v11 =	vsel vm7, $0x2E05, v11;
	v12 =	vsel vm7, $0x3601, v12  }
0x30: {  	v13 =	vsel vm7, $0x3605, v13;
	v0 =	vsel vm6, $0x2, v0;
	v1 =	vsel vm6, $0x6, v1  }
0x31: {  	v2 =	vsel vm6, $0x802, v2;
	v3 =	vsel vm6, $0x806, v3;
	v4 =	vsel vm6, $0x1002, v4  }
0x32: {  	v5 =	vsel vm6, $0x1006, v5;
	v6 =	vsel vm6, $0x1802, v6;
	v7 =	vsel vm6, $0x1806, v7  }
0x33: {  	v8 =	vsel vm6, $0x2002, v8;
	v9 =	vsel vm6, $0x2006, v9;
	v10 =	vsel vm6, $0x2802, v10  }
0x34: {  	v11 =	vsel vm6, $0x2806, v11;
	v12 =	vsel vm6, $0x3002, v12;
	v13 =	vsel vm6, $0x3006, v13  }
0x35: {  	v0 =	vsel vm5, $0x202, v0;
	v1 =	vsel vm5, $0x206, v1;
	v2 =	vsel vm5, $0xA02, v2  }
0x36: {  	v3 =	vsel vm5, $0xA06, v3;
	v4 =	vsel vm5, $0x1202, v4;
	v5 =	vsel vm5, $0x1206, v5  }
0x37: {  	v6 =	vsel vm5, $0x1A02, v6;
	v7 =	vsel vm5, $0x1A06, v7;
	v8 =	vsel vm5, $0x2202, v8  }
0x38: {  	v9 =	vsel vm5, $0x2206, v9;
	v10 =	vsel vm5, $0x2A02, v10;
	v11 =	vsel vm5, $0x2A06, v11  }
0x39: {  	v12 =	vsel vm5, $0x3202, v12;
	v13 =	vsel vm5, $0x3206, v13;
	v0 =	vsel vm4, $0x402, v0  }
0x3a: {  	v1 =	vsel vm4, $0x406, v1;
	v2 =	vsel vm4, $0xC02, v2;
	v3 =	vsel vm4, $0xC06, v3  }
0x3b: {  	v4 =	vsel vm4, $0x1402, v4;
	v5 =	vsel vm4, $0x1406, v5;
	v6 =	vsel vm4, $0x1C02, v6  }
0x3c: {  	v7 =	vsel vm4, $0x1C06, v7;
	v8 =	vsel vm4, $0x2402, v8;
	v9 =	vsel vm4, $0x2406, v9  }
0x3d: {  	v10 =	vsel vm4, $0x2C02, v10;
	v11 =	vsel vm4, $0x2C06, v11;
	v12 =	vsel vm4, $0x3402, v12  }
0x3e: {  	v13 =	vsel vm4, $0x3406, v13;
	v0 =	vsel vm3, $0x602, v0;
	v1 =	vsel vm3, $0x606, v1  }
0x3f: {  	v2 =	vsel vm3, $0xE02, v2;
	v3 =	vsel vm3, $0xE06, v3;
	v4 =	vsel vm3, $0x1602, v4  }
0x40: {  	v5 =	vsel vm3, $0x1606, v5;
	v6 =	vsel vm3, $0x1E02, v6;
	v7 =	vsel vm3, $0x1E06, v7  }
0x41: {  	v8 =	vsel vm3, $0x2602, v8;
	v9 =	vsel vm3, $0x2606, v9;
	v10 =	vsel vm3, $0x2E02, v10  }
0x42: {  	v11 =	vsel vm3, $0x2E06, v11;
	v12 =	vsel vm3, $0x3602, v12;
	v13 =	vsel vm3, $0x3606, v13  }
0x43: {  	s4 =	rddreg [dreg:$0x0];
	v0 =	vsel vm2, $0x3, v0;
	v1 =	vsel vm2, $0x7, v1;
	v2 =	vsel vm2, $0x803, v2  }
0x44: {  	s5 =	rddreg [dreg:$0x1];
	v3 =	vsel vm2, $0x807, v3;
	v4 =	vsel vm2, $0x1003, v4;
	v5 =	vsel vm2, $0x1007, v5  }
0x45: {  	s0 =	rddreg [dreg:$0x2];
	s1 =	simm.s32 $0x0;
	v6 =	vsel vm2, $0x1803, v6;
	v7 =	vsel vm2, $0x1807, v7;
	v8 =	vsel vm2, $0x2003, v8  }
0x46: {  	s2 =	stileid.u32;
	s3 =	srdreg.scid;
	s11 =	simm.s32 $0x7000;
	v9 =	vsel vm2, $0x2007, v9;
	v10 =	vsel vm2, $0x2803, v10;
	v11 =	vsel vm2, $0x2807, v11  }
0x47: {  	s12 =	simm.s32 $0x8000;
	s13 =	simm.s32 $0x9000;
	s14 =	simm.s32 $0xA000;
	v12 =	vsel vm2, $0x3003, v12;
	v13 =	vsel vm2, $0x3007, v13;
	v0 =	vsel vm1, $0x203, v0  }
0x48: {  	s15 =	simm.s32 $0xB000;
	s16 =	simm.s32 $0xC000;
	s17 =	simm.s32 $0xD000;
	v1 =	vsel vm1, $0x207, v1;
	v2 =	vsel vm1, $0xA03, v2;
	v3 =	vsel vm1, $0xA07, v3  }
0x49: {  	s18 =	simm.s32 $0xE000;
	s19 =	simm.s32 $0x1;
	s20 =	simm.s32 $0x0;
	v4 =	vsel vm1, $0x1203, v4;
	v5 =	vsel vm1, $0x1207, v5;
	v6 =	vsel vm1, $0x1A03, v6  }
0x4a: {  	[smem:$0x7FF] =	sst s1;
	s6 =	smul.u32 $0x1C000, s2;
	s7 =	sand.u32 $0x1, s3;
	v7 =	vsel vm1, $0x1A07, v7;
	v8 =	vsel vm1, $0x2203, v8;
	v9 =	vsel vm1, $0x2207, v9  }
0x4b: {  	s3 =	sadd.s32 $0x1600, s4;
	s9 =	sshll.u32 s2, $0x7;
	_ =	strace $0x80000047;
	v10 =	vsel vm1, $0x2A03, v10;
	v11 =	vsel vm1, $0x2A07, v11;
	v12 =	vsel vm1, $0x3203, v12  }
0x4c: {  	s31 =	smul.u32 $0xE000, s7;
	s8 =	ssub.s32 $0x2, s7;
	s7 =	sshll.u32 s7, $0x6;
	v13 =	vsel vm1, $0x3207, v13;
	v0 =	vsel vm0, $0x403, v0;
	v1 =	vsel vm0, $0x407, v1  }
0x4d: {  	s4 =	sadd.s32 s6, s4;
	s10 =	sshrl.u32 s8, $0x1;
	s7 =	sor.u32 s7, s9;
	v2 =	vsel vm0, $0xC03, v2;
	v3 =	vsel vm0, $0xC07, v3;
	v4 =	vsel vm0, $0x1403, v4  }
0x4e: {  	s9 =	simm.s32 $0x2;
	s6 =	sadd.s32 s31, s4;
	s8 =	ssub.s32 s8, s10;
	v5 =	vsel vm0, $0x1407, v5;
	v6 =	vsel vm0, $0x1C03, v6;
	v7 =	vsel vm0, $0x1C07, v7  }
0x4f: {  	s4 =	sadd.s32 s5, s7;
	s7 =	simm.s32 $0x200;
	s10 =	simm.s32 $0x80;
	v8 =	vsel vm0, $0x2403, v8;
	v9 =	vsel vm0, $0x2407, v9;
	v10 =	vsel vm0, $0x2C03, v10  }
0x50: {  	s5 =	sadd.s32 $0x9F5600, s6;
	s6 =	smax.u32 s8, $0x1;
	s8 =	simm.s32 $0x4000;
	v11 =	vsel vm0, $0x2C07, v11;
	v12 =	vsel vm0, $0x3403, v12;
	v13 =	vsel vm0, $0x3407, v13  }
.LBB2_1:
0x51: {  	v14 =	vor.u32 s1, v0  }
0x52: {  	[tilespmem:s1], [sflag:$0x2] =	stream.strided.gather [hbm4b:s4+s7], $0x3800, s8, s7, $0x38;
	[tilespmem:$0xF000] =	vst v63  }
0x53: {  	_ =	swait.ge [sflag:s9], $0x3800  }
0x54: {  	[sflag:s9] =	ssyncset.done $0x0  }
0x55: {  	[sflag:s9] =	ssyncadd.s32 $0xFFFFC800  }
0x56: {  	v14 =	vld.idx.msk [tilespmem:v14+s1+$0x0], $0xffff  }
0x57: {  	v15 =	vor.u32 s1, v1;
	_ =	sdelay $0x2  }
0x58: {  	s22 =	simm.s32 $0x3870  }
0x59: {  	[tilespmem:s22+$0xFFFFFF90] =	vst v14  }
0x5a: {  	v14 =	vld.idx.msk [tilespmem:v15+s1+$0x0], $0xffff  }
0x5b: {  	v15 =	vor.u32 s1, v2;
	_ =	sdelay $0x3  }
0x5c: {  	[tilespmem:s22+$0xFFFFFFA0] =	vst v14  }
0x5d: {  	v14 =	vld.idx.msk [tilespmem:v15+s1+$0x0], $0xffff  }
0x5e: {  	v15 =	vor.u32 s1, v3;
	_ =	sdelay $0x3  }
0x5f: {  	[tilespmem:s22+$0xFFFFFFB0] =	vst v14  }
0x60: {  	v14 =	vld.idx.msk [tilespmem:v15+s1+$0x0], $0xffff  }
0x61: {  	v15 =	vor.u32 s1, v4;
	_ =	sdelay $0x3  }
0x62: {  	[tilespmem:s22+$0xFFFFFFC0] =	vst v14  }
0x63: {  	v14 =	vld.idx.msk [tilespmem:v15+s1+$0x0], $0xffff  }
0x64: {  	v15 =	vor.u32 s1, v5;
	_ =	sdelay $0x3  }
0x65: {  	[tilespmem:s22+$0xFFFFFFD0] =	vst v14  }
0x66: {  	v14 =	vld.idx.msk [tilespmem:v15+s1+$0x0], $0xffff  }
0x67: {  	v15 =	vor.u32 s1, v6;
	_ =	sdelay $0x3  }
0x68: {  	[tilespmem:s22+$0xFFFFFFE0] =	vst v14  }
0x69: {  	v14 =	vld.idx.msk [tilespmem:v15+s1+$0x0], $0xffff  }
0x6a: {  	v15 =	vor.u32 s1, v7;
	_ =	sdelay $0x3  }
0x6b: {  	[tilespmem:s22+$0xFFFFFFF0] =	vst v14  }
0x6c: {  	v14 =	vld.idx.msk [tilespmem:v15+s1+$0x0], $0xffff  }
0x6d: {  	v15 =	vor.u32 s1, v8;
	_ =	sdelay $0x3  }
0x6e: {  	[tilespmem:s22+$0x0] =	vst v14  }
0x6f: {  	v14 =	vld.idx.msk [tilespmem:v15+s1+$0x0], $0xffff  }
0x70: {  	v15 =	vor.u32 s1, v9;
	_ =	sdelay $0x3  }
0x71: {  	[tilespmem:s22+$0x10] =	vst v14  }
0x72: {  	v14 =	vld.idx.msk [tilespmem:v15+s1+$0x0], $0xffff  }
0x73: {  	v15 =	vor.u32 s1, v10;
	_ =	sdelay $0x3  }
0x74: {  	[tilespmem:s22+$0x20] =	vst v14  }
0x75: {  	v14 =	vld.idx.msk [tilespmem:v15+s1+$0x0], $0xffff  }
0x76: {  	v15 =	vor.u32 s1, v11;
	_ =	sdelay $0x3  }
0x77: {  	[tilespmem:s22+$0x30] =	vst v14  }
0x78: {  	v14 =	vld.idx.msk [tilespmem:v15+s1+$0x0], $0xffff  }
0x79: {  	v15 =	vor.u32 s1, v12;
	_ =	sdelay $0x3  }
0x7a: {  	[tilespmem:s22+$0x40] =	vst v14  }
0x7b: {  	v14 =	vld.idx.msk [tilespmem:v15+s1+$0x0], $0xffff  }
0x7c: {  	v15 =	vor.u32 s1, v13;
	_ =	sdelay $0x3  }
0x7d: {  	[tilespmem:s22+$0x50] =	vst v14  }
0x7e: {  	s23 =	simm.s32 $0x8;
	v14 =	vld.idx.msk [tilespmem:v15+s1+$0x0], $0xffff  }
0x7f: {  	s24 =	simm.s32 $0x10;
	v15 =	vor.u32 s23, v0  }
.LBB2_2:
0x80: {  	p0 =	sne.s32 s24, $0x1F8;
	_ =	sdelay $0x2  }
0x81: {  	s21 =	simm.s32 $0x0;
	[tilespmem:s22+$0x60] =	vst v14  }
0x82: {  	v14 =	vld.idx.msk [tilespmem:v15+s21+$0x0], $0xffff;
	_ =	sdelay $0x1  }
0x83: {  	v15 =	vor.u32 s23, v1;
	_ =	sdelay $0x2  }
0x84: {  	s22 =	sadd.s32 $0xE0, s22  }
0x85: {  	[tilespmem:s22+$0xFFFFFF90] =	vst v14  }
0x86: {  	v14 =	vld.idx.msk [tilespmem:v15+s21+$0x0], $0xffff;
	_ =	sdelay $0x1  }
0x87: {  	v15 =	vor.u32 s23, v2;
	_ =	sdelay $0x3  }
0x88: {  	[tilespmem:s22+$0xFFFFFFA0] =	vst v14  }
0x89: {  	v14 =	vld.idx.msk [tilespmem:v15+s21+$0x0], $0xffff;
	_ =	sdelay $0x1  }
0x8a: {  	v15 =	vor.u32 s23, v3;
	_ =	sdelay $0x3  }
0x8b: {  	[tilespmem:s22+$0xFFFFFFB0] =	vst v14  }
0x8c: {  	v14 =	vld.idx.msk [tilespmem:v15+s21+$0x0], $0xffff;
	_ =	sdelay $0x1  }
0x8d: {  	v15 =	vor.u32 s23, v4;
	_ =	sdelay $0x3  }
0x8e: {  	[tilespmem:s22+$0xFFFFFFC0] =	vst v14  }
0x8f: {  	v14 =	vld.idx.msk [tilespmem:v15+s21+$0x0], $0xffff;
	_ =	sdelay $0x1  }
0x90: {  	v15 =	vor.u32 s23, v5;
	_ =	sdelay $0x3  }
0x91: {  	[tilespmem:s22+$0xFFFFFFD0] =	vst v14  }
0x92: {  	v14 =	vld.idx.msk [tilespmem:v15+s21+$0x0], $0xffff;
	_ =	sdelay $0x1  }
0x93: {  	v15 =	vor.u32 s23, v6;
	_ =	sdelay $0x3  }
0x94: {  	[tilespmem:s22+$0xFFFFFFE0] =	vst v14  }
0x95: {  	v14 =	vld.idx.msk [tilespmem:v15+s21+$0x0], $0xffff;
	_ =	sdelay $0x1  }
0x96: {  	v15 =	vor.u32 s23, v7;
	_ =	sdelay $0x3  }
0x97: {  	[tilespmem:s22+$0xFFFFFFF0] =	vst v14  }
0x98: {  	v14 =	vld.idx.msk [tilespmem:v15+s21+$0x0], $0xffff;
	_ =	sdelay $0x1  }
0x99: {  	v15 =	vor.u32 s23, v8;
	_ =	sdelay $0x3  }
0x9a: {  	[tilespmem:s22+$0x0] =	vst v14  }
0x9b: {  	v14 =	vld.idx.msk [tilespmem:v15+s21+$0x0], $0xffff;
	_ =	sdelay $0x1  }
0x9c: {  	v15 =	vor.u32 s23, v9;
	_ =	sdelay $0x3  }
0x9d: {  	[tilespmem:s22+$0x10] =	vst v14  }
0x9e: {  	v14 =	vld.idx.msk [tilespmem:v15+s21+$0x0], $0xffff;
	_ =	sdelay $0x1  }
0x9f: {  	v15 =	vor.u32 s23, v10;
	_ =	sdelay $0x3  }
0xa0: {  	[tilespmem:s22+$0x20] =	vst v14  }
0xa1: {  	v14 =	vld.idx.msk [tilespmem:v15+s21+$0x0], $0xffff;
	_ =	sdelay $0x1  }
0xa2: {  	v15 =	vor.u32 s23, v11;
	_ =	sdelay $0x3  }
0xa3: {  	[tilespmem:s22+$0x30] =	vst v14  }
0xa4: {  	v14 =	vld.idx.msk [tilespmem:v15+s21+$0x0], $0xffff;
	_ =	sdelay $0x1  }
0xa5: {  	v15 =	vor.u32 s23, v12;
	_ =	sdelay $0x3  }
0xa6: {  	[tilespmem:s22+$0x40] =	vst v14  }
0xa7: {  	v14 =	vld.idx.msk [tilespmem:v15+s21+$0x0], $0xffff;
	_ =	sdelay $0x1  }
0xa8: {  	v15 =	vor.u32 s23, v13;
	s23 =	smov.u32 s24;
	_ =	sdelay $0x2  }
.Ltmp0:
0xa9: {  	(pc) =	sbr.rel @p0 .LBB2_2-.Ltmp0, $3  }
0xaa: {  	[tilespmem:s22+$0x50] =	vst v14  }
0xab: {  	v14 =	vld.idx.msk [tilespmem:v15+s21+$0x0], $0xffff;
	_ =	sdelay $0x1  }
0xac: {  	s24 =	sadd.s32 $0x8, s24;
	v15 =	vor.u32 s23, v0  }
0xad: {  	_ =	sdelay $0x2  }
0xae: {  	[tilespmem:s22+$0x60] =	vst v14  }
0xaf: {  	v14 =	vld.idx.msk [tilespmem:v15+s21+$0x0], $0xffff  }
0xb0: {  	v15 =	vor.u32 s23, v1;
	_ =	sdelay $0x2  }
0xb1: {  	s31 =	sadd.s32 $0xE0, s22  }
0xb2: {  	[tilespmem:s31+$0xFFFFFF90] =	vst v14  }
0xb3: {  	v14 =	vld.idx.msk [tilespmem:v15+s21+$0x0], $0xffff  }
0xb4: {  	v15 =	vor.u32 s23, v2;
	_ =	sdelay $0x3  }
0xb5: {  	[tilespmem:s31+$0xFFFFFFA0] =	vst v14  }
0xb6: {  	v14 =	vld.idx.msk [tilespmem:v15+s21+$0x0], $0xffff  }
0xb7: {  	v15 =	vor.u32 s23, v3;
	_ =	sdelay $0x3  }
0xb8: {  	[tilespmem:s31+$0xFFFFFFB0] =	vst v14  }
0xb9: {  	v14 =	vld.idx.msk [tilespmem:v15+s21+$0x0], $0xffff  }
0xba: {  	v15 =	vor.u32 s23, v4;
	_ =	sdelay $0x3  }
0xbb: {  	[tilespmem:s31+$0xFFFFFFC0] =	vst v14  }
0xbc: {  	v14 =	vld.idx.msk [tilespmem:v15+s21+$0x0], $0xffff  }
0xbd: {  	v15 =	vor.u32 s23, v5;
	_ =	sdelay $0x3  }
0xbe: {  	[tilespmem:s31+$0xFFFFFFD0] =	vst v14  }
0xbf: {  	v14 =	vld.idx.msk [tilespmem:v15+s21+$0x0], $0xffff  }
0xc0: {  	v15 =	vor.u32 s23, v6;
	_ =	sdelay $0x3  }
0xc1: {  	[tilespmem:s31+$0xFFFFFFE0] =	vst v14  }
0xc2: {  	v14 =	vld.idx.msk [tilespmem:v15+s21+$0x0], $0xffff  }
0xc3: {  	v15 =	vor.u32 s23, v7;
	_ =	sdelay $0x3  }
0xc4: {  	[tilespmem:s31+$0xFFFFFFF0] =	vst v14  }
0xc5: {  	v14 =	vld.idx.msk [tilespmem:v15+s21+$0x0], $0xffff  }
0xc6: {  	v15 =	vor.u32 s23, v8;
	_ =	sdelay $0x3  }
0xc7: {  	[tilespmem:s31+$0x0] =	vst v14  }
0xc8: {  	v14 =	vld.idx.msk [tilespmem:v15+s21+$0x0], $0xffff  }
0xc9: {  	v15 =	vor.u32 s23, v9;
	_ =	sdelay $0x3  }
0xca: {  	[tilespmem:s31+$0x10] =	vst v14  }
0xcb: {  	v14 =	vld.idx.msk [tilespmem:v15+s21+$0x0], $0xffff  }
0xcc: {  	v15 =	vor.u32 s23, v10;
	_ =	sdelay $0x3  }
0xcd: {  	[tilespmem:s31+$0x20] =	vst v14  }
0xce: {  	v14 =	vld.idx.msk [tilespmem:v15+s21+$0x0], $0xffff  }
0xcf: {  	v15 =	vor.u32 s23, v11;
	_ =	sdelay $0x3  }
0xd0: {  	[tilespmem:s31+$0x30] =	vst v14  }
0xd1: {  	v14 =	vld.idx.msk [tilespmem:v15+s21+$0x0], $0xffff  }
0xd2: {  	v15 =	vor.u32 s23, v12;
	_ =	sdelay $0x3  }
0xd3: {  	[tilespmem:s31+$0x40] =	vst v14  }
0xd4: {  	v14 =	vld.idx.msk [tilespmem:v15+s21+$0x0], $0xffff  }
0xd5: {  	v15 =	vor.u32 s23, v13;
	_ =	sdelay $0x3  }
0xd6: {  	[tilespmem:s31+$0x50] =	vst v14  }
0xd7: {  	p1 =	por $0x1, $0x1;
	v14 =	vld.idx.msk [tilespmem:v15+s21+$0x0], $0xffff  }
.Ltmp1:
0xd8: {  	_ = 	snop;
	(pc) =	sbr.rel @!p1 .LBB2_8-.Ltmp1, $2  }
0xd9: {  	_ =	sdelay $0x2  }
0xda: {  	s24 =	simm.s32 $0x0;
	p0 =	por $0x0, $0x0;
	s22 =	simm.s32 $0x1000;
	[tilespmem:s31+$0x60] =	vst v14  }
0xdb: {  	s21 =	simm.s32 $0x3800  }
0xdc: {  	[tilespmem:s11], [sflag:$0x1] =	stream.indirect.gather [hbm4b:s3+s10], $0x20, s21, s10, $0xb8;
	[tilespmem:$0xF000] =	vst v63  }
0xdd: {  	s23 =	simm.s32 $0x3880  }
0xde: {  	[tilespmem:s12], [sflag:$0x1] =	stream.indirect.gather [hbm4b:s3+s10], $0x20, s23, s10, $0xb8;
	[tilespmem:$0xF000] =	vst v63  }
0xdf: {  	s24 =	simm.s32 $0x3900  }
0xe0: {  	[tilespmem:s13], [sflag:$0x1] =	stream.indirect.gather [hbm4b:s3+s10], $0x20, s24, s10, $0xb8;
	[tilespmem:$0xF000] =	vst v63  }
0xe1: {  	s25 =	simm.s32 $0x3980  }
0xe2: {  	[tilespmem:s14], [sflag:$0x1] =	stream.indirect.gather [hbm4b:s3+s10], $0x20, s25, s10, $0xb8;
	[tilespmem:$0xF000] =	vst v63  }
0xe3: {  	s26 =	simm.s32 $0x3A00  }
0xe4: {  	[tilespmem:s15], [sflag:$0x1] =	stream.indirect.gather [hbm4b:s3+s10], $0x20, s26, s10, $0xb8;
	[tilespmem:$0xF000] =	vst v63  }
0xe5: {  	s28 =	simm.s32 $0x3A80  }
0xe6: {  	[tilespmem:s16], [sflag:$0x1] =	stream.indirect.gather [hbm4b:s3+s10], $0x20, s28, s10, $0xb8;
	[tilespmem:$0xF000] =	vst v63  }
0xe7: {  	s29 =	simm.s32 $0x3B00  }
0xe8: {  	[tilespmem:s17], [sflag:$0x1] =	stream.indirect.gather [hbm4b:s3+s10], $0x20, s29, s10, $0xb8;
	[tilespmem:$0xF000] =	vst v63  }
0xe9: {  	s30 =	simm.s32 $0x3B80  }
0xea: {  	[tilespmem:s18], [sflag:$0x1] =	stream.indirect.gather [hbm4b:s3+s10], $0x20, s30, s10, $0xb8;
	[tilespmem:$0xF000] =	vst v63  }
0xeb: {  	_ =	swait.ge [sflag:s19], $0x1000  }
0xec: {  	[sflag:s19] =	ssyncset.done $0x0  }
0xed: {  	[sflag:s19] =	ssyncadd.s32 $0xFFFFF000  }
0xee: {  	_ =	swait.ge [sflag:s19], $0x1000  }
0xef: {  	[sflag:s19] =	ssyncset.done $0x0  }
0xf0: {  	[sflag:s19] =	ssyncadd.s32 $0xFFFFF000  }
0xf1: {  	_ =	swait.ge [sflag:s19], $0x1000  }
0xf2: {  	[sflag:s19] =	ssyncset.done $0x0  }
0xf3: {  	[sflag:s19] =	ssyncadd.s32 $0xFFFFF000  }
0xf4: {  	_ =	swait.ge [sflag:s19], $0x1000  }
0xf5: {  	[sflag:s19] =	ssyncset.done $0x0  }
0xf6: {  	[sflag:s19] =	ssyncadd.s32 $0xFFFFF000  }
0xf7: {  	_ =	swait.ge [sflag:s19], $0x1000  }
0xf8: {  	[sflag:s19] =	ssyncset.done $0x0  }
0xf9: {  	[sflag:s19] =	ssyncadd.s32 $0xFFFFF000  }
0xfa: {  	_ =	swait.ge [sflag:s19], $0x1000  }
0xfb: {  	[sflag:s19] =	ssyncset.done $0x0  }
0xfc: {  	[sflag:s19] =	ssyncadd.s32 $0xFFFFF000  }
0xfd: {  	_ =	swait.ge [sflag:s19], $0x1000  }
0xfe: {  	[sflag:s19] =	ssyncset.done $0x0  }
0xff: {  	[sflag:s19] =	ssyncadd.s32 $0xFFFFF000  }
0x100: {  	p1 =	por $0x1, $0x1;
	_ =	swait.ge [sflag:s19], $0x1000  }
.Ltmp2:
0x101: {  	[sflag:s19] =	ssyncset.done $0x0;
	(pc) =	sbr.rel @!p1 .LBB2_5-.Ltmp2, $4  }
0x102: {  	s31 =	sadd.s32 $0x0, s5;
	[sflag:s19] =	ssyncadd.s32 $0xFFFFF000  }
0x103: {  	[hbm4b:s31+s1] =	stream.linear.scatter [tilespmem:s11], [sflag:$0x2], $0x8000, $0x38;
	[tilespmem:$0xF000] =	vst v63  }
0x104: {  	p0 =	por $0x1, $0x1;
	_ =	swait.ge [sflag:s9], $0x8000  }
0x105: {  	s24 =	simm.s32 $0x400;
	s25 =	simm.s32 $0x2000;
	[sflag:s9] =	ssyncset.done $0x0  }
.LBB2_6:
0x106: {  	s26 =	sadd.s32 $0x3800, s24  }
0x107: {  	[sflag:s9] =	ssyncadd.s32 $0xFFFF8000;
	s23 =	smov.u32 s25;
	s21 =	sadd.s32 $0x1000, s25  }
0x108: {  	[tilespmem:s11], [sflag:$0x1] =	stream.indirect.gather [hbm4b:s3+s10], $0x20, s26, s10, $0xb8;
	[tilespmem:$0xF000] =	vst v63  }
0x109: {  	p1 =	sne.s32 s25, $0xD000;
	s25 =	sadd.s32 $0x3880, s24  }
0x10a: {  	[tilespmem:s12], [sflag:$0x1] =	stream.indirect.gather [hbm4b:s3+s10], $0x20, s25, s10, $0xb8;
	[tilespmem:$0xF000] =	vst v63  }
0x10b: {  	s25 =	sadd.s32 $0x3900, s24  }
0x10c: {  	[tilespmem:s13], [sflag:$0x1] =	stream.indirect.gather [hbm4b:s3+s10], $0x20, s25, s10, $0xb8;
	[tilespmem:$0xF000] =	vst v63  }
0x10d: {  	s25 =	sadd.s32 $0x3980, s24  }
0x10e: {  	[tilespmem:s14], [sflag:$0x1] =	stream.indirect.gather [hbm4b:s3+s10], $0x20, s25, s10, $0xb8;
	[tilespmem:$0xF000] =	vst v63  }
0x10f: {  	s25 =	sadd.s32 $0x3A00, s24  }
0x110: {  	[tilespmem:s15], [sflag:$0x1] =	stream.indirect.gather [hbm4b:s3+s10], $0x20, s25, s10, $0xb8;
	[tilespmem:$0xF000] =	vst v63  }
0x111: {  	s25 =	sadd.s32 $0x3A80, s24  }
0x112: {  	[tilespmem:s16], [sflag:$0x1] =	stream.indirect.gather [hbm4b:s3+s10], $0x20, s25, s10, $0xb8;
	[tilespmem:$0xF000] =	vst v63  }
0x113: {  	s25 =	sadd.s32 $0x3B00, s24  }
0x114: {  	[tilespmem:s17], [sflag:$0x1] =	stream.indirect.gather [hbm4b:s3+s10], $0x20, s25, s10, $0xb8;
	[tilespmem:$0xF000] =	vst v63  }
0x115: {  	s24 =	sadd.s32 $0x3B80, s24  }
0x116: {  	[tilespmem:s18], [sflag:$0x1] =	stream.indirect.gather [hbm4b:s3+s10], $0x20, s24, s10, $0xb8;
	[tilespmem:$0xF000] =	vst v63  }
0x117: {  	_ =	swait.ge [sflag:s19], $0x1000  }
0x118: {  	[sflag:s19] =	ssyncset.done $0x0  }
0x119: {  	[sflag:s19] =	ssyncadd.s32 $0xFFFFF000  }
0x11a: {  	_ =	swait.ge [sflag:s19], $0x1000  }
0x11b: {  	[sflag:s19] =	ssyncset.done $0x0  }
0x11c: {  	[sflag:s19] =	ssyncadd.s32 $0xFFFFF000  }
0x11d: {  	_ =	swait.ge [sflag:s19], $0x1000  }
0x11e: {  	[sflag:s19] =	ssyncset.done $0x0  }
0x11f: {  	[sflag:s19] =	ssyncadd.s32 $0xFFFFF000  }
0x120: {  	_ =	swait.ge [sflag:s19], $0x1000  }
0x121: {  	[sflag:s19] =	ssyncset.done $0x0  }
0x122: {  	[sflag:s19] =	ssyncadd.s32 $0xFFFFF000  }
0x123: {  	_ =	swait.ge [sflag:s19], $0x1000  }
0x124: {  	[sflag:s19] =	ssyncset.done $0x0  }
0x125: {  	[sflag:s19] =	ssyncadd.s32 $0xFFFFF000  }
0x126: {  	_ =	swait.ge [sflag:s19], $0x1000  }
0x127: {  	[sflag:s19] =	ssyncset.done $0x0  }
0x128: {  	[sflag:s19] =	ssyncadd.s32 $0xFFFFF000  }
0x129: {  	_ =	swait.ge [sflag:s19], $0x1000  }
0x12a: {  	[sflag:s19] =	ssyncset.done $0x0  }
0x12b: {  	[sflag:s19] =	ssyncadd.s32 $0xFFFFF000  }
0x12c: {  	_ =	swait.ge [sflag:s19], $0x1000  }
.Ltmp3:
0x12d: {  	[sflag:s19] =	ssyncset.done $0x0;
	(pc) =	sbr.rel @p1 .LBB2_6-.Ltmp3, $4  }
0x12e: {  	s24 =	sadd.s32 s22, s5;
	s22 =	smov.u32 s23;
	[sflag:s19] =	ssyncadd.s32 $0xFFFFF000  }
0x12f: {  	[hbm4b:s24+s1] =	stream.linear.scatter [tilespmem:s11], [sflag:$0x2], $0x8000, $0x38;
	[tilespmem:$0xF000] =	vst v63  }
0x130: {  	_ =	swait.ge [sflag:s9], $0x8000  }
0x131: {  	s25 =	smov.u32 s21;
	s24 =	sshra.s32 s22, $0x2;
	[sflag:s9] =	ssyncset.done $0x0  }
0x132: {  	s21 =	smov.u32 s22  }
.LBB2_8:
0x133: {  	s22 =	sadd.s32 $0x3800, s24;
	[sflag:s9] =	ssyncadd.s32 @p0 $0xFFFF8000  }
0x134: {  	[tilespmem:s11], [sflag:$0x1] =	stream.indirect.gather [hbm4b:s3+s10], $0x20, s22, s10, $0xb8;
	[tilespmem:$0xF000] =	vst v63  }
0x135: {  	s23 =	sadd.s32 $0x3880, s24  }
0x136: {  	[tilespmem:s12], [sflag:$0x1] =	stream.indirect.gather [hbm4b:s3+s10], $0x20, s23, s10, $0xb8;
	[tilespmem:$0xF000] =	vst v63  }
0x137: {  	s25 =	sadd.s32 $0x3900, s24  }
0x138: {  	[tilespmem:s13], [sflag:$0x1] =	stream.indirect.gather [hbm4b:s3+s10], $0x20, s25, s10, $0xb8;
	[tilespmem:$0xF000] =	vst v63  }
0x139: {  	s26 =	sadd.s32 $0x3980, s24  }
0x13a: {  	[tilespmem:s14], [sflag:$0x1] =	stream.indirect.gather [hbm4b:s3+s10], $0x20, s26, s10, $0xb8;
	[tilespmem:$0xF000] =	vst v63  }
0x13b: {  	s28 =	sadd.s32 $0x3A00, s24  }
0x13c: {  	[tilespmem:s15], [sflag:$0x1] =	stream.indirect.gather [hbm4b:s3+s10], $0x20, s28, s10, $0xb8;
	[tilespmem:$0xF000] =	vst v63  }
0x13d: {  	s29 =	sadd.s32 $0x3A80, s24  }
0x13e: {  	[tilespmem:s16], [sflag:$0x1] =	stream.indirect.gather [hbm4b:s3+s10], $0x20, s29, s10, $0xb8;
	[tilespmem:$0xF000] =	vst v63  }
0x13f: {  	s30 =	sadd.s32 $0x3B00, s24  }
0x140: {  	[tilespmem:s17], [sflag:$0x1] =	stream.indirect.gather [hbm4b:s3+s10], $0x20, s30, s10, $0xb8;
	[tilespmem:$0xF000] =	vst v63  }
0x141: {  	s31 =	sadd.s32 $0x3B80, s24  }
0x142: {  	[tilespmem:s18], [sflag:$0x1] =	stream.indirect.gather [hbm4b:s3+s10], $0x20, s31, s10, $0xb8;
	[tilespmem:$0xF000] =	vst v63  }
0x143: {  	_ =	swait.ge [sflag:s19], $0x1000  }
0x144: {  	[sflag:s19] =	ssyncset.done $0x0  }
0x145: {  	[sflag:s19] =	ssyncadd.s32 $0xFFFFF000  }
0x146: {  	_ =	swait.ge [sflag:s19], $0x1000  }
0x147: {  	[sflag:s19] =	ssyncset.done $0x0  }
0x148: {  	[sflag:s19] =	ssyncadd.s32 $0xFFFFF000  }
0x149: {  	_ =	swait.ge [sflag:s19], $0x1000  }
0x14a: {  	[sflag:s19] =	ssyncset.done $0x0  }
0x14b: {  	[sflag:s19] =	ssyncadd.s32 $0xFFFFF000  }
0x14c: {  	_ =	swait.ge [sflag:s19], $0x1000  }
0x14d: {  	[sflag:s19] =	ssyncset.done $0x0  }
0x14e: {  	[sflag:s19] =	ssyncadd.s32 $0xFFFFF000  }
0x14f: {  	_ =	swait.ge [sflag:s19], $0x1000  }
0x150: {  	[sflag:s19] =	ssyncset.done $0x0  }
0x151: {  	[sflag:s19] =	ssyncadd.s32 $0xFFFFF000  }
0x152: {  	_ =	swait.ge [sflag:s19], $0x1000  }
0x153: {  	[sflag:s19] =	ssyncset.done $0x0  }
0x154: {  	[sflag:s19] =	ssyncadd.s32 $0xFFFFF000  }
0x155: {  	_ =	swait.ge [sflag:s19], $0x1000  }
0x156: {  	[sflag:s19] =	ssyncset.done $0x0  }
0x157: {  	[sflag:s19] =	ssyncadd.s32 $0xFFFFF000  }
0x158: {  	_ =	swait.ge [sflag:s19], $0x1000  }
0x159: {  	s20 =	sadd.s32 $0x1, s20;
	[sflag:s19] =	ssyncset.done $0x0  }
0x15a: {  	s21 =	sadd.s32 s21, s5;
	p0 =	sne.s32 s20, s6;
	[sflag:s19] =	ssyncadd.s32 $0xFFFFF000  }
0x15b: {  	[hbm4b:s21+s1] =	stream.linear.scatter [tilespmem:s11], [sflag:$0x2], $0x8000, $0x38;
	[tilespmem:$0xF000] =	vst v63  }
.Ltmp4:
0x15c: {  	_ = 	snop;
	(pc) =	sbr.rel @p0 .LBB2_1-.Ltmp4, $4  }
.Ltmp5:
0x15d: {  	_ = 	snop;
	(pc) =	sbr.rel @!p0 .LBB2_9-.Ltmp5, $4  }
0x15e: {  	_ =	swait.ge [sflag:s9], $0x8000  }
0x15f: {  	[sflag:s9] =	ssyncset.done $0x0  }
0x160: {  	[sflag:s9] =	ssyncadd.s32 $0xFFFF8000  }
0x161: {  	_ = 	snop  }
.LBB2_5:
.Ltmp6:
0x162: {  	(pc) =	sbr.rel .LBB2_8-.Ltmp6, $2  }
0x163: {  	_ =	sdelay $0x2  }
0x164: {  	s21 =	simm.s32 $0x1000  }
.LBB2_9:
0x165: {  	_ =	sfence.sel $0x180000  }
0x166: {  	[bflag:$0x0] =	sbarrier.arrive $0xFFFF  }
0x167: {  	p0 =	sne.s32 s2, $0x0;
	_ =	strace $0x90000047  }
0x168: {  	s0 =	sadd.s32 @!p0 $0x100000, s0;
	[bflag:$0x2] =	sbarrier.arrive $0xFFFF  }
0x169: {  	[sflag:s0] =	ssyncadd.tile.s32 @!p0 $0x1;
	_ =	shalt  }
.Lfunc_end2:
_tile_overlayer_lowered:
.L_overlay_start_2:
0x16a: {  	(tag) =	ssettag $0x2  }
0x16b: {  	s0 =	rddreg [dreg:$0x0];
	s2 =	stileid.u32  }
0x16c: {  	s1 =	rddreg [dreg:$0x1];
	p0 =	sne.s32 s2, $0x0  }
0x16d: {  	s3 =	rddreg [dreg:$0x2];
	[bflag:$0x3] =	sbarrier.arrive $0xFFFF;
	s2 =	simm.s32 @!p0 $0x1C02  }
0x16e: {  	[timem:s3], [sflag:s2] =	dma.local @!p0 [hbm:s0], s1  }
0x16f: {  	s0 =	simm.s32 @!p0 $0x2  }
0x170: {  	_ =	swait.ge @!p0 [sflag:s0], s1  }
0x171: {  	s1 =	ssub.s32 @!p0 $0x0, s1;
	[sflag:s0] =	ssyncset.done @!p0 $0x0  }
0x172: {  	[sflag:s0] =	ssyncadd.s32 @!p0 s1  }
0x173: {  	[bflag:$0x3] =	sbarrier.arrive $0xFFFF  }
0x174: {  	_ =	shalt  }

</sc_bundles>
